<compile_context>
chip_gen: v7x
topology: tpu7x:2x2x1
jax: 0.10.2.dev20260603
libtpu: 0.0.44.dev20260713+nightly
codegen_flags: <defaults>
</compile_context>

<pallas_src>
import functools

import jax
import jax.numpy as jnp
import numpy as np
from jax import lax
from jax.experimental import pallas as pl
from jax.experimental.pallas import tpu as pltpu
from jax.experimental.pallas import tpu_sc as plsc

B = 128
T = 32768
NW = 32
ROWS_PER_W = B // NW
NSTEP = T // 16
INT_MIN = np.int32(-2147483648)
M31 = np.int32(0x7FFFFFFF)


def _splat(v):
    return jnp.broadcast_to(v, (16,))


def _pick(vec, lane_splat):
    dnums = lax.GatherDimensionNumbers(
        offset_dims=(), collapsed_slice_dims=(0,), start_index_map=(0,))
    return lax.gather(vec, lane_splat[:, None], dnums, (1,),
                      mode=lax.GatherScatterMode.PROMISE_IN_BOUNDS)


def _topk_mean_kernel(x_hbm, sl_hbm, out_hbm, vals_v, keys_v, hist_v,
                      tot_v, sl_v, res_v, sem):
    wid = lax.axis_index("s") * 2 + lax.axis_index("c")
    pltpu.sync_copy(sl_hbm, sl_v)

    lane = lax.iota(jnp.int32, 16)
    ones = jnp.ones((16,), jnp.int32)
    zf = jnp.zeros((16,), jnp.float32)
    zi = jnp.zeros((16,), jnp.int32)
    fifteen = _splat(np.int32(15))

    r0 = wid * ROWS_PER_W
    pltpu.async_copy(x_hbm.at[pl.ds(r0 * T, T)], vals_v, sem)

    def zero_hist():
        @plsc.parallel_loop(0, 256, unroll=8)
        def _(i):
            hist_v[pl.ds(i * 16, 16)] = zi

    def reduce_hist():
        @plsc.parallel_loop(0, 16, unroll=2)
        def _(c):
            bvec = (c * 16 + lane) * 16
            acc = zi
            for l in range(16):
                acc = acc + plsc.load_gather(hist_v, [bvec + l])
            tot_v[pl.ds(c * 16, 16)] = acc

    def scan_hist(kr):
        @plsc.parallel_loop(0, 16, carry=(zi, _splat(np.int32(-1)), ones))
        def carry(i, carry):
            above, bstar, krn = carry
            c = 15 - i
            tvec = tot_v[pl.ds(c * 16, 16)]
            cs = plsc.cumsum(tvec)
            ctot = _pick(cs, fifteen)
            s = above + ctot - cs + tvec
            mask = s >= kr
            nhit = plsc.all_reduce_population_count(mask)
            hit = (bstar < 0) & (nhit > 0)
            lane_star = nhit - 1
            cs_star = _pick(cs, jnp.maximum(lane_star, 0))
            cum_above = above + ctot - cs_star
            bstar = jnp.where(hit, c * 16 + lane_star, bstar)
            krn = jnp.where(hit, kr - cum_above, krn)
            return above + ctot, bstar, krn
        _, bstar, krn = carry
        return bstar, krn

    def row_body(j, res):
        r = r0 + j
        pltpu.make_async_copy(x_hbm.at[pl.ds(r * T, T)], vals_v, sem).wait()

        chunk = sl_v[pl.ds((r // 16) * 16, 16)]
        sl = _pick(chunk, _splat(r % 16))
        k = sl // 16 + 1
        thr = (sl - lane + 15) >> 4

        zero_hist()

        @plsc.parallel_loop(0, NSTEP, unroll=8)
        def _(i):
            v = vals_v[pl.ds(i * 16, 16)]
            m = plsc.bitcast(v, jnp.int32)
            m = jnp.where(m >= 0, m, m ^ M31)
            m = jnp.where(i < thr, m, INT_MIN)
            keys_v[pl.ds(i * 16, 16)] = m
            idx = (lax.shift_right_logical(m ^ INT_MIN, 20) & 0xFF0) | lane
            plsc.addupdate_scatter(hist_v, [idx], ones)

        @pl.when(j < ROWS_PER_W - 1)
        def _():
            pltpu.async_copy(x_hbm.at[pl.ds((r + 1) * T, T)], vals_v, sem)

        reduce_hist()
        bstar, kr = scan_hist(k)
        prefix = bstar << 24

        for lvl in range(1, 4):
            shift = 24 - 8 * lvl
            zero_hist()
            phi = lax.shift_right_logical(prefix, shift + 8)

            @plsc.parallel_loop(0, NSTEP, unroll=8)
            def _(i):
                uk = keys_v[pl.ds(i * 16, 16)] ^ INT_MIN
                selm = lax.shift_right_logical(uk, shift + 8) == phi
                idx = ((lax.shift_right_logical(uk, shift) & 255) << 4) | lane
                plsc.addupdate_scatter(hist_v, [idx], ones, mask=selm)

            reduce_hist()
            bstar, kr = scan_hist(kr)
            prefix = prefix | (bstar << shift)

        tau_m = prefix ^ INT_MIN
        tau_b = jnp.where(tau_m >= 0, tau_m, tau_m ^ M31)
        tau_f = plsc.bitcast(tau_b, jnp.float32)

        @plsc.parallel_loop(0, NSTEP, step=8, carry=(zf,) * 8)
        def accs(i, accs):
            out = []
            for t in range(8):
                m = keys_v[pl.ds((i + t) * 16, 16)]
                bb = jnp.where(m >= 0, m, m ^ M31)
                v = plsc.bitcast(bb, jnp.float32)
                out.append(accs[t] + jnp.where(m > tau_m, v, 0.0))
            return tuple(out)

        acc = accs[0]
        for t in range(1, 8):
            acc = acc + accs[t]
        sum_gt = _splat(jnp.sum(acc))
        rj = (sum_gt + kr.astype(jnp.float32) * tau_f) / k.astype(jnp.float32)
        return jnp.where(lane == j, rj, res)

    res = lax.fori_loop(0, ROWS_PER_W, row_body, zf)
    res_v[...] = res
    pltpu.sync_copy(res_v, out_hbm.at[wid])


@functools.partial(
    pl.kernel,
    out_type=jax.ShapeDtypeStruct((NW, 16), jnp.float32),
    mesh=plsc.VectorSubcoreMesh(core_axis_name="c", subcore_axis_name="s"),
    compiler_params=pltpu.CompilerParams(needs_layout_passes=False),
    scratch_types=[
        pltpu.VMEM((T,), jnp.float32),
        pltpu.VMEM((T,), jnp.int32),
        pltpu.VMEM((4096,), jnp.int32),
        pltpu.VMEM((256,), jnp.int32),
        pltpu.VMEM((B,), jnp.int32),
        pltpu.VMEM((16,), jnp.float32),
        pltpu.SemaphoreType.DMA,
    ],
)
def _topk_mean_call(x_hbm, sl_hbm, out_hbm, *scratch):
    _topk_mean_kernel(x_hbm, sl_hbm, out_hbm, *scratch)


def kernel(x, seq_len):
    xf = jnp.reshape(x, (B * T,)).astype(jnp.float32)
    slx = seq_len.astype(jnp.int32)
    out = _topk_mean_call(xf, slx)
    return jnp.reshape(out[:, :ROWS_PER_W], (B,))

# --- scband reference (transcript-rebuilt; emitter-appended) ---
"""Pipeline reference for scband-base-head-18777597018225 (READ-ONLY COPY).

The authoritative reference and input builder live on the scoring server;
editing this copy changes nothing except your own understanding.
"""

import jax, jax.numpy as jnp
import numpy as np

B = 128
T = 32768

def setup_inputs(seed: int = 0) -> dict:
    key = jax.random.key(seed)
    k1, k2 = jax.random.split(key)
    x = jax.random.normal(k1, (B, T, 1), dtype=jnp.float32)
    # seq_len in [1, T] so each bag is non-empty (matches real variable-length video bags)
    seq_len = jax.random.randint(k2, (B,), 1, T + 1, dtype=jnp.int64)
    return {"x": x, "seq_len": seq_len}

def reference(x, seq_len):
    # BaseHead.mil with mil_type='topk', mean_type='logits'
    logits = jnp.squeeze(x, -1)  # [B, T]
    t = logits.shape[1]
    k_max = t // 16 + 1
    pos = jnp.arange(t)
    kpos = jnp.arange(k_max)

    def per_row(row, sl):
        k = sl // 16 + 1
        masked = jnp.where(pos < sl, row, -jnp.inf)
        vals, _ = jax.lax.top_k(masked, k_max)
        sel = jnp.where(kpos < k, vals, jnp.zeros_like(vals))
        return jnp.sum(sel) / k

    v_logits = jax.vmap(per_row)(logits, seq_len)  # [B]
    return v_logits

if __name__ == "__main__":
    import jax
    _d = setup_inputs()
    print(jax.jit(kernel)(*tuple(_d.values())))

</pallas_src>

<mosaic_0001>
#map = affine_map<(d0, d1) -> (0)>
#map1 = affine_map<(d0, d1) -> (0, 0)>
module attributes {stable_mosaic.version = 14 : i64} {
  func.func @_topk_mean_call(%arg0: i32, %arg1: i32, %arg2: memref<4194304xf32, #tpu.memory_space<hbm>>, %arg3: memref<128xi32, #tpu.memory_space<hbm>>, %arg4: memref<32x16xf32, #tpu.memory_space<hbm>>, %arg5: memref<32768xf32, #tpu.memory_space<vmem>>, %arg6: memref<32768xi32, #tpu.memory_space<vmem>>, %arg7: memref<4096xi32, #tpu.memory_space<vmem>>, %arg8: memref<256xi32, #tpu.memory_space<vmem>>, %arg9: memref<128xi32, #tpu.memory_space<vmem>>, %arg10: memref<16xf32, #tpu.memory_space<vmem>>, %arg11: memref<!tpu.dma_semaphore, #tpu.memory_space<semaphore_mem>>) attributes {dimension_semantics = [#tpu.dimension_semantics<core_parallel>, #tpu.dimension_semantics<subcore_parallel>], iteration_bounds = array<i64: 2, 16>, scalar_prefetch = 0 : i64, scratch_operands = 7 : i64, tpu.core_type = #tpu.core_type<sc_vector_subcore>, window_params = [{transform_indices = #map}, {transform_indices = #map}, {transform_indices = #map1}]} {
    %mul3A = arith.constant 2 : i32
    %mul3A_0 = arith.muli %arg1, %mul3A : i32
    %add3A = arith.addi %mul3A_0, %arg0 : i32
    "tpu.region"() ({
      %run_scoped3A = tpu.sem_alloc : memref<!tpu.dma_semaphore, #tpu.memory_space<semaphore_mem>>
      tpu.enqueue_dma source(%arg3 : memref<128xi32, #tpu.memory_space<hbm>>) target(%arg9 : memref<128xi32, #tpu.memory_space<vmem>>) target_semaphore(%run_scoped3A : memref<!tpu.dma_semaphore, #tpu.memory_space<semaphore_mem>>)
      tpu.wait_dma2 semaphore(%run_scoped3A : memref<!tpu.dma_semaphore, #tpu.memory_space<semaphore_mem>>) src(%arg3 : memref<128xi32, #tpu.memory_space<hbm>>) dst(%arg9 : memref<128xi32, #tpu.memory_space<vmem>>)
      tpu.yield
    }) : () -> ()
    %iota3A = tpu.iota {dimensions = array<i32: 0>} : vector<16xi32>
    %broadcast_in_dim3A = arith.constant 1 : i32
    %broadcast_in_dim3A_1 = vector.broadcast %broadcast_in_dim3A : i32 to vector<16xi32>
    %broadcast_in_dim3A_2 = arith.constant 0.000000e+00 : f32
    %broadcast_in_dim3A_3 = vector.broadcast %broadcast_in_dim3A_2 : f32 to vector<16xf32>
    %broadcast_in_dim3A_4 = arith.constant 0 : i32
    %broadcast_in_dim3A_5 = vector.broadcast %broadcast_in_dim3A_4 : i32 to vector<16xi32>
    %broadcast_in_dim3A_6 = arith.constant 15 : i32
    %broadcast_in_dim3A_7 = vector.broadcast %broadcast_in_dim3A_6 : i32 to vector<16xi32>
    %mul3A_8 = arith.constant 4 : i32
    %mul3A_9 = arith.muli %add3A, %mul3A_8 : i32
    %mul3A_10 = arith.constant 32768 : i32
    %mul3A_11 = arith.muli %mul3A_9, %mul3A_10 : i32
    %dma_start3A = tpu.memref_slice %arg2[%mul3A_11] : memref<4194304xf32, #tpu.memory_space<hbm>> -> memref<32768xf32, #tpu.memory_space<hbm>>
    %dma_start3A_12 = tpu.memref_slice %arg2[%mul3A_11] : memref<4194304xf32, #tpu.memory_space<hbm>> -> memref<32768xf32, #tpu.memory_space<hbm>>
    tpu.enqueue_dma source(%dma_start3A_12 : memref<32768xf32, #tpu.memory_space<hbm>>) target(%arg5 : memref<32768xf32, #tpu.memory_space<vmem>>) target_semaphore(%arg11 : memref<!tpu.dma_semaphore, #tpu.memory_space<semaphore_mem>>)
    %scan3A = arith.constant 0 : i32
    %scan3A_13 = arith.constant 4 : i32
    %scan3A_14 = arith.addi %scan3A, %scan3A_13 : i32
    %scan3A_15 = arith.constant 1 : i32
    %scan3A_16 = scf.for %scan3A_19 = %scan3A to %scan3A_14 step %scan3A_15 iter_args(%scan3A_20 = %broadcast_in_dim3A_3) -> (vector<16xf32>)  : i32 {
      %add3A_21 = arith.addi %mul3A_9, %scan3A_19 : i32
      %mul3A_22 = arith.constant 32768 : i32
      %mul3A_23 = arith.muli %add3A_21, %mul3A_22 : i32
      %dma_wait3A = tpu.memref_slice %arg2[%mul3A_23] : memref<4194304xf32, #tpu.memory_space<hbm>> -> memref<32768xf32, #tpu.memory_space<hbm>>
      %dma_wait3A_24 = tpu.memref_slice %arg2[%mul3A_23] : memref<4194304xf32, #tpu.memory_space<hbm>> -> memref<32768xf32, #tpu.memory_space<hbm>>
      tpu.wait_dma2 semaphore(%arg11 : memref<!tpu.dma_semaphore, #tpu.memory_space<semaphore_mem>>) src(%dma_wait3A_24 : memref<32768xf32, #tpu.memory_space<hbm>>) dst(%arg5 : memref<32768xf32, #tpu.memory_space<vmem>>)
      %jit3A = arith.constant 16 : i32
      %div3A = arith.divsi %add3A_21, %jit3A : i32
      %sign3A = arith.constant 0 : i32
      %sign3A_25 = arith.cmpi sgt, %add3A_21, %sign3A : i32
      %sign3A_26 = arith.extui %sign3A_25 : i1 to i32
      %sign3A_27 = arith.constant 0 : i32
      %sign3A_28 = arith.cmpi slt, %add3A_21, %sign3A_27 : i32
      %sign3A_29 = arith.extui %sign3A_28 : i1 to i32
      %sign3A_30 = arith.subi %sign3A_26, %sign3A_29 : i32
      %sign3A_31 = arith.constant 0 : i32
      %sign3A_32 = arith.cmpi sgt, %jit3A, %sign3A_31 : i32
      %sign3A_33 = arith.extui %sign3A_32 : i1 to i32
      %sign3A_34 = arith.constant 0 : i32
      %sign3A_35 = arith.cmpi slt, %jit3A, %sign3A_34 : i32
      %sign3A_36 = arith.extui %sign3A_35 : i1 to i32
      %sign3A_37 = arith.subi %sign3A_33, %sign3A_36 : i32
      %ne3A = arith.cmpi ne, %sign3A_30, %sign3A_37 : i32
      %rem3A = arith.remsi %add3A_21, %jit3A : i32
      %ne3A_38 = arith.constant 0 : i32
      %ne3A_39 = arith.cmpi ne, %rem3A, %ne3A_38 : i32
      %and3A = arith.andi %ne3A, %ne3A_39 : i1
      %sub3A = arith.constant 1 : i32
      %sub3A_40 = arith.subi %div3A, %sub3A : i32
      %select_n3A = arith.select %and3A, %sub3A_40, %div3A : i32
      %mul3A_41 = arith.constant 16 : i32
      %mul3A_42 = arith.muli %select_n3A, %mul3A_41 : i32
      %get3A = arith.index_cast %mul3A_42 : i32 to index
      %get3A_43 = tpu.vector_load %arg9[%get3A] {strides = array<i32>} : memref<128xi32, #tpu.memory_space<vmem>>, vector<16xi32>,
      %jit3A_44 = arith.constant 16 : i32
      %eq3A = arith.constant 0 : i32
      %eq3A_45 = arith.cmpi eq, %jit3A_44, %eq3A : i32
      %jit3A_46 = arith.constant 1 : i32
      %select_n3A_47 = arith.select %eq3A_45, %jit3A_46, %jit3A_44 : i32
      %rem3A_48 = arith.remsi %add3A_21, %select_n3A_47 : i32
      %ne3A_49 = arith.constant 0 : i32
      %ne3A_50 = arith.cmpi ne, %rem3A_48, %ne3A_49 : i32
      %lt3A = arith.constant 0 : i32
      %lt3A_51 = arith.cmpi slt, %rem3A_48, %lt3A : i32
      %lt3A_52 = arith.constant 0 : i32
      %lt3A_53 = arith.cmpi slt, %select_n3A_47, %lt3A_52 : i32
      %ne3A_54 = arith.xori %lt3A_51, %lt3A_53 : i1
      %and3A_55 = arith.andi %ne3A_54, %ne3A_50 : i1
      %add3A_56 = arith.addi %rem3A_48, %select_n3A_47 : i32
      %select_n3A_57 = arith.select %and3A_55, %add3A_56, %rem3A_48 : i32
      %broadcast_in_dim3A_58 = vector.broadcast %select_n3A_57 : i32 to vector<16xi32>
      %broadcast_in_dim3A_59 = vector.shape_cast %broadcast_in_dim3A_58 : vector<16xi32> to vector<16x1xi32>
      %gather3A = vector.shape_cast %broadcast_in_dim3A_59 : vector<16x1xi32> to vector<16xi32>
      %gather3A_60 = tpu.dynamic_gather %get3A_43[%gather3A] in [0] : vector<16xi32>, vector<16xi32> -> vector<16xi32>
      %jit3A_61 = arith.constant 16 : i32
      %div3A_62 = vector.broadcast %jit3A_61 : i32 to vector<16xi32>
      %div3A_63 = arith.divsi %gather3A_60, %div3A_62 : vector<16xi32>
      %sign3A_64 = arith.constant 0 : i32
      %sign3A_65 = vector.broadcast %sign3A_64 : i32 to vector<16xi32>
      %sign3A_66 = arith.cmpi sgt, %gather3A_60, %sign3A_65 : vector<16xi32>
      %sign3A_67 = arith.extui %sign3A_66 : vector<16xi1> to vector<16xi32>
      %sign3A_68 = arith.constant 0 : i32
      %sign3A_69 = vector.broadcast %sign3A_68 : i32 to vector<16xi32>
      %sign3A_70 = arith.cmpi slt, %gather3A_60, %sign3A_69 : vector<16xi32>
      %sign3A_71 = arith.extui %sign3A_70 : vector<16xi1> to vector<16xi32>
      %sign3A_72 = arith.subi %sign3A_67, %sign3A_71 : vector<16xi32>
      %sign3A_73 = arith.constant 0 : i32
      %sign3A_74 = arith.cmpi sgt, %jit3A_61, %sign3A_73 : i32
      %sign3A_75 = arith.extui %sign3A_74 : i1 to i32
      %sign3A_76 = arith.constant 0 : i32
      %sign3A_77 = arith.cmpi slt, %jit3A_61, %sign3A_76 : i32
      %sign3A_78 = arith.extui %sign3A_77 : i1 to i32
      %sign3A_79 = arith.subi %sign3A_75, %sign3A_78 : i32
      %ne3A_80 = vector.broadcast %sign3A_79 : i32 to vector<16xi32>
      %ne3A_81 = arith.cmpi ne, %sign3A_72, %ne3A_80 : vector<16xi32>
      %rem3A_82 = vector.broadcast %jit3A_61 : i32 to vector<16xi32>
      %rem3A_83 = arith.remsi %gather3A_60, %rem3A_82 : vector<16xi32>
      %ne3A_84 = arith.constant 0 : i32
      %ne3A_85 = vector.broadcast %ne3A_84 : i32 to vector<16xi32>
      %ne3A_86 = arith.cmpi ne, %rem3A_83, %ne3A_85 : vector<16xi32>
      %and3A_87 = arith.andi %ne3A_81, %ne3A_86 : vector<16xi1>
      %sub3A_88 = arith.constant 1 : i32
      %sub3A_89 = vector.broadcast %sub3A_88 : i32 to vector<16xi32>
      %sub3A_90 = arith.subi %div3A_63, %sub3A_89 : vector<16xi32>
      %select_n3A_91 = arith.select %and3A_87, %sub3A_90, %div3A_63 : vector<16xi1>, vector<16xi32>
      %add3A_92 = arith.constant 1 : i32
      %add3A_93 = vector.broadcast %add3A_92 : i32 to vector<16xi32>
      %add3A_94 = arith.addi %select_n3A_91, %add3A_93 : vector<16xi32>
      %sub3A_95 = arith.subi %gather3A_60, %iota3A : vector<16xi32>
      %add3A_96 = arith.constant 15 : i32
      %add3A_97 = vector.broadcast %add3A_96 : i32 to vector<16xi32>
      %add3A_98 = arith.addi %sub3A_95, %add3A_97 : vector<16xi32>
      %shift_right_arithmetic3A = arith.constant 4 : i32
      %shift_right_arithmetic3A_99 = vector.broadcast %shift_right_arithmetic3A : i32 to vector<16xi32>
      %shift_right_arithmetic3A_100 = arith.shrsi %add3A_98, %shift_right_arithmetic3A_99 : vector<16xi32>
      %parallel_loop3A = arith.constant 0 : i32
      %parallel_loop3A_101 = arith.constant 256 : i32
      %parallel_loop3A_102 = arith.constant 1 : i32
      scf.for %parallel_loop3A_215 = %parallel_loop3A to %parallel_loop3A_101 step %parallel_loop3A_102  : i32 {
        %parallel_loop3A_216 = arith.constant 16 : i32
        %parallel_loop3A_217 = arith.muli %parallel_loop3A_215, %parallel_loop3A_216 : i32
        %parallel_loop3A_218 = arith.index_cast %parallel_loop3A_217 : i32 to index
        %parallel_loop3A_219 = tpu.vector_load %arg7[%parallel_loop3A_218] {strides = array<i32>} : memref<4096xi32, #tpu.memory_space<vmem>>, vector<16xi32>,
        tpu.vector_store %arg7[%parallel_loop3A_218], %broadcast_in_dim3A_5 {strides = array<i32>} : memref<4096xi32, #tpu.memory_space<vmem>>, vector<16xi32>,
      } {sc.loop_unroll_factor = 8 : i64, sc.parallel_access}
      %parallel_loop3A_103 = arith.constant 0 : i32
      %parallel_loop3A_104 = arith.constant 2048 : i32
      %parallel_loop3A_105 = arith.constant 1 : i32
      scf.for %parallel_loop3A_215 = %parallel_loop3A_103 to %parallel_loop3A_104 step %parallel_loop3A_105  : i32 {
        %parallel_loop3A_216 = arith.constant 16 : i32
        %parallel_loop3A_217 = arith.muli %parallel_loop3A_215, %parallel_loop3A_216 : i32
        %parallel_loop3A_218 = arith.index_cast %parallel_loop3A_217 : i32 to index
        %parallel_loop3A_219 = tpu.vector_load %arg5[%parallel_loop3A_218] {strides = array<i32>} : memref<32768xf32, #tpu.memory_space<vmem>>, vector<16xf32>,
        %parallel_loop3A_220 = vector.bitcast %parallel_loop3A_219 : vector<16xf32> to vector<16xi32>
        %parallel_loop3A_221 = arith.constant 0 : i32
        %parallel_loop3A_222 = vector.broadcast %parallel_loop3A_221 : i32 to vector<16xi32>
        %parallel_loop3A_223 = arith.cmpi sge, %parallel_loop3A_220, %parallel_loop3A_222 : vector<16xi32>
        %parallel_loop3A_224 = arith.constant 2147483647 : i32
        %parallel_loop3A_225 = vector.broadcast %parallel_loop3A_224 : i32 to vector<16xi32>
        %parallel_loop3A_226 = arith.xori %parallel_loop3A_220, %parallel_loop3A_225 : vector<16xi32>
        %parallel_loop3A_227 = arith.select %parallel_loop3A_223, %parallel_loop3A_220, %parallel_loop3A_226 : vector<16xi1>, vector<16xi32>
        %parallel_loop3A_228 = vector.broadcast %parallel_loop3A_215 : i32 to vector<16xi32>
        %parallel_loop3A_229 = arith.cmpi slt, %parallel_loop3A_228, %shift_right_arithmetic3A_100 : vector<16xi32>
        %parallel_loop3A_230 = arith.constant -2147483648 : i32
        %parallel_loop3A_231 = vector.broadcast %parallel_loop3A_230 : i32 to vector<16xi32>
        %parallel_loop3A_232 = arith.select %parallel_loop3A_229, %parallel_loop3A_227, %parallel_loop3A_231 : vector<16xi1>, vector<16xi32>
        %parallel_loop3A_233 = arith.constant 16 : i32
        %parallel_loop3A_234 = arith.muli %parallel_loop3A_215, %parallel_loop3A_233 : i32
        %parallel_loop3A_235 = arith.index_cast %parallel_loop3A_234 : i32 to index
        %parallel_loop3A_236 = tpu.vector_load %arg6[%parallel_loop3A_235] {strides = array<i32>} : memref<32768xi32, #tpu.memory_space<vmem>>, vector<16xi32>,
        tpu.vector_store %arg6[%parallel_loop3A_235], %parallel_loop3A_232 {strides = array<i32>} : memref<32768xi32, #tpu.memory_space<vmem>>, vector<16xi32>,
        %parallel_loop3A_237 = arith.constant -2147483648 : i32
        %parallel_loop3A_238 = vector.broadcast %parallel_loop3A_237 : i32 to vector<16xi32>
        %parallel_loop3A_239 = arith.xori %parallel_loop3A_232, %parallel_loop3A_238 : vector<16xi32>
        %parallel_loop3A_240 = arith.constant 20 : i32
        %parallel_loop3A_241 = vector.broadcast %parallel_loop3A_240 : i32 to vector<16xi32>
        %parallel_loop3A_242 = arith.shrui %parallel_loop3A_239, %parallel_loop3A_241 : vector<16xi32>
        %parallel_loop3A_243 = arith.constant 4080 : i32
        %parallel_loop3A_244 = vector.broadcast %parallel_loop3A_243 : i32 to vector<16xi32>
        %parallel_loop3A_245 = arith.andi %parallel_loop3A_242, %parallel_loop3A_244 : vector<16xi32>
        %parallel_loop3A_246 = arith.ori %parallel_loop3A_245, %iota3A : vector<16xi32>
        tpu.vector_store_idx %arg7[%parallel_loop3A_246], %broadcast_in_dim3A_1 {add = true} : memref<4096xi32, #tpu.memory_space<vmem>>[vector<16xi32>], vector<16xi32>,
      } {sc.loop_unroll_factor = 8 : i64, sc.parallel_access}
      %lt3A_106 = arith.constant 3 : i32
      %lt3A_107 = arith.cmpi slt, %scan3A_19, %lt3A_106 : i32
      %convert_element_type3A = arith.extui %lt3A_107 : i1 to i32
      %cond3A = arith.constant 0 : i32
      %cond3A_108 = arith.cmpi ne, %convert_element_type3A, %cond3A : i32
      scf.if %cond3A_108 {
        %add3A_215 = arith.constant 1 : i32
        %add3A_216 = arith.addi %add3A_21, %add3A_215 : i32
        %mul3A_217 = arith.constant 32768 : i32
        %mul3A_218 = arith.muli %add3A_216, %mul3A_217 : i32
        %dma_start3A_219 = tpu.memref_slice %arg2[%mul3A_218] : memref<4194304xf32, #tpu.memory_space<hbm>> -> memref<32768xf32, #tpu.memory_space<hbm>>
        %dma_start3A_220 = tpu.memref_slice %arg2[%mul3A_218] : memref<4194304xf32, #tpu.memory_space<hbm>> -> memref<32768xf32, #tpu.memory_space<hbm>>
        tpu.enqueue_dma source(%dma_start3A_220 : memref<32768xf32, #tpu.memory_space<hbm>>) target(%arg5 : memref<32768xf32, #tpu.memory_space<vmem>>) target_semaphore(%arg11 : memref<!tpu.dma_semaphore, #tpu.memory_space<semaphore_mem>>)
      } else {
      }
      %parallel_loop3A_109 = arith.constant 0 : i32
      %parallel_loop3A_110 = arith.constant 16 : i32
      %parallel_loop3A_111 = arith.constant 1 : i32
      scf.for %parallel_loop3A_215 = %parallel_loop3A_109 to %parallel_loop3A_110 step %parallel_loop3A_111  : i32 {
        %parallel_loop3A_216 = arith.constant 16 : i32
        %parallel_loop3A_217 = arith.muli %parallel_loop3A_215, %parallel_loop3A_216 : i32
        %parallel_loop3A_218 = vector.broadcast %parallel_loop3A_217 : i32 to vector<16xi32>
        %parallel_loop3A_219 = arith.addi %parallel_loop3A_218, %iota3A : vector<16xi32>
        %parallel_loop3A_220 = arith.constant 16 : i32
        %parallel_loop3A_221 = vector.broadcast %parallel_loop3A_220 : i32 to vector<16xi32>
        %parallel_loop3A_222 = arith.muli %parallel_loop3A_219, %parallel_loop3A_221 : vector<16xi32>
        %parallel_loop3A_223 = arith.constant 0 : i32
        %parallel_loop3A_224 = vector.broadcast %parallel_loop3A_223 : i32 to vector<16xi32>
        %parallel_loop3A_225 = arith.addi %parallel_loop3A_222, %parallel_loop3A_224 : vector<16xi32>
        %parallel_loop3A_226 = tpu.vector_load_idx %arg7[%parallel_loop3A_225] : memref<4096xi32, #tpu.memory_space<vmem>>[vector<16xi32>], vector<16xi32>,
        %parallel_loop3A_227 = arith.addi %broadcast_in_dim3A_5, %parallel_loop3A_226 : vector<16xi32>
        %parallel_loop3A_228 = arith.constant 1 : i32
        %parallel_loop3A_229 = vector.broadcast %parallel_loop3A_228 : i32 to vector<16xi32>
        %parallel_loop3A_230 = arith.addi %parallel_loop3A_222, %parallel_loop3A_229 : vector<16xi32>
        %parallel_loop3A_231 = tpu.vector_load_idx %arg7[%parallel_loop3A_230] : memref<4096xi32, #tpu.memory_space<vmem>>[vector<16xi32>], vector<16xi32>,
        %parallel_loop3A_232 = arith.addi %parallel_loop3A_227, %parallel_loop3A_231 : vector<16xi32>
        %parallel_loop3A_233 = arith.constant 2 : i32
        %parallel_loop3A_234 = vector.broadcast %parallel_loop3A_233 : i32 to vector<16xi32>
        %parallel_loop3A_235 = arith.addi %parallel_loop3A_222, %parallel_loop3A_234 : vector<16xi32>
        %parallel_loop3A_236 = tpu.vector_load_idx %arg7[%parallel_loop3A_235] : memref<4096xi32, #tpu.memory_space<vmem>>[vector<16xi32>], vector<16xi32>,
        %parallel_loop3A_237 = arith.addi %parallel_loop3A_232, %parallel_loop3A_236 : vector<16xi32>
        %parallel_loop3A_238 = arith.constant 3 : i32
        %parallel_loop3A_239 = vector.broadcast %parallel_loop3A_238 : i32 to vector<16xi32>
        %parallel_loop3A_240 = arith.addi %parallel_loop3A_222, %parallel_loop3A_239 : vector<16xi32>
        %parallel_loop3A_241 = tpu.vector_load_idx %arg7[%parallel_loop3A_240] : memref<4096xi32, #tpu.memory_space<vmem>>[vector<16xi32>], vector<16xi32>,
        %parallel_loop3A_242 = arith.addi %parallel_loop3A_237, %parallel_loop3A_241 : vector<16xi32>
        %parallel_loop3A_243 = arith.constant 4 : i32
        %parallel_loop3A_244 = vector.broadcast %parallel_loop3A_243 : i32 to vector<16xi32>
        %parallel_loop3A_245 = arith.addi %parallel_loop3A_222, %parallel_loop3A_244 : vector<16xi32>
        %parallel_loop3A_246 = tpu.vector_load_idx %arg7[%parallel_loop3A_245] : memref<4096xi32, #tpu.memory_space<vmem>>[vector<16xi32>], vector<16xi32>,
        %parallel_loop3A_247 = arith.addi %parallel_loop3A_242, %parallel_loop3A_246 : vector<16xi32>
        %parallel_loop3A_248 = arith.constant 5 : i32
        %parallel_loop3A_249 = vector.broadcast %parallel_loop3A_248 : i32 to vector<16xi32>
        %parallel_loop3A_250 = arith.addi %parallel_loop3A_222, %parallel_loop3A_249 : vector<16xi32>
        %parallel_loop3A_251 = tpu.vector_load_idx %arg7[%parallel_loop3A_250] : memref<4096xi32, #tpu.memory_space<vmem>>[vector<16xi32>], vector<16xi32>,
        %parallel_loop3A_252 = arith.addi %parallel_loop3A_247, %parallel_loop3A_251 : vector<16xi32>
        %parallel_loop3A_253 = arith.constant 6 : i32
        %parallel_loop3A_254 = vector.broadcast %parallel_loop3A_253 : i32 to vector<16xi32>
        %parallel_loop3A_255 = arith.addi %parallel_loop3A_222, %parallel_loop3A_254 : vector<16xi32>
        %parallel_loop3A_256 = tpu.vector_load_idx %arg7[%parallel_loop3A_255] : memref<4096xi32, #tpu.memory_space<vmem>>[vector<16xi32>], vector<16xi32>,
        %parallel_loop3A_257 = arith.addi %parallel_loop3A_252, %parallel_loop3A_256 : vector<16xi32>
        %parallel_loop3A_258 = arith.constant 7 : i32
        %parallel_loop3A_259 = vector.broadcast %parallel_loop3A_258 : i32 to vector<16xi32>
        %parallel_loop3A_260 = arith.addi %parallel_loop3A_222, %parallel_loop3A_259 : vector<16xi32>
        %parallel_loop3A_261 = tpu.vector_load_idx %arg7[%parallel_loop3A_260] : memref<4096xi32, #tpu.memory_space<vmem>>[vector<16xi32>], vector<16xi32>,
        %parallel_loop3A_262 = arith.addi %parallel_loop3A_257, %parallel_loop3A_261 : vector<16xi32>
        %parallel_loop3A_263 = arith.constant 8 : i32
        %parallel_loop3A_264 = vector.broadcast %parallel_loop3A_263 : i32 to vector<16xi32>
        %parallel_loop3A_265 = arith.addi %parallel_loop3A_222, %parallel_loop3A_264 : vector<16xi32>
        %parallel_loop3A_266 = tpu.vector_load_idx %arg7[%parallel_loop3A_265] : memref<4096xi32, #tpu.memory_space<vmem>>[vector<16xi32>], vector<16xi32>,
        %parallel_loop3A_267 = arith.addi %parallel_loop3A_262, %parallel_loop3A_266 : vector<16xi32>
        %parallel_loop3A_268 = arith.constant 9 : i32
        %parallel_loop3A_269 = vector.broadcast %parallel_loop3A_268 : i32 to vector<16xi32>
        %parallel_loop3A_270 = arith.addi %parallel_loop3A_222, %parallel_loop3A_269 : vector<16xi32>
        %parallel_loop3A_271 = tpu.vector_load_idx %arg7[%parallel_loop3A_270] : memref<4096xi32, #tpu.memory_space<vmem>>[vector<16xi32>], vector<16xi32>,
        %parallel_loop3A_272 = arith.addi %parallel_loop3A_267, %parallel_loop3A_271 : vector<16xi32>
        %parallel_loop3A_273 = arith.constant 10 : i32
        %parallel_loop3A_274 = vector.broadcast %parallel_loop3A_273 : i32 to vector<16xi32>
        %parallel_loop3A_275 = arith.addi %parallel_loop3A_222, %parallel_loop3A_274 : vector<16xi32>
        %parallel_loop3A_276 = tpu.vector_load_idx %arg7[%parallel_loop3A_275] : memref<4096xi32, #tpu.memory_space<vmem>>[vector<16xi32>], vector<16xi32>,
        %parallel_loop3A_277 = arith.addi %parallel_loop3A_272, %parallel_loop3A_276 : vector<16xi32>
        %parallel_loop3A_278 = arith.constant 11 : i32
        %parallel_loop3A_279 = vector.broadcast %parallel_loop3A_278 : i32 to vector<16xi32>
        %parallel_loop3A_280 = arith.addi %parallel_loop3A_222, %parallel_loop3A_279 : vector<16xi32>
        %parallel_loop3A_281 = tpu.vector_load_idx %arg7[%parallel_loop3A_280] : memref<4096xi32, #tpu.memory_space<vmem>>[vector<16xi32>], vector<16xi32>,
        %parallel_loop3A_282 = arith.addi %parallel_loop3A_277, %parallel_loop3A_281 : vector<16xi32>
        %parallel_loop3A_283 = arith.constant 12 : i32
        %parallel_loop3A_284 = vector.broadcast %parallel_loop3A_283 : i32 to vector<16xi32>
        %parallel_loop3A_285 = arith.addi %parallel_loop3A_222, %parallel_loop3A_284 : vector<16xi32>
        %parallel_loop3A_286 = tpu.vector_load_idx %arg7[%parallel_loop3A_285] : memref<4096xi32, #tpu.memory_space<vmem>>[vector<16xi32>], vector<16xi32>,
        %parallel_loop3A_287 = arith.addi %parallel_loop3A_282, %parallel_loop3A_286 : vector<16xi32>
        %parallel_loop3A_288 = arith.constant 13 : i32
        %parallel_loop3A_289 = vector.broadcast %parallel_loop3A_288 : i32 to vector<16xi32>
        %parallel_loop3A_290 = arith.addi %parallel_loop3A_222, %parallel_loop3A_289 : vector<16xi32>
        %parallel_loop3A_291 = tpu.vector_load_idx %arg7[%parallel_loop3A_290] : memref<4096xi32, #tpu.memory_space<vmem>>[vector<16xi32>], vector<16xi32>,
        %parallel_loop3A_292 = arith.addi %parallel_loop3A_287, %parallel_loop3A_291 : vector<16xi32>
        %parallel_loop3A_293 = arith.constant 14 : i32
        %parallel_loop3A_294 = vector.broadcast %parallel_loop3A_293 : i32 to vector<16xi32>
        %parallel_loop3A_295 = arith.addi %parallel_loop3A_222, %parallel_loop3A_294 : vector<16xi32>
        %parallel_loop3A_296 = tpu.vector_load_idx %arg7[%parallel_loop3A_295] : memref<4096xi32, #tpu.memory_space<vmem>>[vector<16xi32>], vector<16xi32>,
        %parallel_loop3A_297 = arith.addi %parallel_loop3A_292, %parallel_loop3A_296 : vector<16xi32>
        %parallel_loop3A_298 = arith.constant 15 : i32
        %parallel_loop3A_299 = vector.broadcast %parallel_loop3A_298 : i32 to vector<16xi32>
        %parallel_loop3A_300 = arith.addi %parallel_loop3A_222, %parallel_loop3A_299 : vector<16xi32>
        %parallel_loop3A_301 = tpu.vector_load_idx %arg7[%parallel_loop3A_300] : memref<4096xi32, #tpu.memory_space<vmem>>[vector<16xi32>], vector<16xi32>,
        %parallel_loop3A_302 = arith.addi %parallel_loop3A_297, %parallel_loop3A_301 : vector<16xi32>
        %parallel_loop3A_303 = arith.constant 16 : i32
        %parallel_loop3A_304 = arith.muli %parallel_loop3A_215, %parallel_loop3A_303 : i32
        %parallel_loop3A_305 = arith.index_cast %parallel_loop3A_304 : i32 to index
        %parallel_loop3A_306 = tpu.vector_load %arg8[%parallel_loop3A_305] {strides = array<i32>} : memref<256xi32, #tpu.memory_space<vmem>>, vector<16xi32>,
        tpu.vector_store %arg8[%parallel_loop3A_305], %parallel_loop3A_302 {strides = array<i32>} : memref<256xi32, #tpu.memory_space<vmem>>, vector<16xi32>,
      } {sc.loop_unroll_factor = 2 : i64, sc.parallel_access}
      %broadcast_in_dim3A_112 = arith.constant -1 : i32
      %broadcast_in_dim3A_113 = vector.broadcast %broadcast_in_dim3A_112 : i32 to vector<16xi32>
      %parallel_loop3A_114 = arith.constant 0 : i32
      %parallel_loop3A_115 = arith.constant 16 : i32
      %parallel_loop3A_116 = arith.constant 1 : i32
      %parallel_loop3A_117:3 = scf.for %parallel_loop3A_215 = %parallel_loop3A_114 to %parallel_loop3A_115 step %parallel_loop3A_116 iter_args(%parallel_loop3A_216 = %broadcast_in_dim3A_5, %parallel_loop3A_217 = %broadcast_in_dim3A_113, %parallel_loop3A_218 = %broadcast_in_dim3A_1) -> (vector<16xi32>, vector<16xi32>, vector<16xi32>)  : i32 {
        %parallel_loop3A_219 = arith.constant 15 : i32
        %parallel_loop3A_220 = arith.subi %parallel_loop3A_219, %parallel_loop3A_215 : i32
        %parallel_loop3A_221 = arith.constant 16 : i32
        %parallel_loop3A_222 = arith.muli %parallel_loop3A_220, %parallel_loop3A_221 : i32
        %parallel_loop3A_223 = arith.index_cast %parallel_loop3A_222 : i32 to index
        %parallel_loop3A_224 = tpu.vector_load %arg8[%parallel_loop3A_223] {strides = array<i32>} : memref<256xi32, #tpu.memory_space<vmem>>, vector<16xi32>,
        %parallel_loop3A_225 = arith.constant true
        %parallel_loop3A_226 = vector.broadcast %parallel_loop3A_225 : i1 to vector<16xi1>
        %parallel_loop3A_227 = tpu.scan <sum>, %parallel_loop3A_224 masked %parallel_loop3A_226 : vector<16xi32>, vector<16xi1> -> vector<16xi32>
        %parallel_loop3A_228 = vector.shape_cast %broadcast_in_dim3A_7 : vector<16xi32> to vector<16x1xi32>
        %parallel_loop3A_229 = vector.shape_cast %parallel_loop3A_228 : vector<16x1xi32> to vector<16xi32>
        %parallel_loop3A_230 = tpu.dynamic_gather %parallel_loop3A_227[%parallel_loop3A_229] in [0] : vector<16xi32>, vector<16xi32> -> vector<16xi32>
        %parallel_loop3A_231 = arith.addi %parallel_loop3A_216, %parallel_loop3A_230 : vector<16xi32>
        %parallel_loop3A_232 = arith.subi %parallel_loop3A_231, %parallel_loop3A_227 : vector<16xi32>
        %parallel_loop3A_233 = arith.addi %parallel_loop3A_232, %parallel_loop3A_224 : vector<16xi32>
        %parallel_loop3A_234 = arith.cmpi sge, %parallel_loop3A_233, %add3A_94 : vector<16xi32>
        %parallel_loop3A_235 = tpu.all_reduce %parallel_loop3A_234 {dim = 0 : i64, kind = #tpu.reduction_kind<sum>} : vector<16xi1> -> vector<16xi32>
        %parallel_loop3A_236 = arith.constant 0 : i32
        %parallel_loop3A_237 = vector.broadcast %parallel_loop3A_236 : i32 to vector<16xi32>
        %parallel_loop3A_238 = arith.cmpi slt, %parallel_loop3A_217, %parallel_loop3A_237 : vector<16xi32>
        %parallel_loop3A_239 = arith.constant 0 : i32
        %parallel_loop3A_240 = vector.broadcast %parallel_loop3A_239 : i32 to vector<16xi32>
        %parallel_loop3A_241 = arith.cmpi sgt, %parallel_loop3A_235, %parallel_loop3A_240 : vector<16xi32>
        %parallel_loop3A_242 = arith.andi %parallel_loop3A_238, %parallel_loop3A_241 : vector<16xi1>
        %parallel_loop3A_243 = arith.constant 1 : i32
        %parallel_loop3A_244 = vector.broadcast %parallel_loop3A_243 : i32 to vector<16xi32>
        %parallel_loop3A_245 = arith.subi %parallel_loop3A_235, %parallel_loop3A_244 : vector<16xi32>
        %parallel_loop3A_246 = arith.constant 0 : i32
        %parallel_loop3A_247 = vector.broadcast %parallel_loop3A_246 : i32 to vector<16xi32>
        %parallel_loop3A_248 = arith.maxsi %parallel_loop3A_245, %parallel_loop3A_247 : vector<16xi32>
        %parallel_loop3A_249 = vector.shape_cast %parallel_loop3A_248 : vector<16xi32> to vector<16x1xi32>
        %parallel_loop3A_250 = vector.shape_cast %parallel_loop3A_249 : vector<16x1xi32> to vector<16xi32>
        %parallel_loop3A_251 = tpu.dynamic_gather %parallel_loop3A_227[%parallel_loop3A_250] in [0] : vector<16xi32>, vector<16xi32> -> vector<16xi32>
        %parallel_loop3A_252 = arith.addi %parallel_loop3A_216, %parallel_loop3A_230 : vector<16xi32>
        %parallel_loop3A_253 = arith.subi %parallel_loop3A_252, %parallel_loop3A_251 : vector<16xi32>
        %parallel_loop3A_254 = arith.constant 16 : i32
        %parallel_loop3A_255 = arith.muli %parallel_loop3A_220, %parallel_loop3A_254 : i32
        %parallel_loop3A_256 = vector.broadcast %parallel_loop3A_255 : i32 to vector<16xi32>
        %parallel_loop3A_257 = arith.addi %parallel_loop3A_256, %parallel_loop3A_245 : vector<16xi32>
        %parallel_loop3A_258 = arith.select %parallel_loop3A_242, %parallel_loop3A_257, %parallel_loop3A_217 : vector<16xi1>, vector<16xi32>
        %parallel_loop3A_259 = arith.subi %add3A_94, %parallel_loop3A_253 : vector<16xi32>
        %parallel_loop3A_260 = arith.select %parallel_loop3A_242, %parallel_loop3A_259, %parallel_loop3A_218 : vector<16xi1>, vector<16xi32>
        %parallel_loop3A_261 = arith.addi %parallel_loop3A_216, %parallel_loop3A_230 : vector<16xi32>
        scf.yield %parallel_loop3A_261, %parallel_loop3A_258, %parallel_loop3A_260 : vector<16xi32>, vector<16xi32>, vector<16xi32>
      } {sc.loop_unroll_factor = 1 : i64, sc.parallel_access}
      %shift_left3A = arith.constant 24 : i32
      %shift_left3A_118 = vector.broadcast %shift_left3A : i32 to vector<16xi32>
      %shift_left3A_119 = arith.shli %parallel_loop3A_117#1, %shift_left3A_118 : vector<16xi32>
      %parallel_loop3A_120 = arith.constant 0 : i32
      %parallel_loop3A_121 = arith.constant 256 : i32
      %parallel_loop3A_122 = arith.constant 1 : i32
      scf.for %parallel_loop3A_215 = %parallel_loop3A_120 to %parallel_loop3A_121 step %parallel_loop3A_122  : i32 {
        %parallel_loop3A_216 = arith.constant 16 : i32
        %parallel_loop3A_217 = arith.muli %parallel_loop3A_215, %parallel_loop3A_216 : i32
        %parallel_loop3A_218 = arith.index_cast %parallel_loop3A_217 : i32 to index
        %parallel_loop3A_219 = tpu.vector_load %arg7[%parallel_loop3A_218] {strides = array<i32>} : memref<4096xi32, #tpu.memory_space<vmem>>, vector<16xi32>,
        tpu.vector_store %arg7[%parallel_loop3A_218], %broadcast_in_dim3A_5 {strides = array<i32>} : memref<4096xi32, #tpu.memory_space<vmem>>, vector<16xi32>,
      } {sc.loop_unroll_factor = 8 : i64, sc.parallel_access}
      %shift_right_logical3A = arith.constant 24 : i32
      %shift_right_logical3A_123 = vector.broadcast %shift_right_logical3A : i32 to vector<16xi32>
      %shift_right_logical3A_124 = arith.shrui %shift_left3A_119, %shift_right_logical3A_123 : vector<16xi32>
      %parallel_loop3A_125 = arith.constant 0 : i32
      %parallel_loop3A_126 = arith.constant 2048 : i32
      %parallel_loop3A_127 = arith.constant 1 : i32
      scf.for %parallel_loop3A_215 = %parallel_loop3A_125 to %parallel_loop3A_126 step %parallel_loop3A_127  : i32 {
        %parallel_loop3A_216 = arith.constant 16 : i32
        %parallel_loop3A_217 = arith.muli %parallel_loop3A_215, %parallel_loop3A_216 : i32
        %parallel_loop3A_218 = arith.index_cast %parallel_loop3A_217 : i32 to index
        %parallel_loop3A_219 = tpu.vector_load %arg6[%parallel_loop3A_218] {strides = array<i32>} : memref<32768xi32, #tpu.memory_space<vmem>>, vector<16xi32>,
        %parallel_loop3A_220 = arith.constant -2147483648 : i32
        %parallel_loop3A_221 = vector.broadcast %parallel_loop3A_220 : i32 to vector<16xi32>
        %parallel_loop3A_222 = arith.xori %parallel_loop3A_219, %parallel_loop3A_221 : vector<16xi32>
        %parallel_loop3A_223 = arith.constant 24 : i32
        %parallel_loop3A_224 = vector.broadcast %parallel_loop3A_223 : i32 to vector<16xi32>
        %parallel_loop3A_225 = arith.shrui %parallel_loop3A_222, %parallel_loop3A_224 : vector<16xi32>
        %parallel_loop3A_226 = arith.cmpi eq, %parallel_loop3A_225, %shift_right_logical3A_124 : vector<16xi32>
        %parallel_loop3A_227 = arith.constant 16 : i32
        %parallel_loop3A_228 = vector.broadcast %parallel_loop3A_227 : i32 to vector<16xi32>
        %parallel_loop3A_229 = arith.shrui %parallel_loop3A_222, %parallel_loop3A_228 : vector<16xi32>
        %parallel_loop3A_230 = arith.constant 255 : i32
        %parallel_loop3A_231 = vector.broadcast %parallel_loop3A_230 : i32 to vector<16xi32>
        %parallel_loop3A_232 = arith.andi %parallel_loop3A_229, %parallel_loop3A_231 : vector<16xi32>
        %parallel_loop3A_233 = arith.constant 4 : i32
        %parallel_loop3A_234 = vector.broadcast %parallel_loop3A_233 : i32 to vector<16xi32>
        %parallel_loop3A_235 = arith.shli %parallel_loop3A_232, %parallel_loop3A_234 : vector<16xi32>
        %parallel_loop3A_236 = arith.ori %parallel_loop3A_235, %iota3A : vector<16xi32>
        tpu.vector_store_idx %arg7[%parallel_loop3A_236], %broadcast_in_dim3A_1 masked %parallel_loop3A_226 {add = true} : memref<4096xi32, #tpu.memory_space<vmem>>[vector<16xi32>], vector<16xi32>, vector<16xi1>
      } {sc.loop_unroll_factor = 8 : i64, sc.parallel_access}
      %parallel_loop3A_128 = arith.constant 0 : i32
      %parallel_loop3A_129 = arith.constant 16 : i32
      %parallel_loop3A_130 = arith.constant 1 : i32
      scf.for %parallel_loop3A_215 = %parallel_loop3A_128 to %parallel_loop3A_129 step %parallel_loop3A_130  : i32 {
        %parallel_loop3A_216 = arith.constant 16 : i32
        %parallel_loop3A_217 = arith.muli %parallel_loop3A_215, %parallel_loop3A_216 : i32
        %parallel_loop3A_218 = vector.broadcast %parallel_loop3A_217 : i32 to vector<16xi32>
        %parallel_loop3A_219 = arith.addi %parallel_loop3A_218, %iota3A : vector<16xi32>
        %parallel_loop3A_220 = arith.constant 16 : i32
        %parallel_loop3A_221 = vector.broadcast %parallel_loop3A_220 : i32 to vector<16xi32>
        %parallel_loop3A_222 = arith.muli %parallel_loop3A_219, %parallel_loop3A_221 : vector<16xi32>
        %parallel_loop3A_223 = arith.constant 0 : i32
        %parallel_loop3A_224 = vector.broadcast %parallel_loop3A_223 : i32 to vector<16xi32>
        %parallel_loop3A_225 = arith.addi %parallel_loop3A_222, %parallel_loop3A_224 : vector<16xi32>
        %parallel_loop3A_226 = tpu.vector_load_idx %arg7[%parallel_loop3A_225] : memref<4096xi32, #tpu.memory_space<vmem>>[vector<16xi32>], vector<16xi32>,
        %parallel_loop3A_227 = arith.addi %broadcast_in_dim3A_5, %parallel_loop3A_226 : vector<16xi32>
        %parallel_loop3A_228 = arith.constant 1 : i32
        %parallel_loop3A_229 = vector.broadcast %parallel_loop3A_228 : i32 to vector<16xi32>
        %parallel_loop3A_230 = arith.addi %parallel_loop3A_222, %parallel_loop3A_229 : vector<16xi32>
        %parallel_loop3A_231 = tpu.vector_load_idx %arg7[%parallel_loop3A_230] : memref<4096xi32, #tpu.memory_space<vmem>>[vector<16xi32>], vector<16xi32>,
        %parallel_loop3A_232 = arith.addi %parallel_loop3A_227, %parallel_loop3A_231 : vector<16xi32>
        %parallel_loop3A_233 = arith.constant 2 : i32
        %parallel_loop3A_234 = vector.broadcast %parallel_loop3A_233 : i32 to vector<16xi32>
        %parallel_loop3A_235 = arith.addi %parallel_loop3A_222, %parallel_loop3A_234 : vector<16xi32>
        %parallel_loop3A_236 = tpu.vector_load_idx %arg7[%parallel_loop3A_235] : memref<4096xi32, #tpu.memory_space<vmem>>[vector<16xi32>], vector<16xi32>,
        %parallel_loop3A_237 = arith.addi %parallel_loop3A_232, %parallel_loop3A_236 : vector<16xi32>
        %parallel_loop3A_238 = arith.constant 3 : i32
        %parallel_loop3A_239 = vector.broadcast %parallel_loop3A_238 : i32 to vector<16xi32>
        %parallel_loop3A_240 = arith.addi %parallel_loop3A_222, %parallel_loop3A_239 : vector<16xi32>
        %parallel_loop3A_241 = tpu.vector_load_idx %arg7[%parallel_loop3A_240] : memref<4096xi32, #tpu.memory_space<vmem>>[vector<16xi32>], vector<16xi32>,
        %parallel_loop3A_242 = arith.addi %parallel_loop3A_237, %parallel_loop3A_241 : vector<16xi32>
        %parallel_loop3A_243 = arith.constant 4 : i32
        %parallel_loop3A_244 = vector.broadcast %parallel_loop3A_243 : i32 to vector<16xi32>
        %parallel_loop3A_245 = arith.addi %parallel_loop3A_222, %parallel_loop3A_244 : vector<16xi32>
        %parallel_loop3A_246 = tpu.vector_load_idx %arg7[%parallel_loop3A_245] : memref<4096xi32, #tpu.memory_space<vmem>>[vector<16xi32>], vector<16xi32>,
        %parallel_loop3A_247 = arith.addi %parallel_loop3A_242, %parallel_loop3A_246 : vector<16xi32>
        %parallel_loop3A_248 = arith.constant 5 : i32
        %parallel_loop3A_249 = vector.broadcast %parallel_loop3A_248 : i32 to vector<16xi32>
        %parallel_loop3A_250 = arith.addi %parallel_loop3A_222, %parallel_loop3A_249 : vector<16xi32>
        %parallel_loop3A_251 = tpu.vector_load_idx %arg7[%parallel_loop3A_250] : memref<4096xi32, #tpu.memory_space<vmem>>[vector<16xi32>], vector<16xi32>,
        %parallel_loop3A_252 = arith.addi %parallel_loop3A_247, %parallel_loop3A_251 : vector<16xi32>
        %parallel_loop3A_253 = arith.constant 6 : i32
        %parallel_loop3A_254 = vector.broadcast %parallel_loop3A_253 : i32 to vector<16xi32>
        %parallel_loop3A_255 = arith.addi %parallel_loop3A_222, %parallel_loop3A_254 : vector<16xi32>
        %parallel_loop3A_256 = tpu.vector_load_idx %arg7[%parallel_loop3A_255] : memref<4096xi32, #tpu.memory_space<vmem>>[vector<16xi32>], vector<16xi32>,
        %parallel_loop3A_257 = arith.addi %parallel_loop3A_252, %parallel_loop3A_256 : vector<16xi32>
        %parallel_loop3A_258 = arith.constant 7 : i32
        %parallel_loop3A_259 = vector.broadcast %parallel_loop3A_258 : i32 to vector<16xi32>
        %parallel_loop3A_260 = arith.addi %parallel_loop3A_222, %parallel_loop3A_259 : vector<16xi32>
        %parallel_loop3A_261 = tpu.vector_load_idx %arg7[%parallel_loop3A_260] : memref<4096xi32, #tpu.memory_space<vmem>>[vector<16xi32>], vector<16xi32>,
        %parallel_loop3A_262 = arith.addi %parallel_loop3A_257, %parallel_loop3A_261 : vector<16xi32>
        %parallel_loop3A_263 = arith.constant 8 : i32
        %parallel_loop3A_264 = vector.broadcast %parallel_loop3A_263 : i32 to vector<16xi32>
        %parallel_loop3A_265 = arith.addi %parallel_loop3A_222, %parallel_loop3A_264 : vector<16xi32>
        %parallel_loop3A_266 = tpu.vector_load_idx %arg7[%parallel_loop3A_265] : memref<4096xi32, #tpu.memory_space<vmem>>[vector<16xi32>], vector<16xi32>,
        %parallel_loop3A_267 = arith.addi %parallel_loop3A_262, %parallel_loop3A_266 : vector<16xi32>
        %parallel_loop3A_268 = arith.constant 9 : i32
        %parallel_loop3A_269 = vector.broadcast %parallel_loop3A_268 : i32 to vector<16xi32>
        %parallel_loop3A_270 = arith.addi %parallel_loop3A_222, %parallel_loop3A_269 : vector<16xi32>
        %parallel_loop3A_271 = tpu.vector_load_idx %arg7[%parallel_loop3A_270] : memref<4096xi32, #tpu.memory_space<vmem>>[vector<16xi32>], vector<16xi32>,
        %parallel_loop3A_272 = arith.addi %parallel_loop3A_267, %parallel_loop3A_271 : vector<16xi32>
        %parallel_loop3A_273 = arith.constant 10 : i32
        %parallel_loop3A_274 = vector.broadcast %parallel_loop3A_273 : i32 to vector<16xi32>
        %parallel_loop3A_275 = arith.addi %parallel_loop3A_222, %parallel_loop3A_274 : vector<16xi32>
        %parallel_loop3A_276 = tpu.vector_load_idx %arg7[%parallel_loop3A_275] : memref<4096xi32, #tpu.memory_space<vmem>>[vector<16xi32>], vector<16xi32>,
        %parallel_loop3A_277 = arith.addi %parallel_loop3A_272, %parallel_loop3A_276 : vector<16xi32>
        %parallel_loop3A_278 = arith.constant 11 : i32
        %parallel_loop3A_279 = vector.broadcast %parallel_loop3A_278 : i32 to vector<16xi32>
        %parallel_loop3A_280 = arith.addi %parallel_loop3A_222, %parallel_loop3A_279 : vector<16xi32>
        %parallel_loop3A_281 = tpu.vector_load_idx %arg7[%parallel_loop3A_280] : memref<4096xi32, #tpu.memory_space<vmem>>[vector<16xi32>], vector<16xi32>,
        %parallel_loop3A_282 = arith.addi %parallel_loop3A_277, %parallel_loop3A_281 : vector<16xi32>
        %parallel_loop3A_283 = arith.constant 12 : i32
        %parallel_loop3A_284 = vector.broadcast %parallel_loop3A_283 : i32 to vector<16xi32>
        %parallel_loop3A_285 = arith.addi %parallel_loop3A_222, %parallel_loop3A_284 : vector<16xi32>
        %parallel_loop3A_286 = tpu.vector_load_idx %arg7[%parallel_loop3A_285] : memref<4096xi32, #tpu.memory_space<vmem>>[vector<16xi32>], vector<16xi32>,
        %parallel_loop3A_287 = arith.addi %parallel_loop3A_282, %parallel_loop3A_286 : vector<16xi32>
        %parallel_loop3A_288 = arith.constant 13 : i32
        %parallel_loop3A_289 = vector.broadcast %parallel_loop3A_288 : i32 to vector<16xi32>
        %parallel_loop3A_290 = arith.addi %parallel_loop3A_222, %parallel_loop3A_289 : vector<16xi32>
        %parallel_loop3A_291 = tpu.vector_load_idx %arg7[%parallel_loop3A_290] : memref<4096xi32, #tpu.memory_space<vmem>>[vector<16xi32>], vector<16xi32>,
        %parallel_loop3A_292 = arith.addi %parallel_loop3A_287, %parallel_loop3A_291 : vector<16xi32>
        %parallel_loop3A_293 = arith.constant 14 : i32
        %parallel_loop3A_294 = vector.broadcast %parallel_loop3A_293 : i32 to vector<16xi32>
        %parallel_loop3A_295 = arith.addi %parallel_loop3A_222, %parallel_loop3A_294 : vector<16xi32>
        %parallel_loop3A_296 = tpu.vector_load_idx %arg7[%parallel_loop3A_295] : memref<4096xi32, #tpu.memory_space<vmem>>[vector<16xi32>], vector<16xi32>,
        %parallel_loop3A_297 = arith.addi %parallel_loop3A_292, %parallel_loop3A_296 : vector<16xi32>
        %parallel_loop3A_298 = arith.constant 15 : i32
        %parallel_loop3A_299 = vector.broadcast %parallel_loop3A_298 : i32 to vector<16xi32>
        %parallel_loop3A_300 = arith.addi %parallel_loop3A_222, %parallel_loop3A_299 : vector<16xi32>
        %parallel_loop3A_301 = tpu.vector_load_idx %arg7[%parallel_loop3A_300] : memref<4096xi32, #tpu.memory_space<vmem>>[vector<16xi32>], vector<16xi32>,
        %parallel_loop3A_302 = arith.addi %parallel_loop3A_297, %parallel_loop3A_301 : vector<16xi32>
        %parallel_loop3A_303 = arith.constant 16 : i32
        %parallel_loop3A_304 = arith.muli %parallel_loop3A_215, %parallel_loop3A_303 : i32
        %parallel_loop3A_305 = arith.index_cast %parallel_loop3A_304 : i32 to index
        %parallel_loop3A_306 = tpu.vector_load %arg8[%parallel_loop3A_305] {strides = array<i32>} : memref<256xi32, #tpu.memory_space<vmem>>, vector<16xi32>,
        tpu.vector_store %arg8[%parallel_loop3A_305], %parallel_loop3A_302 {strides = array<i32>} : memref<256xi32, #tpu.memory_space<vmem>>, vector<16xi32>,
      } {sc.loop_unroll_factor = 2 : i64, sc.parallel_access}
      %broadcast_in_dim3A_131 = arith.constant -1 : i32
      %broadcast_in_dim3A_132 = vector.broadcast %broadcast_in_dim3A_131 : i32 to vector<16xi32>
      %parallel_loop3A_133 = arith.constant 0 : i32
      %parallel_loop3A_134 = arith.constant 16 : i32
      %parallel_loop3A_135 = arith.constant 1 : i32
      %parallel_loop3A_136:3 = scf.for %parallel_loop3A_215 = %parallel_loop3A_133 to %parallel_loop3A_134 step %parallel_loop3A_135 iter_args(%parallel_loop3A_216 = %broadcast_in_dim3A_5, %parallel_loop3A_217 = %broadcast_in_dim3A_132, %parallel_loop3A_218 = %broadcast_in_dim3A_1) -> (vector<16xi32>, vector<16xi32>, vector<16xi32>)  : i32 {
        %parallel_loop3A_219 = arith.constant 15 : i32
        %parallel_loop3A_220 = arith.subi %parallel_loop3A_219, %parallel_loop3A_215 : i32
        %parallel_loop3A_221 = arith.constant 16 : i32
        %parallel_loop3A_222 = arith.muli %parallel_loop3A_220, %parallel_loop3A_221 : i32
        %parallel_loop3A_223 = arith.index_cast %parallel_loop3A_222 : i32 to index
        %parallel_loop3A_224 = tpu.vector_load %arg8[%parallel_loop3A_223] {strides = array<i32>} : memref<256xi32, #tpu.memory_space<vmem>>, vector<16xi32>,
        %parallel_loop3A_225 = arith.constant true
        %parallel_loop3A_226 = vector.broadcast %parallel_loop3A_225 : i1 to vector<16xi1>
        %parallel_loop3A_227 = tpu.scan <sum>, %parallel_loop3A_224 masked %parallel_loop3A_226 : vector<16xi32>, vector<16xi1> -> vector<16xi32>
        %parallel_loop3A_228 = vector.shape_cast %broadcast_in_dim3A_7 : vector<16xi32> to vector<16x1xi32>
        %parallel_loop3A_229 = vector.shape_cast %parallel_loop3A_228 : vector<16x1xi32> to vector<16xi32>
        %parallel_loop3A_230 = tpu.dynamic_gather %parallel_loop3A_227[%parallel_loop3A_229] in [0] : vector<16xi32>, vector<16xi32> -> vector<16xi32>
        %parallel_loop3A_231 = arith.addi %parallel_loop3A_216, %parallel_loop3A_230 : vector<16xi32>
        %parallel_loop3A_232 = arith.subi %parallel_loop3A_231, %parallel_loop3A_227 : vector<16xi32>
        %parallel_loop3A_233 = arith.addi %parallel_loop3A_232, %parallel_loop3A_224 : vector<16xi32>
        %parallel_loop3A_234 = arith.cmpi sge, %parallel_loop3A_233, %parallel_loop3A_117#2 : vector<16xi32>
        %parallel_loop3A_235 = tpu.all_reduce %parallel_loop3A_234 {dim = 0 : i64, kind = #tpu.reduction_kind<sum>} : vector<16xi1> -> vector<16xi32>
        %parallel_loop3A_236 = arith.constant 0 : i32
        %parallel_loop3A_237 = vector.broadcast %parallel_loop3A_236 : i32 to vector<16xi32>
        %parallel_loop3A_238 = arith.cmpi slt, %parallel_loop3A_217, %parallel_loop3A_237 : vector<16xi32>
        %parallel_loop3A_239 = arith.constant 0 : i32
        %parallel_loop3A_240 = vector.broadcast %parallel_loop3A_239 : i32 to vector<16xi32>
        %parallel_loop3A_241 = arith.cmpi sgt, %parallel_loop3A_235, %parallel_loop3A_240 : vector<16xi32>
        %parallel_loop3A_242 = arith.andi %parallel_loop3A_238, %parallel_loop3A_241 : vector<16xi1>
        %parallel_loop3A_243 = arith.constant 1 : i32
        %parallel_loop3A_244 = vector.broadcast %parallel_loop3A_243 : i32 to vector<16xi32>
        %parallel_loop3A_245 = arith.subi %parallel_loop3A_235, %parallel_loop3A_244 : vector<16xi32>
        %parallel_loop3A_246 = arith.constant 0 : i32
        %parallel_loop3A_247 = vector.broadcast %parallel_loop3A_246 : i32 to vector<16xi32>
        %parallel_loop3A_248 = arith.maxsi %parallel_loop3A_245, %parallel_loop3A_247 : vector<16xi32>
        %parallel_loop3A_249 = vector.shape_cast %parallel_loop3A_248 : vector<16xi32> to vector<16x1xi32>
        %parallel_loop3A_250 = vector.shape_cast %parallel_loop3A_249 : vector<16x1xi32> to vector<16xi32>
        %parallel_loop3A_251 = tpu.dynamic_gather %parallel_loop3A_227[%parallel_loop3A_250] in [0] : vector<16xi32>, vector<16xi32> -> vector<16xi32>
        %parallel_loop3A_252 = arith.addi %parallel_loop3A_216, %parallel_loop3A_230 : vector<16xi32>
        %parallel_loop3A_253 = arith.subi %parallel_loop3A_252, %parallel_loop3A_251 : vector<16xi32>
        %parallel_loop3A_254 = arith.constant 16 : i32
        %parallel_loop3A_255 = arith.muli %parallel_loop3A_220, %parallel_loop3A_254 : i32
        %parallel_loop3A_256 = vector.broadcast %parallel_loop3A_255 : i32 to vector<16xi32>
        %parallel_loop3A_257 = arith.addi %parallel_loop3A_256, %parallel_loop3A_245 : vector<16xi32>
        %parallel_loop3A_258 = arith.select %parallel_loop3A_242, %parallel_loop3A_257, %parallel_loop3A_217 : vector<16xi1>, vector<16xi32>
        %parallel_loop3A_259 = arith.subi %parallel_loop3A_117#2, %parallel_loop3A_253 : vector<16xi32>
        %parallel_loop3A_260 = arith.select %parallel_loop3A_242, %parallel_loop3A_259, %parallel_loop3A_218 : vector<16xi1>, vector<16xi32>
        %parallel_loop3A_261 = arith.addi %parallel_loop3A_216, %parallel_loop3A_230 : vector<16xi32>
        scf.yield %parallel_loop3A_261, %parallel_loop3A_258, %parallel_loop3A_260 : vector<16xi32>, vector<16xi32>, vector<16xi32>
      } {sc.loop_unroll_factor = 1 : i64, sc.parallel_access}
      %shift_left3A_137 = arith.constant 16 : i32
      %shift_left3A_138 = vector.broadcast %shift_left3A_137 : i32 to vector<16xi32>
      %shift_left3A_139 = arith.shli %parallel_loop3A_136#1, %shift_left3A_138 : vector<16xi32>
      %or3A = arith.ori %shift_left3A_119, %shift_left3A_139 : vector<16xi32>
      %parallel_loop3A_140 = arith.constant 0 : i32
      %parallel_loop3A_141 = arith.constant 256 : i32
      %parallel_loop3A_142 = arith.constant 1 : i32
      scf.for %parallel_loop3A_215 = %parallel_loop3A_140 to %parallel_loop3A_141 step %parallel_loop3A_142  : i32 {
        %parallel_loop3A_216 = arith.constant 16 : i32
        %parallel_loop3A_217 = arith.muli %parallel_loop3A_215, %parallel_loop3A_216 : i32
        %parallel_loop3A_218 = arith.index_cast %parallel_loop3A_217 : i32 to index
        %parallel_loop3A_219 = tpu.vector_load %arg7[%parallel_loop3A_218] {strides = array<i32>} : memref<4096xi32, #tpu.memory_space<vmem>>, vector<16xi32>,
        tpu.vector_store %arg7[%parallel_loop3A_218], %broadcast_in_dim3A_5 {strides = array<i32>} : memref<4096xi32, #tpu.memory_space<vmem>>, vector<16xi32>,
      } {sc.loop_unroll_factor = 8 : i64, sc.parallel_access}
      %shift_right_logical3A_143 = arith.constant 16 : i32
      %shift_right_logical3A_144 = vector.broadcast %shift_right_logical3A_143 : i32 to vector<16xi32>
      %shift_right_logical3A_145 = arith.shrui %or3A, %shift_right_logical3A_144 : vector<16xi32>
      %parallel_loop3A_146 = arith.constant 0 : i32
      %parallel_loop3A_147 = arith.constant 2048 : i32
      %parallel_loop3A_148 = arith.constant 1 : i32
      scf.for %parallel_loop3A_215 = %parallel_loop3A_146 to %parallel_loop3A_147 step %parallel_loop3A_148  : i32 {
        %parallel_loop3A_216 = arith.constant 16 : i32
        %parallel_loop3A_217 = arith.muli %parallel_loop3A_215, %parallel_loop3A_216 : i32
        %parallel_loop3A_218 = arith.index_cast %parallel_loop3A_217 : i32 to index
        %parallel_loop3A_219 = tpu.vector_load %arg6[%parallel_loop3A_218] {strides = array<i32>} : memref<32768xi32, #tpu.memory_space<vmem>>, vector<16xi32>,
        %parallel_loop3A_220 = arith.constant -2147483648 : i32
        %parallel_loop3A_221 = vector.broadcast %parallel_loop3A_220 : i32 to vector<16xi32>
        %parallel_loop3A_222 = arith.xori %parallel_loop3A_219, %parallel_loop3A_221 : vector<16xi32>
        %parallel_loop3A_223 = arith.constant 16 : i32
        %parallel_loop3A_224 = vector.broadcast %parallel_loop3A_223 : i32 to vector<16xi32>
        %parallel_loop3A_225 = arith.shrui %parallel_loop3A_222, %parallel_loop3A_224 : vector<16xi32>
        %parallel_loop3A_226 = arith.cmpi eq, %parallel_loop3A_225, %shift_right_logical3A_145 : vector<16xi32>
        %parallel_loop3A_227 = arith.constant 8 : i32
        %parallel_loop3A_228 = vector.broadcast %parallel_loop3A_227 : i32 to vector<16xi32>
        %parallel_loop3A_229 = arith.shrui %parallel_loop3A_222, %parallel_loop3A_228 : vector<16xi32>
        %parallel_loop3A_230 = arith.constant 255 : i32
        %parallel_loop3A_231 = vector.broadcast %parallel_loop3A_230 : i32 to vector<16xi32>
        %parallel_loop3A_232 = arith.andi %parallel_loop3A_229, %parallel_loop3A_231 : vector<16xi32>
        %parallel_loop3A_233 = arith.constant 4 : i32
        %parallel_loop3A_234 = vector.broadcast %parallel_loop3A_233 : i32 to vector<16xi32>
        %parallel_loop3A_235 = arith.shli %parallel_loop3A_232, %parallel_loop3A_234 : vector<16xi32>
        %parallel_loop3A_236 = arith.ori %parallel_loop3A_235, %iota3A : vector<16xi32>
        tpu.vector_store_idx %arg7[%parallel_loop3A_236], %broadcast_in_dim3A_1 masked %parallel_loop3A_226 {add = true} : memref<4096xi32, #tpu.memory_space<vmem>>[vector<16xi32>], vector<16xi32>, vector<16xi1>
      } {sc.loop_unroll_factor = 8 : i64, sc.parallel_access}
      %parallel_loop3A_149 = arith.constant 0 : i32
      %parallel_loop3A_150 = arith.constant 16 : i32
      %parallel_loop3A_151 = arith.constant 1 : i32
      scf.for %parallel_loop3A_215 = %parallel_loop3A_149 to %parallel_loop3A_150 step %parallel_loop3A_151  : i32 {
        %parallel_loop3A_216 = arith.constant 16 : i32
        %parallel_loop3A_217 = arith.muli %parallel_loop3A_215, %parallel_loop3A_216 : i32
        %parallel_loop3A_218 = vector.broadcast %parallel_loop3A_217 : i32 to vector<16xi32>
        %parallel_loop3A_219 = arith.addi %parallel_loop3A_218, %iota3A : vector<16xi32>
        %parallel_loop3A_220 = arith.constant 16 : i32
        %parallel_loop3A_221 = vector.broadcast %parallel_loop3A_220 : i32 to vector<16xi32>
        %parallel_loop3A_222 = arith.muli %parallel_loop3A_219, %parallel_loop3A_221 : vector<16xi32>
        %parallel_loop3A_223 = arith.constant 0 : i32
        %parallel_loop3A_224 = vector.broadcast %parallel_loop3A_223 : i32 to vector<16xi32>
        %parallel_loop3A_225 = arith.addi %parallel_loop3A_222, %parallel_loop3A_224 : vector<16xi32>
        %parallel_loop3A_226 = tpu.vector_load_idx %arg7[%parallel_loop3A_225] : memref<4096xi32, #tpu.memory_space<vmem>>[vector<16xi32>], vector<16xi32>,
        %parallel_loop3A_227 = arith.addi %broadcast_in_dim3A_5, %parallel_loop3A_226 : vector<16xi32>
        %parallel_loop3A_228 = arith.constant 1 : i32
        %parallel_loop3A_229 = vector.broadcast %parallel_loop3A_228 : i32 to vector<16xi32>
        %parallel_loop3A_230 = arith.addi %parallel_loop3A_222, %parallel_loop3A_229 : vector<16xi32>
        %parallel_loop3A_231 = tpu.vector_load_idx %arg7[%parallel_loop3A_230] : memref<4096xi32, #tpu.memory_space<vmem>>[vector<16xi32>], vector<16xi32>,
        %parallel_loop3A_232 = arith.addi %parallel_loop3A_227, %parallel_loop3A_231 : vector<16xi32>
        %parallel_loop3A_233 = arith.constant 2 : i32
        %parallel_loop3A_234 = vector.broadcast %parallel_loop3A_233 : i32 to vector<16xi32>
        %parallel_loop3A_235 = arith.addi %parallel_loop3A_222, %parallel_loop3A_234 : vector<16xi32>
        %parallel_loop3A_236 = tpu.vector_load_idx %arg7[%parallel_loop3A_235] : memref<4096xi32, #tpu.memory_space<vmem>>[vector<16xi32>], vector<16xi32>,
        %parallel_loop3A_237 = arith.addi %parallel_loop3A_232, %parallel_loop3A_236 : vector<16xi32>
        %parallel_loop3A_238 = arith.constant 3 : i32
        %parallel_loop3A_239 = vector.broadcast %parallel_loop3A_238 : i32 to vector<16xi32>
        %parallel_loop3A_240 = arith.addi %parallel_loop3A_222, %parallel_loop3A_239 : vector<16xi32>
        %parallel_loop3A_241 = tpu.vector_load_idx %arg7[%parallel_loop3A_240] : memref<4096xi32, #tpu.memory_space<vmem>>[vector<16xi32>], vector<16xi32>,
        %parallel_loop3A_242 = arith.addi %parallel_loop3A_237, %parallel_loop3A_241 : vector<16xi32>
        %parallel_loop3A_243 = arith.constant 4 : i32
        %parallel_loop3A_244 = vector.broadcast %parallel_loop3A_243 : i32 to vector<16xi32>
        %parallel_loop3A_245 = arith.addi %parallel_loop3A_222, %parallel_loop3A_244 : vector<16xi32>
        %parallel_loop3A_246 = tpu.vector_load_idx %arg7[%parallel_loop3A_245] : memref<4096xi32, #tpu.memory_space<vmem>>[vector<16xi32>], vector<16xi32>,
        %parallel_loop3A_247 = arith.addi %parallel_loop3A_242, %parallel_loop3A_246 : vector<16xi32>
        %parallel_loop3A_248 = arith.constant 5 : i32
        %parallel_loop3A_249 = vector.broadcast %parallel_loop3A_248 : i32 to vector<16xi32>
        %parallel_loop3A_250 = arith.addi %parallel_loop3A_222, %parallel_loop3A_249 : vector<16xi32>
        %parallel_loop3A_251 = tpu.vector_load_idx %arg7[%parallel_loop3A_250] : memref<4096xi32, #tpu.memory_space<vmem>>[vector<16xi32>], vector<16xi32>,
        %parallel_loop3A_252 = arith.addi %parallel_loop3A_247, %parallel_loop3A_251 : vector<16xi32>
        %parallel_loop3A_253 = arith.constant 6 : i32
        %parallel_loop3A_254 = vector.broadcast %parallel_loop3A_253 : i32 to vector<16xi32>
        %parallel_loop3A_255 = arith.addi %parallel_loop3A_222, %parallel_loop3A_254 : vector<16xi32>
        %parallel_loop3A_256 = tpu.vector_load_idx %arg7[%parallel_loop3A_255] : memref<4096xi32, #tpu.memory_space<vmem>>[vector<16xi32>], vector<16xi32>,
        %parallel_loop3A_257 = arith.addi %parallel_loop3A_252, %parallel_loop3A_256 : vector<16xi32>
        %parallel_loop3A_258 = arith.constant 7 : i32
        %parallel_loop3A_259 = vector.broadcast %parallel_loop3A_258 : i32 to vector<16xi32>
        %parallel_loop3A_260 = arith.addi %parallel_loop3A_222, %parallel_loop3A_259 : vector<16xi32>
        %parallel_loop3A_261 = tpu.vector_load_idx %arg7[%parallel_loop3A_260] : memref<4096xi32, #tpu.memory_space<vmem>>[vector<16xi32>], vector<16xi32>,
        %parallel_loop3A_262 = arith.addi %parallel_loop3A_257, %parallel_loop3A_261 : vector<16xi32>
        %parallel_loop3A_263 = arith.constant 8 : i32
        %parallel_loop3A_264 = vector.broadcast %parallel_loop3A_263 : i32 to vector<16xi32>
        %parallel_loop3A_265 = arith.addi %parallel_loop3A_222, %parallel_loop3A_264 : vector<16xi32>
        %parallel_loop3A_266 = tpu.vector_load_idx %arg7[%parallel_loop3A_265] : memref<4096xi32, #tpu.memory_space<vmem>>[vector<16xi32>], vector<16xi32>,
        %parallel_loop3A_267 = arith.addi %parallel_loop3A_262, %parallel_loop3A_266 : vector<16xi32>
        %parallel_loop3A_268 = arith.constant 9 : i32
        %parallel_loop3A_269 = vector.broadcast %parallel_loop3A_268 : i32 to vector<16xi32>
        %parallel_loop3A_270 = arith.addi %parallel_loop3A_222, %parallel_loop3A_269 : vector<16xi32>
        %parallel_loop3A_271 = tpu.vector_load_idx %arg7[%parallel_loop3A_270] : memref<4096xi32, #tpu.memory_space<vmem>>[vector<16xi32>], vector<16xi32>,
        %parallel_loop3A_272 = arith.addi %parallel_loop3A_267, %parallel_loop3A_271 : vector<16xi32>
        %parallel_loop3A_273 = arith.constant 10 : i32
        %parallel_loop3A_274 = vector.broadcast %parallel_loop3A_273 : i32 to vector<16xi32>
        %parallel_loop3A_275 = arith.addi %parallel_loop3A_222, %parallel_loop3A_274 : vector<16xi32>
        %parallel_loop3A_276 = tpu.vector_load_idx %arg7[%parallel_loop3A_275] : memref<4096xi32, #tpu.memory_space<vmem>>[vector<16xi32>], vector<16xi32>,
        %parallel_loop3A_277 = arith.addi %parallel_loop3A_272, %parallel_loop3A_276 : vector<16xi32>
        %parallel_loop3A_278 = arith.constant 11 : i32
        %parallel_loop3A_279 = vector.broadcast %parallel_loop3A_278 : i32 to vector<16xi32>
        %parallel_loop3A_280 = arith.addi %parallel_loop3A_222, %parallel_loop3A_279 : vector<16xi32>
        %parallel_loop3A_281 = tpu.vector_load_idx %arg7[%parallel_loop3A_280] : memref<4096xi32, #tpu.memory_space<vmem>>[vector<16xi32>], vector<16xi32>,
        %parallel_loop3A_282 = arith.addi %parallel_loop3A_277, %parallel_loop3A_281 : vector<16xi32>
        %parallel_loop3A_283 = arith.constant 12 : i32
        %parallel_loop3A_284 = vector.broadcast %parallel_loop3A_283 : i32 to vector<16xi32>
        %parallel_loop3A_285 = arith.addi %parallel_loop3A_222, %parallel_loop3A_284 : vector<16xi32>
        %parallel_loop3A_286 = tpu.vector_load_idx %arg7[%parallel_loop3A_285] : memref<4096xi32, #tpu.memory_space<vmem>>[vector<16xi32>], vector<16xi32>,
        %parallel_loop3A_287 = arith.addi %parallel_loop3A_282, %parallel_loop3A_286 : vector<16xi32>
        %parallel_loop3A_288 = arith.constant 13 : i32
        %parallel_loop3A_289 = vector.broadcast %parallel_loop3A_288 : i32 to vector<16xi32>
        %parallel_loop3A_290 = arith.addi %parallel_loop3A_222, %parallel_loop3A_289 : vector<16xi32>
        %parallel_loop3A_291 = tpu.vector_load_idx %arg7[%parallel_loop3A_290] : memref<4096xi32, #tpu.memory_space<vmem>>[vector<16xi32>], vector<16xi32>,
        %parallel_loop3A_292 = arith.addi %parallel_loop3A_287, %parallel_loop3A_291 : vector<16xi32>
        %parallel_loop3A_293 = arith.constant 14 : i32
        %parallel_loop3A_294 = vector.broadcast %parallel_loop3A_293 : i32 to vector<16xi32>
        %parallel_loop3A_295 = arith.addi %parallel_loop3A_222, %parallel_loop3A_294 : vector<16xi32>
        %parallel_loop3A_296 = tpu.vector_load_idx %arg7[%parallel_loop3A_295] : memref<4096xi32, #tpu.memory_space<vmem>>[vector<16xi32>], vector<16xi32>,
        %parallel_loop3A_297 = arith.addi %parallel_loop3A_292, %parallel_loop3A_296 : vector<16xi32>
        %parallel_loop3A_298 = arith.constant 15 : i32
        %parallel_loop3A_299 = vector.broadcast %parallel_loop3A_298 : i32 to vector<16xi32>
        %parallel_loop3A_300 = arith.addi %parallel_loop3A_222, %parallel_loop3A_299 : vector<16xi32>
        %parallel_loop3A_301 = tpu.vector_load_idx %arg7[%parallel_loop3A_300] : memref<4096xi32, #tpu.memory_space<vmem>>[vector<16xi32>], vector<16xi32>,
        %parallel_loop3A_302 = arith.addi %parallel_loop3A_297, %parallel_loop3A_301 : vector<16xi32>
        %parallel_loop3A_303 = arith.constant 16 : i32
        %parallel_loop3A_304 = arith.muli %parallel_loop3A_215, %parallel_loop3A_303 : i32
        %parallel_loop3A_305 = arith.index_cast %parallel_loop3A_304 : i32 to index
        %parallel_loop3A_306 = tpu.vector_load %arg8[%parallel_loop3A_305] {strides = array<i32>} : memref<256xi32, #tpu.memory_space<vmem>>, vector<16xi32>,
        tpu.vector_store %arg8[%parallel_loop3A_305], %parallel_loop3A_302 {strides = array<i32>} : memref<256xi32, #tpu.memory_space<vmem>>, vector<16xi32>,
      } {sc.loop_unroll_factor = 2 : i64, sc.parallel_access}
      %broadcast_in_dim3A_152 = arith.constant -1 : i32
      %broadcast_in_dim3A_153 = vector.broadcast %broadcast_in_dim3A_152 : i32 to vector<16xi32>
      %parallel_loop3A_154 = arith.constant 0 : i32
      %parallel_loop3A_155 = arith.constant 16 : i32
      %parallel_loop3A_156 = arith.constant 1 : i32
      %parallel_loop3A_157:3 = scf.for %parallel_loop3A_215 = %parallel_loop3A_154 to %parallel_loop3A_155 step %parallel_loop3A_156 iter_args(%parallel_loop3A_216 = %broadcast_in_dim3A_5, %parallel_loop3A_217 = %broadcast_in_dim3A_153, %parallel_loop3A_218 = %broadcast_in_dim3A_1) -> (vector<16xi32>, vector<16xi32>, vector<16xi32>)  : i32 {
        %parallel_loop3A_219 = arith.constant 15 : i32
        %parallel_loop3A_220 = arith.subi %parallel_loop3A_219, %parallel_loop3A_215 : i32
        %parallel_loop3A_221 = arith.constant 16 : i32
        %parallel_loop3A_222 = arith.muli %parallel_loop3A_220, %parallel_loop3A_221 : i32
        %parallel_loop3A_223 = arith.index_cast %parallel_loop3A_222 : i32 to index
        %parallel_loop3A_224 = tpu.vector_load %arg8[%parallel_loop3A_223] {strides = array<i32>} : memref<256xi32, #tpu.memory_space<vmem>>, vector<16xi32>,
        %parallel_loop3A_225 = arith.constant true
        %parallel_loop3A_226 = vector.broadcast %parallel_loop3A_225 : i1 to vector<16xi1>
        %parallel_loop3A_227 = tpu.scan <sum>, %parallel_loop3A_224 masked %parallel_loop3A_226 : vector<16xi32>, vector<16xi1> -> vector<16xi32>
        %parallel_loop3A_228 = vector.shape_cast %broadcast_in_dim3A_7 : vector<16xi32> to vector<16x1xi32>
        %parallel_loop3A_229 = vector.shape_cast %parallel_loop3A_228 : vector<16x1xi32> to vector<16xi32>
        %parallel_loop3A_230 = tpu.dynamic_gather %parallel_loop3A_227[%parallel_loop3A_229] in [0] : vector<16xi32>, vector<16xi32> -> vector<16xi32>
        %parallel_loop3A_231 = arith.addi %parallel_loop3A_216, %parallel_loop3A_230 : vector<16xi32>
        %parallel_loop3A_232 = arith.subi %parallel_loop3A_231, %parallel_loop3A_227 : vector<16xi32>
        %parallel_loop3A_233 = arith.addi %parallel_loop3A_232, %parallel_loop3A_224 : vector<16xi32>
        %parallel_loop3A_234 = arith.cmpi sge, %parallel_loop3A_233, %parallel_loop3A_136#2 : vector<16xi32>
        %parallel_loop3A_235 = tpu.all_reduce %parallel_loop3A_234 {dim = 0 : i64, kind = #tpu.reduction_kind<sum>} : vector<16xi1> -> vector<16xi32>
        %parallel_loop3A_236 = arith.constant 0 : i32
        %parallel_loop3A_237 = vector.broadcast %parallel_loop3A_236 : i32 to vector<16xi32>
        %parallel_loop3A_238 = arith.cmpi slt, %parallel_loop3A_217, %parallel_loop3A_237 : vector<16xi32>
        %parallel_loop3A_239 = arith.constant 0 : i32
        %parallel_loop3A_240 = vector.broadcast %parallel_loop3A_239 : i32 to vector<16xi32>
        %parallel_loop3A_241 = arith.cmpi sgt, %parallel_loop3A_235, %parallel_loop3A_240 : vector<16xi32>
        %parallel_loop3A_242 = arith.andi %parallel_loop3A_238, %parallel_loop3A_241 : vector<16xi1>
        %parallel_loop3A_243 = arith.constant 1 : i32
        %parallel_loop3A_244 = vector.broadcast %parallel_loop3A_243 : i32 to vector<16xi32>
        %parallel_loop3A_245 = arith.subi %parallel_loop3A_235, %parallel_loop3A_244 : vector<16xi32>
        %parallel_loop3A_246 = arith.constant 0 : i32
        %parallel_loop3A_247 = vector.broadcast %parallel_loop3A_246 : i32 to vector<16xi32>
        %parallel_loop3A_248 = arith.maxsi %parallel_loop3A_245, %parallel_loop3A_247 : vector<16xi32>
        %parallel_loop3A_249 = vector.shape_cast %parallel_loop3A_248 : vector<16xi32> to vector<16x1xi32>
        %parallel_loop3A_250 = vector.shape_cast %parallel_loop3A_249 : vector<16x1xi32> to vector<16xi32>
        %parallel_loop3A_251 = tpu.dynamic_gather %parallel_loop3A_227[%parallel_loop3A_250] in [0] : vector<16xi32>, vector<16xi32> -> vector<16xi32>
        %parallel_loop3A_252 = arith.addi %parallel_loop3A_216, %parallel_loop3A_230 : vector<16xi32>
        %parallel_loop3A_253 = arith.subi %parallel_loop3A_252, %parallel_loop3A_251 : vector<16xi32>
        %parallel_loop3A_254 = arith.constant 16 : i32
        %parallel_loop3A_255 = arith.muli %parallel_loop3A_220, %parallel_loop3A_254 : i32
        %parallel_loop3A_256 = vector.broadcast %parallel_loop3A_255 : i32 to vector<16xi32>
        %parallel_loop3A_257 = arith.addi %parallel_loop3A_256, %parallel_loop3A_245 : vector<16xi32>
        %parallel_loop3A_258 = arith.select %parallel_loop3A_242, %parallel_loop3A_257, %parallel_loop3A_217 : vector<16xi1>, vector<16xi32>
        %parallel_loop3A_259 = arith.subi %parallel_loop3A_136#2, %parallel_loop3A_253 : vector<16xi32>
        %parallel_loop3A_260 = arith.select %parallel_loop3A_242, %parallel_loop3A_259, %parallel_loop3A_218 : vector<16xi1>, vector<16xi32>
        %parallel_loop3A_261 = arith.addi %parallel_loop3A_216, %parallel_loop3A_230 : vector<16xi32>
        scf.yield %parallel_loop3A_261, %parallel_loop3A_258, %parallel_loop3A_260 : vector<16xi32>, vector<16xi32>, vector<16xi32>
      } {sc.loop_unroll_factor = 1 : i64, sc.parallel_access}
      %shift_left3A_158 = arith.constant 8 : i32
      %shift_left3A_159 = vector.broadcast %shift_left3A_158 : i32 to vector<16xi32>
      %shift_left3A_160 = arith.shli %parallel_loop3A_157#1, %shift_left3A_159 : vector<16xi32>
      %or3A_161 = arith.ori %or3A, %shift_left3A_160 : vector<16xi32>
      %parallel_loop3A_162 = arith.constant 0 : i32
      %parallel_loop3A_163 = arith.constant 256 : i32
      %parallel_loop3A_164 = arith.constant 1 : i32
      scf.for %parallel_loop3A_215 = %parallel_loop3A_162 to %parallel_loop3A_163 step %parallel_loop3A_164  : i32 {
        %parallel_loop3A_216 = arith.constant 16 : i32
        %parallel_loop3A_217 = arith.muli %parallel_loop3A_215, %parallel_loop3A_216 : i32
        %parallel_loop3A_218 = arith.index_cast %parallel_loop3A_217 : i32 to index
        %parallel_loop3A_219 = tpu.vector_load %arg7[%parallel_loop3A_218] {strides = array<i32>} : memref<4096xi32, #tpu.memory_space<vmem>>, vector<16xi32>,
        tpu.vector_store %arg7[%parallel_loop3A_218], %broadcast_in_dim3A_5 {strides = array<i32>} : memref<4096xi32, #tpu.memory_space<vmem>>, vector<16xi32>,
      } {sc.loop_unroll_factor = 8 : i64, sc.parallel_access}
      %shift_right_logical3A_165 = arith.constant 8 : i32
      %shift_right_logical3A_166 = vector.broadcast %shift_right_logical3A_165 : i32 to vector<16xi32>
      %shift_right_logical3A_167 = arith.shrui %or3A_161, %shift_right_logical3A_166 : vector<16xi32>
      %parallel_loop3A_168 = arith.constant 0 : i32
      %parallel_loop3A_169 = arith.constant 2048 : i32
      %parallel_loop3A_170 = arith.constant 1 : i32
      scf.for %parallel_loop3A_215 = %parallel_loop3A_168 to %parallel_loop3A_169 step %parallel_loop3A_170  : i32 {
        %parallel_loop3A_216 = arith.constant 16 : i32
        %parallel_loop3A_217 = arith.muli %parallel_loop3A_215, %parallel_loop3A_216 : i32
        %parallel_loop3A_218 = arith.index_cast %parallel_loop3A_217 : i32 to index
        %parallel_loop3A_219 = tpu.vector_load %arg6[%parallel_loop3A_218] {strides = array<i32>} : memref<32768xi32, #tpu.memory_space<vmem>>, vector<16xi32>,
        %parallel_loop3A_220 = arith.constant -2147483648 : i32
        %parallel_loop3A_221 = vector.broadcast %parallel_loop3A_220 : i32 to vector<16xi32>
        %parallel_loop3A_222 = arith.xori %parallel_loop3A_219, %parallel_loop3A_221 : vector<16xi32>
        %parallel_loop3A_223 = arith.constant 8 : i32
        %parallel_loop3A_224 = vector.broadcast %parallel_loop3A_223 : i32 to vector<16xi32>
        %parallel_loop3A_225 = arith.shrui %parallel_loop3A_222, %parallel_loop3A_224 : vector<16xi32>
        %parallel_loop3A_226 = arith.cmpi eq, %parallel_loop3A_225, %shift_right_logical3A_167 : vector<16xi32>
        %parallel_loop3A_227 = arith.constant 0 : i32
        %parallel_loop3A_228 = vector.broadcast %parallel_loop3A_227 : i32 to vector<16xi32>
        %parallel_loop3A_229 = arith.shrui %parallel_loop3A_222, %parallel_loop3A_228 : vector<16xi32>
        %parallel_loop3A_230 = arith.constant 255 : i32
        %parallel_loop3A_231 = vector.broadcast %parallel_loop3A_230 : i32 to vector<16xi32>
        %parallel_loop3A_232 = arith.andi %parallel_loop3A_229, %parallel_loop3A_231 : vector<16xi32>
        %parallel_loop3A_233 = arith.constant 4 : i32
        %parallel_loop3A_234 = vector.broadcast %parallel_loop3A_233 : i32 to vector<16xi32>
        %parallel_loop3A_235 = arith.shli %parallel_loop3A_232, %parallel_loop3A_234 : vector<16xi32>
        %parallel_loop3A_236 = arith.ori %parallel_loop3A_235, %iota3A : vector<16xi32>
        tpu.vector_store_idx %arg7[%parallel_loop3A_236], %broadcast_in_dim3A_1 masked %parallel_loop3A_226 {add = true} : memref<4096xi32, #tpu.memory_space<vmem>>[vector<16xi32>], vector<16xi32>, vector<16xi1>
      } {sc.loop_unroll_factor = 8 : i64, sc.parallel_access}
      %parallel_loop3A_171 = arith.constant 0 : i32
      %parallel_loop3A_172 = arith.constant 16 : i32
      %parallel_loop3A_173 = arith.constant 1 : i32
      scf.for %parallel_loop3A_215 = %parallel_loop3A_171 to %parallel_loop3A_172 step %parallel_loop3A_173  : i32 {
        %parallel_loop3A_216 = arith.constant 16 : i32
        %parallel_loop3A_217 = arith.muli %parallel_loop3A_215, %parallel_loop3A_216 : i32
        %parallel_loop3A_218 = vector.broadcast %parallel_loop3A_217 : i32 to vector<16xi32>
        %parallel_loop3A_219 = arith.addi %parallel_loop3A_218, %iota3A : vector<16xi32>
        %parallel_loop3A_220 = arith.constant 16 : i32
        %parallel_loop3A_221 = vector.broadcast %parallel_loop3A_220 : i32 to vector<16xi32>
        %parallel_loop3A_222 = arith.muli %parallel_loop3A_219, %parallel_loop3A_221 : vector<16xi32>
        %parallel_loop3A_223 = arith.constant 0 : i32
        %parallel_loop3A_224 = vector.broadcast %parallel_loop3A_223 : i32 to vector<16xi32>
        %parallel_loop3A_225 = arith.addi %parallel_loop3A_222, %parallel_loop3A_224 : vector<16xi32>
        %parallel_loop3A_226 = tpu.vector_load_idx %arg7[%parallel_loop3A_225] : memref<4096xi32, #tpu.memory_space<vmem>>[vector<16xi32>], vector<16xi32>,
        %parallel_loop3A_227 = arith.addi %broadcast_in_dim3A_5, %parallel_loop3A_226 : vector<16xi32>
        %parallel_loop3A_228 = arith.constant 1 : i32
        %parallel_loop3A_229 = vector.broadcast %parallel_loop3A_228 : i32 to vector<16xi32>
        %parallel_loop3A_230 = arith.addi %parallel_loop3A_222, %parallel_loop3A_229 : vector<16xi32>
        %parallel_loop3A_231 = tpu.vector_load_idx %arg7[%parallel_loop3A_230] : memref<4096xi32, #tpu.memory_space<vmem>>[vector<16xi32>], vector<16xi32>,
        %parallel_loop3A_232 = arith.addi %parallel_loop3A_227, %parallel_loop3A_231 : vector<16xi32>
        %parallel_loop3A_233 = arith.constant 2 : i32
        %parallel_loop3A_234 = vector.broadcast %parallel_loop3A_233 : i32 to vector<16xi32>
        %parallel_loop3A_235 = arith.addi %parallel_loop3A_222, %parallel_loop3A_234 : vector<16xi32>
        %parallel_loop3A_236 = tpu.vector_load_idx %arg7[%parallel_loop3A_235] : memref<4096xi32, #tpu.memory_space<vmem>>[vector<16xi32>], vector<16xi32>,
        %parallel_loop3A_237 = arith.addi %parallel_loop3A_232, %parallel_loop3A_236 : vector<16xi32>
        %parallel_loop3A_238 = arith.constant 3 : i32
        %parallel_loop3A_239 = vector.broadcast %parallel_loop3A_238 : i32 to vector<16xi32>
        %parallel_loop3A_240 = arith.addi %parallel_loop3A_222, %parallel_loop3A_239 : vector<16xi32>
        %parallel_loop3A_241 = tpu.vector_load_idx %arg7[%parallel_loop3A_240] : memref<4096xi32, #tpu.memory_space<vmem>>[vector<16xi32>], vector<16xi32>,
        %parallel_loop3A_242 = arith.addi %parallel_loop3A_237, %parallel_loop3A_241 : vector<16xi32>
        %parallel_loop3A_243 = arith.constant 4 : i32
        %parallel_loop3A_244 = vector.broadcast %parallel_loop3A_243 : i32 to vector<16xi32>
        %parallel_loop3A_245 = arith.addi %parallel_loop3A_222, %parallel_loop3A_244 : vector<16xi32>
        %parallel_loop3A_246 = tpu.vector_load_idx %arg7[%parallel_loop3A_245] : memref<4096xi32, #tpu.memory_space<vmem>>[vector<16xi32>], vector<16xi32>,
        %parallel_loop3A_247 = arith.addi %parallel_loop3A_242, %parallel_loop3A_246 : vector<16xi32>
        %parallel_loop3A_248 = arith.constant 5 : i32
        %parallel_loop3A_249 = vector.broadcast %parallel_loop3A_248 : i32 to vector<16xi32>
        %parallel_loop3A_250 = arith.addi %parallel_loop3A_222, %parallel_loop3A_249 : vector<16xi32>
        %parallel_loop3A_251 = tpu.vector_load_idx %arg7[%parallel_loop3A_250] : memref<4096xi32, #tpu.memory_space<vmem>>[vector<16xi32>], vector<16xi32>,
        %parallel_loop3A_252 = arith.addi %parallel_loop3A_247, %parallel_loop3A_251 : vector<16xi32>
        %parallel_loop3A_253 = arith.constant 6 : i32
        %parallel_loop3A_254 = vector.broadcast %parallel_loop3A_253 : i32 to vector<16xi32>
        %parallel_loop3A_255 = arith.addi %parallel_loop3A_222, %parallel_loop3A_254 : vector<16xi32>
        %parallel_loop3A_256 = tpu.vector_load_idx %arg7[%parallel_loop3A_255] : memref<4096xi32, #tpu.memory_space<vmem>>[vector<16xi32>], vector<16xi32>,
        %parallel_loop3A_257 = arith.addi %parallel_loop3A_252, %parallel_loop3A_256 : vector<16xi32>
        %parallel_loop3A_258 = arith.constant 7 : i32
        %parallel_loop3A_259 = vector.broadcast %parallel_loop3A_258 : i32 to vector<16xi32>
        %parallel_loop3A_260 = arith.addi %parallel_loop3A_222, %parallel_loop3A_259 : vector<16xi32>
        %parallel_loop3A_261 = tpu.vector_load_idx %arg7[%parallel_loop3A_260] : memref<4096xi32, #tpu.memory_space<vmem>>[vector<16xi32>], vector<16xi32>,
        %parallel_loop3A_262 = arith.addi %parallel_loop3A_257, %parallel_loop3A_261 : vector<16xi32>
        %parallel_loop3A_263 = arith.constant 8 : i32
        %parallel_loop3A_264 = vector.broadcast %parallel_loop3A_263 : i32 to vector<16xi32>
        %parallel_loop3A_265 = arith.addi %parallel_loop3A_222, %parallel_loop3A_264 : vector<16xi32>
        %parallel_loop3A_266 = tpu.vector_load_idx %arg7[%parallel_loop3A_265] : memref<4096xi32, #tpu.memory_space<vmem>>[vector<16xi32>], vector<16xi32>,
        %parallel_loop3A_267 = arith.addi %parallel_loop3A_262, %parallel_loop3A_266 : vector<16xi32>
        %parallel_loop3A_268 = arith.constant 9 : i32
        %parallel_loop3A_269 = vector.broadcast %parallel_loop3A_268 : i32 to vector<16xi32>
        %parallel_loop3A_270 = arith.addi %parallel_loop3A_222, %parallel_loop3A_269 : vector<16xi32>
        %parallel_loop3A_271 = tpu.vector_load_idx %arg7[%parallel_loop3A_270] : memref<4096xi32, #tpu.memory_space<vmem>>[vector<16xi32>], vector<16xi32>,
        %parallel_loop3A_272 = arith.addi %parallel_loop3A_267, %parallel_loop3A_271 : vector<16xi32>
        %parallel_loop3A_273 = arith.constant 10 : i32
        %parallel_loop3A_274 = vector.broadcast %parallel_loop3A_273 : i32 to vector<16xi32>
        %parallel_loop3A_275 = arith.addi %parallel_loop3A_222, %parallel_loop3A_274 : vector<16xi32>
        %parallel_loop3A_276 = tpu.vector_load_idx %arg7[%parallel_loop3A_275] : memref<4096xi32, #tpu.memory_space<vmem>>[vector<16xi32>], vector<16xi32>,
        %parallel_loop3A_277 = arith.addi %parallel_loop3A_272, %parallel_loop3A_276 : vector<16xi32>
        %parallel_loop3A_278 = arith.constant 11 : i32
        %parallel_loop3A_279 = vector.broadcast %parallel_loop3A_278 : i32 to vector<16xi32>
        %parallel_loop3A_280 = arith.addi %parallel_loop3A_222, %parallel_loop3A_279 : vector<16xi32>
        %parallel_loop3A_281 = tpu.vector_load_idx %arg7[%parallel_loop3A_280] : memref<4096xi32, #tpu.memory_space<vmem>>[vector<16xi32>], vector<16xi32>,
        %parallel_loop3A_282 = arith.addi %parallel_loop3A_277, %parallel_loop3A_281 : vector<16xi32>
        %parallel_loop3A_283 = arith.constant 12 : i32
        %parallel_loop3A_284 = vector.broadcast %parallel_loop3A_283 : i32 to vector<16xi32>
        %parallel_loop3A_285 = arith.addi %parallel_loop3A_222, %parallel_loop3A_284 : vector<16xi32>
        %parallel_loop3A_286 = tpu.vector_load_idx %arg7[%parallel_loop3A_285] : memref<4096xi32, #tpu.memory_space<vmem>>[vector<16xi32>], vector<16xi32>,
        %parallel_loop3A_287 = arith.addi %parallel_loop3A_282, %parallel_loop3A_286 : vector<16xi32>
        %parallel_loop3A_288 = arith.constant 13 : i32
        %parallel_loop3A_289 = vector.broadcast %parallel_loop3A_288 : i32 to vector<16xi32>
        %parallel_loop3A_290 = arith.addi %parallel_loop3A_222, %parallel_loop3A_289 : vector<16xi32>
        %parallel_loop3A_291 = tpu.vector_load_idx %arg7[%parallel_loop3A_290] : memref<4096xi32, #tpu.memory_space<vmem>>[vector<16xi32>], vector<16xi32>,
        %parallel_loop3A_292 = arith.addi %parallel_loop3A_287, %parallel_loop3A_291 : vector<16xi32>
        %parallel_loop3A_293 = arith.constant 14 : i32
        %parallel_loop3A_294 = vector.broadcast %parallel_loop3A_293 : i32 to vector<16xi32>
        %parallel_loop3A_295 = arith.addi %parallel_loop3A_222, %parallel_loop3A_294 : vector<16xi32>
        %parallel_loop3A_296 = tpu.vector_load_idx %arg7[%parallel_loop3A_295] : memref<4096xi32, #tpu.memory_space<vmem>>[vector<16xi32>], vector<16xi32>,
        %parallel_loop3A_297 = arith.addi %parallel_loop3A_292, %parallel_loop3A_296 : vector<16xi32>
        %parallel_loop3A_298 = arith.constant 15 : i32
        %parallel_loop3A_299 = vector.broadcast %parallel_loop3A_298 : i32 to vector<16xi32>
        %parallel_loop3A_300 = arith.addi %parallel_loop3A_222, %parallel_loop3A_299 : vector<16xi32>
        %parallel_loop3A_301 = tpu.vector_load_idx %arg7[%parallel_loop3A_300] : memref<4096xi32, #tpu.memory_space<vmem>>[vector<16xi32>], vector<16xi32>,
        %parallel_loop3A_302 = arith.addi %parallel_loop3A_297, %parallel_loop3A_301 : vector<16xi32>
        %parallel_loop3A_303 = arith.constant 16 : i32
        %parallel_loop3A_304 = arith.muli %parallel_loop3A_215, %parallel_loop3A_303 : i32
        %parallel_loop3A_305 = arith.index_cast %parallel_loop3A_304 : i32 to index
        %parallel_loop3A_306 = tpu.vector_load %arg8[%parallel_loop3A_305] {strides = array<i32>} : memref<256xi32, #tpu.memory_space<vmem>>, vector<16xi32>,
        tpu.vector_store %arg8[%parallel_loop3A_305], %parallel_loop3A_302 {strides = array<i32>} : memref<256xi32, #tpu.memory_space<vmem>>, vector<16xi32>,
      } {sc.loop_unroll_factor = 2 : i64, sc.parallel_access}
      %broadcast_in_dim3A_174 = arith.constant -1 : i32
      %broadcast_in_dim3A_175 = vector.broadcast %broadcast_in_dim3A_174 : i32 to vector<16xi32>
      %parallel_loop3A_176 = arith.constant 0 : i32
      %parallel_loop3A_177 = arith.constant 16 : i32
      %parallel_loop3A_178 = arith.constant 1 : i32
      %parallel_loop3A_179:3 = scf.for %parallel_loop3A_215 = %parallel_loop3A_176 to %parallel_loop3A_177 step %parallel_loop3A_178 iter_args(%parallel_loop3A_216 = %broadcast_in_dim3A_5, %parallel_loop3A_217 = %broadcast_in_dim3A_175, %parallel_loop3A_218 = %broadcast_in_dim3A_1) -> (vector<16xi32>, vector<16xi32>, vector<16xi32>)  : i32 {
        %parallel_loop3A_219 = arith.constant 15 : i32
        %parallel_loop3A_220 = arith.subi %parallel_loop3A_219, %parallel_loop3A_215 : i32
        %parallel_loop3A_221 = arith.constant 16 : i32
        %parallel_loop3A_222 = arith.muli %parallel_loop3A_220, %parallel_loop3A_221 : i32
        %parallel_loop3A_223 = arith.index_cast %parallel_loop3A_222 : i32 to index
        %parallel_loop3A_224 = tpu.vector_load %arg8[%parallel_loop3A_223] {strides = array<i32>} : memref<256xi32, #tpu.memory_space<vmem>>, vector<16xi32>,
        %parallel_loop3A_225 = arith.constant true
        %parallel_loop3A_226 = vector.broadcast %parallel_loop3A_225 : i1 to vector<16xi1>
        %parallel_loop3A_227 = tpu.scan <sum>, %parallel_loop3A_224 masked %parallel_loop3A_226 : vector<16xi32>, vector<16xi1> -> vector<16xi32>
        %parallel_loop3A_228 = vector.shape_cast %broadcast_in_dim3A_7 : vector<16xi32> to vector<16x1xi32>
        %parallel_loop3A_229 = vector.shape_cast %parallel_loop3A_228 : vector<16x1xi32> to vector<16xi32>
        %parallel_loop3A_230 = tpu.dynamic_gather %parallel_loop3A_227[%parallel_loop3A_229] in [0] : vector<16xi32>, vector<16xi32> -> vector<16xi32>
        %parallel_loop3A_231 = arith.addi %parallel_loop3A_216, %parallel_loop3A_230 : vector<16xi32>
        %parallel_loop3A_232 = arith.subi %parallel_loop3A_231, %parallel_loop3A_227 : vector<16xi32>
        %parallel_loop3A_233 = arith.addi %parallel_loop3A_232, %parallel_loop3A_224 : vector<16xi32>
        %parallel_loop3A_234 = arith.cmpi sge, %parallel_loop3A_233, %parallel_loop3A_157#2 : vector<16xi32>
        %parallel_loop3A_235 = tpu.all_reduce %parallel_loop3A_234 {dim = 0 : i64, kind = #tpu.reduction_kind<sum>} : vector<16xi1> -> vector<16xi32>
        %parallel_loop3A_236 = arith.constant 0 : i32
        %parallel_loop3A_237 = vector.broadcast %parallel_loop3A_236 : i32 to vector<16xi32>
        %parallel_loop3A_238 = arith.cmpi slt, %parallel_loop3A_217, %parallel_loop3A_237 : vector<16xi32>
        %parallel_loop3A_239 = arith.constant 0 : i32
        %parallel_loop3A_240 = vector.broadcast %parallel_loop3A_239 : i32 to vector<16xi32>
        %parallel_loop3A_241 = arith.cmpi sgt, %parallel_loop3A_235, %parallel_loop3A_240 : vector<16xi32>
        %parallel_loop3A_242 = arith.andi %parallel_loop3A_238, %parallel_loop3A_241 : vector<16xi1>
        %parallel_loop3A_243 = arith.constant 1 : i32
        %parallel_loop3A_244 = vector.broadcast %parallel_loop3A_243 : i32 to vector<16xi32>
        %parallel_loop3A_245 = arith.subi %parallel_loop3A_235, %parallel_loop3A_244 : vector<16xi32>
        %parallel_loop3A_246 = arith.constant 0 : i32
        %parallel_loop3A_247 = vector.broadcast %parallel_loop3A_246 : i32 to vector<16xi32>
        %parallel_loop3A_248 = arith.maxsi %parallel_loop3A_245, %parallel_loop3A_247 : vector<16xi32>
        %parallel_loop3A_249 = vector.shape_cast %parallel_loop3A_248 : vector<16xi32> to vector<16x1xi32>
        %parallel_loop3A_250 = vector.shape_cast %parallel_loop3A_249 : vector<16x1xi32> to vector<16xi32>
        %parallel_loop3A_251 = tpu.dynamic_gather %parallel_loop3A_227[%parallel_loop3A_250] in [0] : vector<16xi32>, vector<16xi32> -> vector<16xi32>
        %parallel_loop3A_252 = arith.addi %parallel_loop3A_216, %parallel_loop3A_230 : vector<16xi32>
        %parallel_loop3A_253 = arith.subi %parallel_loop3A_252, %parallel_loop3A_251 : vector<16xi32>
        %parallel_loop3A_254 = arith.constant 16 : i32
        %parallel_loop3A_255 = arith.muli %parallel_loop3A_220, %parallel_loop3A_254 : i32
        %parallel_loop3A_256 = vector.broadcast %parallel_loop3A_255 : i32 to vector<16xi32>
        %parallel_loop3A_257 = arith.addi %parallel_loop3A_256, %parallel_loop3A_245 : vector<16xi32>
        %parallel_loop3A_258 = arith.select %parallel_loop3A_242, %parallel_loop3A_257, %parallel_loop3A_217 : vector<16xi1>, vector<16xi32>
        %parallel_loop3A_259 = arith.subi %parallel_loop3A_157#2, %parallel_loop3A_253 : vector<16xi32>
        %parallel_loop3A_260 = arith.select %parallel_loop3A_242, %parallel_loop3A_259, %parallel_loop3A_218 : vector<16xi1>, vector<16xi32>
        %parallel_loop3A_261 = arith.addi %parallel_loop3A_216, %parallel_loop3A_230 : vector<16xi32>
        scf.yield %parallel_loop3A_261, %parallel_loop3A_258, %parallel_loop3A_260 : vector<16xi32>, vector<16xi32>, vector<16xi32>
      } {sc.loop_unroll_factor = 1 : i64, sc.parallel_access}
      %shift_left3A_180 = arith.constant 0 : i32
      %shift_left3A_181 = vector.broadcast %shift_left3A_180 : i32 to vector<16xi32>
      %shift_left3A_182 = arith.shli %parallel_loop3A_179#1, %shift_left3A_181 : vector<16xi32>
      %or3A_183 = arith.ori %or3A_161, %shift_left3A_182 : vector<16xi32>
      %xor3A = arith.constant -2147483648 : i32
      %xor3A_184 = vector.broadcast %xor3A : i32 to vector<16xi32>
      %xor3A_185 = arith.xori %or3A_183, %xor3A_184 : vector<16xi32>
      %ge3A = arith.constant 0 : i32
      %ge3A_186 = vector.broadcast %ge3A : i32 to vector<16xi32>
      %ge3A_187 = arith.cmpi sge, %xor3A_185, %ge3A_186 : vector<16xi32>
      %xor3A_188 = arith.constant 2147483647 : i32
      %xor3A_189 = vector.broadcast %xor3A_188 : i32 to vector<16xi32>
      %xor3A_190 = arith.xori %xor3A_185, %xor3A_189 : vector<16xi32>
      %select_n3A_191 = arith.select %ge3A_187, %xor3A_185, %xor3A_190 : vector<16xi1>, vector<16xi32>
      %bitcast3A = vector.bitcast %select_n3A_191 : vector<16xi32> to vector<16xf32>
      %parallel_loop3A_192 = arith.constant 0 : i32
      %parallel_loop3A_193 = arith.constant 2048 : i32
      %parallel_loop3A_194 = arith.constant 8 : i32
      %parallel_loop3A_195:8 = scf.for %parallel_loop3A_215 = %parallel_loop3A_192 to %parallel_loop3A_193 step %parallel_loop3A_194 iter_args(%parallel_loop3A_216 = %broadcast_in_dim3A_3, %parallel_loop3A_217 = %broadcast_in_dim3A_3, %parallel_loop3A_218 = %broadcast_in_dim3A_3, %parallel_loop3A_219 = %broadcast_in_dim3A_3, %parallel_loop3A_220 = %broadcast_in_dim3A_3, %parallel_loop3A_221 = %broadcast_in_dim3A_3, %parallel_loop3A_222 = %broadcast_in_dim3A_3, %parallel_loop3A_223 = %broadcast_in_dim3A_3) -> (vector<16xf32>, vector<16xf32>, vector<16xf32>, vector<16xf32>, vector<16xf32>, vector<16xf32>, vector<16xf32>, vector<16xf32>)  : i32 {
        %parallel_loop3A_224 = arith.constant 0 : i32
        %parallel_loop3A_225 = arith.addi %parallel_loop3A_215, %parallel_loop3A_224 : i32
        %parallel_loop3A_226 = arith.constant 16 : i32
        %parallel_loop3A_227 = arith.muli %parallel_loop3A_225, %parallel_loop3A_226 : i32
        %parallel_loop3A_228 = arith.index_cast %parallel_loop3A_227 : i32 to index
        %parallel_loop3A_229 = tpu.vector_load %arg6[%parallel_loop3A_228] {strides = array<i32>} : memref<32768xi32, #tpu.memory_space<vmem>>, vector<16xi32>,
        %parallel_loop3A_230 = arith.constant 0 : i32
        %parallel_loop3A_231 = vector.broadcast %parallel_loop3A_230 : i32 to vector<16xi32>
        %parallel_loop3A_232 = arith.cmpi sge, %parallel_loop3A_229, %parallel_loop3A_231 : vector<16xi32>
        %parallel_loop3A_233 = arith.constant 2147483647 : i32
        %parallel_loop3A_234 = vector.broadcast %parallel_loop3A_233 : i32 to vector<16xi32>
        %parallel_loop3A_235 = arith.xori %parallel_loop3A_229, %parallel_loop3A_234 : vector<16xi32>
        %parallel_loop3A_236 = arith.select %parallel_loop3A_232, %parallel_loop3A_229, %parallel_loop3A_235 : vector<16xi1>, vector<16xi32>
        %parallel_loop3A_237 = vector.bitcast %parallel_loop3A_236 : vector<16xi32> to vector<16xf32>
        %parallel_loop3A_238 = arith.cmpi sgt, %parallel_loop3A_229, %xor3A_185 : vector<16xi32>
        %parallel_loop3A_239 = arith.constant 0.000000e+00 : f32
        %parallel_loop3A_240 = vector.broadcast %parallel_loop3A_239 : f32 to vector<16xf32>
        %parallel_loop3A_241 = arith.select %parallel_loop3A_238, %parallel_loop3A_237, %parallel_loop3A_240 : vector<16xi1>, vector<16xf32>
        %parallel_loop3A_242 = arith.addf %parallel_loop3A_216, %parallel_loop3A_241 : vector<16xf32>
        %parallel_loop3A_243 = arith.constant 1 : i32
        %parallel_loop3A_244 = arith.addi %parallel_loop3A_215, %parallel_loop3A_243 : i32
        %parallel_loop3A_245 = arith.constant 16 : i32
        %parallel_loop3A_246 = arith.muli %parallel_loop3A_244, %parallel_loop3A_245 : i32
        %parallel_loop3A_247 = arith.index_cast %parallel_loop3A_246 : i32 to index
        %parallel_loop3A_248 = tpu.vector_load %arg6[%parallel_loop3A_247] {strides = array<i32>} : memref<32768xi32, #tpu.memory_space<vmem>>, vector<16xi32>,
        %parallel_loop3A_249 = arith.constant 0 : i32
        %parallel_loop3A_250 = vector.broadcast %parallel_loop3A_249 : i32 to vector<16xi32>
        %parallel_loop3A_251 = arith.cmpi sge, %parallel_loop3A_248, %parallel_loop3A_250 : vector<16xi32>
        %parallel_loop3A_252 = arith.constant 2147483647 : i32
        %parallel_loop3A_253 = vector.broadcast %parallel_loop3A_252 : i32 to vector<16xi32>
        %parallel_loop3A_254 = arith.xori %parallel_loop3A_248, %parallel_loop3A_253 : vector<16xi32>
        %parallel_loop3A_255 = arith.select %parallel_loop3A_251, %parallel_loop3A_248, %parallel_loop3A_254 : vector<16xi1>, vector<16xi32>
        %parallel_loop3A_256 = vector.bitcast %parallel_loop3A_255 : vector<16xi32> to vector<16xf32>
        %parallel_loop3A_257 = arith.cmpi sgt, %parallel_loop3A_248, %xor3A_185 : vector<16xi32>
        %parallel_loop3A_258 = arith.constant 0.000000e+00 : f32
        %parallel_loop3A_259 = vector.broadcast %parallel_loop3A_258 : f32 to vector<16xf32>
        %parallel_loop3A_260 = arith.select %parallel_loop3A_257, %parallel_loop3A_256, %parallel_loop3A_259 : vector<16xi1>, vector<16xf32>
        %parallel_loop3A_261 = arith.addf %parallel_loop3A_217, %parallel_loop3A_260 : vector<16xf32>
        %parallel_loop3A_262 = arith.constant 2 : i32
        %parallel_loop3A_263 = arith.addi %parallel_loop3A_215, %parallel_loop3A_262 : i32
        %parallel_loop3A_264 = arith.constant 16 : i32
        %parallel_loop3A_265 = arith.muli %parallel_loop3A_263, %parallel_loop3A_264 : i32
        %parallel_loop3A_266 = arith.index_cast %parallel_loop3A_265 : i32 to index
        %parallel_loop3A_267 = tpu.vector_load %arg6[%parallel_loop3A_266] {strides = array<i32>} : memref<32768xi32, #tpu.memory_space<vmem>>, vector<16xi32>,
        %parallel_loop3A_268 = arith.constant 0 : i32
        %parallel_loop3A_269 = vector.broadcast %parallel_loop3A_268 : i32 to vector<16xi32>
        %parallel_loop3A_270 = arith.cmpi sge, %parallel_loop3A_267, %parallel_loop3A_269 : vector<16xi32>
        %parallel_loop3A_271 = arith.constant 2147483647 : i32
        %parallel_loop3A_272 = vector.broadcast %parallel_loop3A_271 : i32 to vector<16xi32>
        %parallel_loop3A_273 = arith.xori %parallel_loop3A_267, %parallel_loop3A_272 : vector<16xi32>
        %parallel_loop3A_274 = arith.select %parallel_loop3A_270, %parallel_loop3A_267, %parallel_loop3A_273 : vector<16xi1>, vector<16xi32>
        %parallel_loop3A_275 = vector.bitcast %parallel_loop3A_274 : vector<16xi32> to vector<16xf32>
        %parallel_loop3A_276 = arith.cmpi sgt, %parallel_loop3A_267, %xor3A_185 : vector<16xi32>
        %parallel_loop3A_277 = arith.constant 0.000000e+00 : f32
        %parallel_loop3A_278 = vector.broadcast %parallel_loop3A_277 : f32 to vector<16xf32>
        %parallel_loop3A_279 = arith.select %parallel_loop3A_276, %parallel_loop3A_275, %parallel_loop3A_278 : vector<16xi1>, vector<16xf32>
        %parallel_loop3A_280 = arith.addf %parallel_loop3A_218, %parallel_loop3A_279 : vector<16xf32>
        %parallel_loop3A_281 = arith.constant 3 : i32
        %parallel_loop3A_282 = arith.addi %parallel_loop3A_215, %parallel_loop3A_281 : i32
        %parallel_loop3A_283 = arith.constant 16 : i32
        %parallel_loop3A_284 = arith.muli %parallel_loop3A_282, %parallel_loop3A_283 : i32
        %parallel_loop3A_285 = arith.index_cast %parallel_loop3A_284 : i32 to index
        %parallel_loop3A_286 = tpu.vector_load %arg6[%parallel_loop3A_285] {strides = array<i32>} : memref<32768xi32, #tpu.memory_space<vmem>>, vector<16xi32>,
        %parallel_loop3A_287 = arith.constant 0 : i32
        %parallel_loop3A_288 = vector.broadcast %parallel_loop3A_287 : i32 to vector<16xi32>
        %parallel_loop3A_289 = arith.cmpi sge, %parallel_loop3A_286, %parallel_loop3A_288 : vector<16xi32>
        %parallel_loop3A_290 = arith.constant 2147483647 : i32
        %parallel_loop3A_291 = vector.broadcast %parallel_loop3A_290 : i32 to vector<16xi32>
        %parallel_loop3A_292 = arith.xori %parallel_loop3A_286, %parallel_loop3A_291 : vector<16xi32>
        %parallel_loop3A_293 = arith.select %parallel_loop3A_289, %parallel_loop3A_286, %parallel_loop3A_292 : vector<16xi1>, vector<16xi32>
        %parallel_loop3A_294 = vector.bitcast %parallel_loop3A_293 : vector<16xi32> to vector<16xf32>
        %parallel_loop3A_295 = arith.cmpi sgt, %parallel_loop3A_286, %xor3A_185 : vector<16xi32>
        %parallel_loop3A_296 = arith.constant 0.000000e+00 : f32
        %parallel_loop3A_297 = vector.broadcast %parallel_loop3A_296 : f32 to vector<16xf32>
        %parallel_loop3A_298 = arith.select %parallel_loop3A_295, %parallel_loop3A_294, %parallel_loop3A_297 : vector<16xi1>, vector<16xf32>
        %parallel_loop3A_299 = arith.addf %parallel_loop3A_219, %parallel_loop3A_298 : vector<16xf32>
        %parallel_loop3A_300 = arith.constant 4 : i32
        %parallel_loop3A_301 = arith.addi %parallel_loop3A_215, %parallel_loop3A_300 : i32
        %parallel_loop3A_302 = arith.constant 16 : i32
        %parallel_loop3A_303 = arith.muli %parallel_loop3A_301, %parallel_loop3A_302 : i32
        %parallel_loop3A_304 = arith.index_cast %parallel_loop3A_303 : i32 to index
        %parallel_loop3A_305 = tpu.vector_load %arg6[%parallel_loop3A_304] {strides = array<i32>} : memref<32768xi32, #tpu.memory_space<vmem>>, vector<16xi32>,
        %parallel_loop3A_306 = arith.constant 0 : i32
        %parallel_loop3A_307 = vector.broadcast %parallel_loop3A_306 : i32 to vector<16xi32>
        %parallel_loop3A_308 = arith.cmpi sge, %parallel_loop3A_305, %parallel_loop3A_307 : vector<16xi32>
        %parallel_loop3A_309 = arith.constant 2147483647 : i32
        %parallel_loop3A_310 = vector.broadcast %parallel_loop3A_309 : i32 to vector<16xi32>
        %parallel_loop3A_311 = arith.xori %parallel_loop3A_305, %parallel_loop3A_310 : vector<16xi32>
        %parallel_loop3A_312 = arith.select %parallel_loop3A_308, %parallel_loop3A_305, %parallel_loop3A_311 : vector<16xi1>, vector<16xi32>
        %parallel_loop3A_313 = vector.bitcast %parallel_loop3A_312 : vector<16xi32> to vector<16xf32>
        %parallel_loop3A_314 = arith.cmpi sgt, %parallel_loop3A_305, %xor3A_185 : vector<16xi32>
        %parallel_loop3A_315 = arith.constant 0.000000e+00 : f32
        %parallel_loop3A_316 = vector.broadcast %parallel_loop3A_315 : f32 to vector<16xf32>
        %parallel_loop3A_317 = arith.select %parallel_loop3A_314, %parallel_loop3A_313, %parallel_loop3A_316 : vector<16xi1>, vector<16xf32>
        %parallel_loop3A_318 = arith.addf %parallel_loop3A_220, %parallel_loop3A_317 : vector<16xf32>
        %parallel_loop3A_319 = arith.constant 5 : i32
        %parallel_loop3A_320 = arith.addi %parallel_loop3A_215, %parallel_loop3A_319 : i32
        %parallel_loop3A_321 = arith.constant 16 : i32
        %parallel_loop3A_322 = arith.muli %parallel_loop3A_320, %parallel_loop3A_321 : i32
        %parallel_loop3A_323 = arith.index_cast %parallel_loop3A_322 : i32 to index
        %parallel_loop3A_324 = tpu.vector_load %arg6[%parallel_loop3A_323] {strides = array<i32>} : memref<32768xi32, #tpu.memory_space<vmem>>, vector<16xi32>,
        %parallel_loop3A_325 = arith.constant 0 : i32
        %parallel_loop3A_326 = vector.broadcast %parallel_loop3A_325 : i32 to vector<16xi32>
        %parallel_loop3A_327 = arith.cmpi sge, %parallel_loop3A_324, %parallel_loop3A_326 : vector<16xi32>
        %parallel_loop3A_328 = arith.constant 2147483647 : i32
        %parallel_loop3A_329 = vector.broadcast %parallel_loop3A_328 : i32 to vector<16xi32>
        %parallel_loop3A_330 = arith.xori %parallel_loop3A_324, %parallel_loop3A_329 : vector<16xi32>
        %parallel_loop3A_331 = arith.select %parallel_loop3A_327, %parallel_loop3A_324, %parallel_loop3A_330 : vector<16xi1>, vector<16xi32>
        %parallel_loop3A_332 = vector.bitcast %parallel_loop3A_331 : vector<16xi32> to vector<16xf32>
        %parallel_loop3A_333 = arith.cmpi sgt, %parallel_loop3A_324, %xor3A_185 : vector<16xi32>
        %parallel_loop3A_334 = arith.constant 0.000000e+00 : f32
        %parallel_loop3A_335 = vector.broadcast %parallel_loop3A_334 : f32 to vector<16xf32>
        %parallel_loop3A_336 = arith.select %parallel_loop3A_333, %parallel_loop3A_332, %parallel_loop3A_335 : vector<16xi1>, vector<16xf32>
        %parallel_loop3A_337 = arith.addf %parallel_loop3A_221, %parallel_loop3A_336 : vector<16xf32>
        %parallel_loop3A_338 = arith.constant 6 : i32
        %parallel_loop3A_339 = arith.addi %parallel_loop3A_215, %parallel_loop3A_338 : i32
        %parallel_loop3A_340 = arith.constant 16 : i32
        %parallel_loop3A_341 = arith.muli %parallel_loop3A_339, %parallel_loop3A_340 : i32
        %parallel_loop3A_342 = arith.index_cast %parallel_loop3A_341 : i32 to index
        %parallel_loop3A_343 = tpu.vector_load %arg6[%parallel_loop3A_342] {strides = array<i32>} : memref<32768xi32, #tpu.memory_space<vmem>>, vector<16xi32>,
        %parallel_loop3A_344 = arith.constant 0 : i32
        %parallel_loop3A_345 = vector.broadcast %parallel_loop3A_344 : i32 to vector<16xi32>
        %parallel_loop3A_346 = arith.cmpi sge, %parallel_loop3A_343, %parallel_loop3A_345 : vector<16xi32>
        %parallel_loop3A_347 = arith.constant 2147483647 : i32
        %parallel_loop3A_348 = vector.broadcast %parallel_loop3A_347 : i32 to vector<16xi32>
        %parallel_loop3A_349 = arith.xori %parallel_loop3A_343, %parallel_loop3A_348 : vector<16xi32>
        %parallel_loop3A_350 = arith.select %parallel_loop3A_346, %parallel_loop3A_343, %parallel_loop3A_349 : vector<16xi1>, vector<16xi32>
        %parallel_loop3A_351 = vector.bitcast %parallel_loop3A_350 : vector<16xi32> to vector<16xf32>
        %parallel_loop3A_352 = arith.cmpi sgt, %parallel_loop3A_343, %xor3A_185 : vector<16xi32>
        %parallel_loop3A_353 = arith.constant 0.000000e+00 : f32
        %parallel_loop3A_354 = vector.broadcast %parallel_loop3A_353 : f32 to vector<16xf32>
        %parallel_loop3A_355 = arith.select %parallel_loop3A_352, %parallel_loop3A_351, %parallel_loop3A_354 : vector<16xi1>, vector<16xf32>
        %parallel_loop3A_356 = arith.addf %parallel_loop3A_222, %parallel_loop3A_355 : vector<16xf32>
        %parallel_loop3A_357 = arith.constant 7 : i32
        %parallel_loop3A_358 = arith.addi %parallel_loop3A_215, %parallel_loop3A_357 : i32
        %parallel_loop3A_359 = arith.constant 16 : i32
        %parallel_loop3A_360 = arith.muli %parallel_loop3A_358, %parallel_loop3A_359 : i32
        %parallel_loop3A_361 = arith.index_cast %parallel_loop3A_360 : i32 to index
        %parallel_loop3A_362 = tpu.vector_load %arg6[%parallel_loop3A_361] {strides = array<i32>} : memref<32768xi32, #tpu.memory_space<vmem>>, vector<16xi32>,
        %parallel_loop3A_363 = arith.constant 0 : i32
        %parallel_loop3A_364 = vector.broadcast %parallel_loop3A_363 : i32 to vector<16xi32>
        %parallel_loop3A_365 = arith.cmpi sge, %parallel_loop3A_362, %parallel_loop3A_364 : vector<16xi32>
        %parallel_loop3A_366 = arith.constant 2147483647 : i32
        %parallel_loop3A_367 = vector.broadcast %parallel_loop3A_366 : i32 to vector<16xi32>
        %parallel_loop3A_368 = arith.xori %parallel_loop3A_362, %parallel_loop3A_367 : vector<16xi32>
        %parallel_loop3A_369 = arith.select %parallel_loop3A_365, %parallel_loop3A_362, %parallel_loop3A_368 : vector<16xi1>, vector<16xi32>
        %parallel_loop3A_370 = vector.bitcast %parallel_loop3A_369 : vector<16xi32> to vector<16xf32>
        %parallel_loop3A_371 = arith.cmpi sgt, %parallel_loop3A_362, %xor3A_185 : vector<16xi32>
        %parallel_loop3A_372 = arith.constant 0.000000e+00 : f32
        %parallel_loop3A_373 = vector.broadcast %parallel_loop3A_372 : f32 to vector<16xf32>
        %parallel_loop3A_374 = arith.select %parallel_loop3A_371, %parallel_loop3A_370, %parallel_loop3A_373 : vector<16xi1>, vector<16xf32>
        %parallel_loop3A_375 = arith.addf %parallel_loop3A_223, %parallel_loop3A_374 : vector<16xf32>
        scf.yield %parallel_loop3A_242, %parallel_loop3A_261, %parallel_loop3A_280, %parallel_loop3A_299, %parallel_loop3A_318, %parallel_loop3A_337, %parallel_loop3A_356, %parallel_loop3A_375 : vector<16xf32>, vector<16xf32>, vector<16xf32>, vector<16xf32>, vector<16xf32>, vector<16xf32>, vector<16xf32>, vector<16xf32>
      } {sc.loop_unroll_factor = 1 : i64, sc.parallel_access}
      %add3A_196 = arith.addf %parallel_loop3A_195#0, %parallel_loop3A_195#1 : vector<16xf32>
      %add3A_197 = arith.addf %add3A_196, %parallel_loop3A_195#2 : vector<16xf32>
      %add3A_198 = arith.addf %add3A_197, %parallel_loop3A_195#3 : vector<16xf32>
      %add3A_199 = arith.addf %add3A_198, %parallel_loop3A_195#4 : vector<16xf32>
      %add3A_200 = arith.addf %add3A_199, %parallel_loop3A_195#5 : vector<16xf32>
      %add3A_201 = arith.addf %add3A_200, %parallel_loop3A_195#6 : vector<16xf32>
      %add3A_202 = arith.addf %add3A_201, %parallel_loop3A_195#7 : vector<16xf32>
      %reduce_sum3A = arith.constant true
      %reduce_sum3A_203 = vector.broadcast %reduce_sum3A : i1 to vector<16xi1>
      %reduce_sum3A_204 = tpu.scan <sum>, %add3A_202 masked %reduce_sum3A_203 : vector<16xf32>, vector<16xi1> -> vector<16xf32>
      %reduce_sum3A_205 = vector.extract %reduce_sum3A_204[15] : f32 from vector<16xf32>
      %broadcast_in_dim3A_206 = vector.broadcast %reduce_sum3A_205 : f32 to vector<16xf32>
      %convert_element_type3A_207 = arith.sitofp %parallel_loop3A_179#2 : vector<16xi32> to vector<16xf32>
      %mul3A_208 = arith.mulf %convert_element_type3A_207, %bitcast3A : vector<16xf32>
      %add3A_209 = arith.addf %broadcast_in_dim3A_206, %mul3A_208 : vector<16xf32>
      %convert_element_type3A_210 = arith.sitofp %add3A_94 : vector<16xi32> to vector<16xf32>
      %div3A_211 = arith.divf %add3A_209, %convert_element_type3A_210 : vector<16xf32>
      %eq3A_212 = vector.broadcast %scan3A_19 : i32 to vector<16xi32>
      %eq3A_213 = arith.cmpi eq, %iota3A, %eq3A_212 : vector<16xi32>
      %select_n3A_214 = arith.select %eq3A_213, %div3A_211, %scan3A_20 : vector<16xi1>, vector<16xf32>
      scf.yield %select_n3A_214 : vector<16xf32>
    }
    %scan3A_17 = arith.constant 4 : i32
    %swap3A = arith.constant 0 : index
    %swap3A_18 = tpu.vector_load %arg10[%swap3A] {strides = array<i32>} : memref<16xf32, #tpu.memory_space<vmem>>, vector<16xf32>,
    tpu.vector_store %arg10[%swap3A], %scan3A_16 {strides = array<i32>} : memref<16xf32, #tpu.memory_space<vmem>>, vector<16xf32>,
    "tpu.region"() ({
      %run_scoped3A = tpu.sem_alloc : memref<!tpu.dma_semaphore, #tpu.memory_space<semaphore_mem>>
      %dma_start3A_19 = arith.constant 0 : i32
      %dma_start3A_20 = tpu.memref_slice %arg4[%add3A, %dma_start3A_19] : memref<32x16xf32, #tpu.memory_space<hbm>> -> memref<1x16xf32, #tpu.memory_space<hbm>>
      %dma_start3A_21 = tpu.memref_squeeze %dma_start3A_20 : memref<1x16xf32, #tpu.memory_space<hbm>> -> memref<16xf32, #tpu.memory_space<hbm>>
      %dma_start3A_22 = arith.constant 0 : i32
      %dma_start3A_23 = tpu.memref_slice %arg4[%add3A, %dma_start3A_22] : memref<32x16xf32, #tpu.memory_space<hbm>> -> memref<1x16xf32, #tpu.memory_space<hbm>>
      %dma_start3A_24 = tpu.memref_squeeze %dma_start3A_23 : memref<1x16xf32, #tpu.memory_space<hbm>> -> memref<16xf32, #tpu.memory_space<hbm>>
      tpu.enqueue_dma source(%arg10 : memref<16xf32, #tpu.memory_space<vmem>>) target(%dma_start3A_24 : memref<16xf32, #tpu.memory_space<hbm>>) target_semaphore(%run_scoped3A : memref<!tpu.dma_semaphore, #tpu.memory_space<semaphore_mem>>)
      %dma_wait3A = arith.constant 0 : i32
      %dma_wait3A_25 = tpu.memref_slice %arg4[%add3A, %dma_wait3A] : memref<32x16xf32, #tpu.memory_space<hbm>> -> memref<1x16xf32, #tpu.memory_space<hbm>>
      %dma_wait3A_26 = tpu.memref_squeeze %dma_wait3A_25 : memref<1x16xf32, #tpu.memory_space<hbm>> -> memref<16xf32, #tpu.memory_space<hbm>>
      %dma_wait3A_27 = arith.constant 0 : i32
      %dma_wait3A_28 = tpu.memref_slice %arg4[%add3A, %dma_wait3A_27] : memref<32x16xf32, #tpu.memory_space<hbm>> -> memref<1x16xf32, #tpu.memory_space<hbm>>
      %dma_wait3A_29 = tpu.memref_squeeze %dma_wait3A_28 : memref<1x16xf32, #tpu.memory_space<hbm>> -> memref<16xf32, #tpu.memory_space<hbm>>
      tpu.wait_dma2 semaphore(%run_scoped3A : memref<!tpu.dma_semaphore, #tpu.memory_space<semaphore_mem>>) src(%arg10 : memref<16xf32, #tpu.memory_space<vmem>>) dst(%dma_wait3A_29 : memref<16xf32, #tpu.memory_space<hbm>>)
      tpu.yield
    }) : () -> ()
    return
  }
}

</mosaic_0001>

<sc_bundles>
// kernel: kernel.3.cloned.1.call-start
scs
__scs_entry_jumppad:
0x0: {  	(pc) =	sbr.rel $0x88, $3  }
0x1: {  	(tag) =	ssettag $0x0;
	lr =	simm.s32 $0x1  }
0x2: {  	[smem:$0x3F9F] =	sst lr;
	_ =	strace $0xD0000000  }
0x3: {  	_ = 	snop  }
0x4: {  	_ = 	snop  }
0x5: {  	_ = 	snop  }
0x6: {  	_ = 	snop  }
0x7: {  	_ = 	snop  }
__scs_overlays_trampoline_lowered:
0x8: {  	[smem:$0x3FAE] =	sst s0  }
0x9: {  	[smem:$0x3FAF] =	sst s1  }
0xa: {  	[smem:$0x3FB0] =	sst s2  }
0xb: {  	[smem:$0x3FB1] =	sst s3  }
0xc: {  	[smem:$0x3FB2] =	sst s4  }
0xd: {  	[smem:$0x3FB3] =	sst s5  }
0xe: {  	[smem:$0x3FB4] =	sst s6  }
0xf: {  	[smem:$0x3FB5] =	sst s7  }
0x10: {  	[smem:$0x3FB6] =	sst s8  }
0x11: {  	[smem:$0x3FB7] =	sst s9;
	s0 =	simm.s32 @!p0 $0x0  }
0x12: {  	s1 =	sld [smem:$0x3F9D];
	s0 =	simm.s32 @p0 $0x1  }
0x13: {  	[smem:$0x3FB8] =	sst s0;
	s0 =	simm.s32 @!p1 $0x0  }
0x14: {  	s2 =	sld [smem:$0x3F9C];
	s0 =	simm.s32 @p1 $0x1  }
0x15: {  	[smem:$0x3FB9] =	sst s0;
	s0 =	simm.s32 @!p2 $0x0  }
0x16: {  	s3 =	sld [smem:$0x3FDB];
	s0 =	simm.s32 @p2 $0x1  }
0x17: {  	s4 =	simm.s32 $0x1BF5;
	[smem:$0x3FBB] =	sst s0  }
0x18: {  	s0 =	sld [smem:$0x3F9E];
	_ =	swait.ge [sflag:s4], $0x0  }
0x19: {  	s7 =	sld [smem:$0x3F9F]  }
0x1a: {  	s8 =	sadd.s32 $0xFFFFE003, lr  }
0x1b: {  	s9 =	sadd.s32 $0xFFFFFEF7, lr;
	s5 =	simm.s32 $0xFFFFFFFF;
	p2 =	slt.u32 s8, $0xFFFFF086  }
0x1c: {  	p1 =	slt.u32 s9, $0xF7A;
	s5 =	simm.s32 @!p2 $0x0  }
0x1d: {  	s5 =	simm.s32 @p1 $0x1;
	p0 =	seq.s32 s7, s2  }
0x1e: {  	s7 =	smul.u32 @!p0 $0xF7A, s2;
	p2 =	seq.s32 @!p0 s5, $0x0  }
0x1f: {  	s9 =	smul.u32 $0xF7A, s1;
	s8 =	simm.s32 @!p0 $0x1BF5;
	p2 =	por !p2, p0  }
0x20: {  	[sflag:s8] =	ssyncset.s32 @!p0 $0xFFFFF086;
	s6 =	sadd.s32 @!p0 s3, s7;
	s7 =	simm.s32 @!p0 $0x108  }
0x21: {  	s3 =	sadd.s32 s3, s9;
	s6 =	sadd.s32 @!p0 $0x88, s6;
	s7 =	simm.s32 @p2 $0x1082  }
0x22: {  	[simem:s7], [sflag:s8] =	dma.local @!p0 [hbm:s6], $0xF7A  }
0x23: {  	s9 =	sor.u32 $0xD0000000, s2;
	s6 =	simm.s32 $0x108;
	_ =	swait.ge @!p0 [sflag:s8], $0x0  }
0x24: {  	s3 =	sadd.s32 $0x88, s3;
	s6 =	simm.s32 @!p1 $0x1082;
	[sflag:s4] =	ssyncset.s32 $0xFFFFF086  }
0x25: {  	[simem:s6], [sflag:s4] =	dma.local [hbm:s3], $0xF7A  }
0x26: {  	[smem:$0x3F9F] =	sst s1;
	(tag) =	ssettag s2;
	_ =	strace s9  }
0x27: {  	s1 =	sld [smem:$0x3FAF]  }
0x28: {  	s2 =	sld [smem:$0x3FB0]  }
0x29: {  	s4 =	sld [smem:$0x3FB2]  }
0x2a: {  	p0 =	seq.s32 s5, $0x0;
	s5 =	sld [smem:$0x3FB3]  }
0x2b: {  	s6 =	sld [smem:$0x3FB4]  }
0x2c: {  	s7 =	sld [smem:$0x3FB5]  }
0x2d: {  	s3 =	simm.s32 $0x108;
	s8 =	sld [smem:$0x3FB6]  }
0x2e: {  	s3 =	simm.s32 @!p0 $0x1082;
	s9 =	sld [smem:$0x3FB7]  }
0x2f: {  	lr =	sadd.s32 s0, s3;
	s0 =	sld [smem:$0x3FAE]  }
0x30: {  	s3 =	sld [smem:$0x3FB1]  }
0x31: {  	[smem:$0x3FBA] =	sst s10  }
0x32: {  	s10 =	sld [smem:$0x3FB8];
	_ =	sdelay $0x3  }
0x33: {  	p0 =	seq.s32 s10, $0x1;
	s10 =	sld [smem:$0x3FBA];
	_ =	sdelay $0x3  }
0x34: {  	[smem:$0x3FBA] =	sst s10  }
0x35: {  	s10 =	sld [smem:$0x3FB9];
	_ =	sdelay $0x3  }
0x36: {  	p1 =	seq.s32 s10, $0x1;
	s10 =	sld [smem:$0x3FBA];
	_ =	sdelay $0x3  }
0x37: {  	[smem:$0x3FBA] =	sst s10  }
0x38: {  	s10 =	sld [smem:$0x3FBB]  }
0x39: {  	_ = 	snop;
	(pc) =	sbr.ind lr, $3  }
0x3a: {  	_ = 	snop  }
0x3b: {  	_ = 	snop  }
0x3c: {  	p2 =	seq.s32 s10, $0x1;
	s10 =	sld [smem:$0x3FBA]  }
0x3d: {  	_ =	shalt  }
0x3e: {  	_ =	shalt  }
0x3f: {  	_ =	shalt  }
0x40: {  	_ =	shalt  }
0x41: {  	_ =	shalt  }
0x42: {  	_ =	shalt  }
0x43: {  	_ =	shalt  }
0x44: {  	_ =	shalt  }
0x45: {  	_ =	shalt  }
0x46: {  	_ =	shalt  }
0x47: {  	_ =	shalt  }
0x48: {  	_ =	shalt  }
0x49: {  	_ =	shalt  }
0x4a: {  	_ =	shalt  }
0x4b: {  	_ =	shalt  }
0x4c: {  	_ =	shalt  }
0x4d: {  	_ =	shalt  }
0x4e: {  	_ =	shalt  }
0x4f: {  	_ =	shalt  }
0x50: {  	_ =	shalt  }
0x51: {  	_ =	shalt  }
0x52: {  	_ =	shalt  }
0x53: {  	_ =	shalt  }
0x54: {  	_ =	shalt  }
0x55: {  	_ =	shalt  }
0x56: {  	_ =	shalt  }
0x57: {  	_ =	shalt  }
0x58: {  	_ =	shalt  }
0x59: {  	_ =	shalt  }
0x5a: {  	_ =	shalt  }
0x5b: {  	_ =	shalt  }
0x5c: {  	_ =	shalt  }
0x5d: {  	_ =	shalt  }
0x5e: {  	_ =	shalt  }
0x5f: {  	_ =	shalt  }
0x60: {  	_ =	shalt  }
0x61: {  	_ =	shalt  }
0x62: {  	_ =	shalt  }
0x63: {  	_ =	shalt  }
0x64: {  	_ =	shalt  }
0x65: {  	_ =	shalt  }
0x66: {  	_ =	shalt  }
0x67: {  	_ =	shalt  }
0x68: {  	_ =	shalt  }
0x69: {  	_ =	shalt  }
0x6a: {  	_ =	shalt  }
0x6b: {  	_ =	shalt  }
0x6c: {  	_ =	shalt  }
0x6d: {  	_ =	shalt  }
0x6e: {  	_ =	shalt  }
0x6f: {  	_ =	shalt  }
0x70: {  	_ =	shalt  }
0x71: {  	_ =	shalt  }
0x72: {  	_ =	shalt  }
0x73: {  	_ =	shalt  }
0x74: {  	_ =	shalt  }
0x75: {  	_ =	shalt  }
0x76: {  	_ =	shalt  }
0x77: {  	_ =	shalt  }
0x78: {  	_ =	shalt  }
0x79: {  	_ =	shalt  }
0x7a: {  	_ =	shalt  }
0x7b: {  	_ =	shalt  }
0x7c: {  	_ =	shalt  }
0x7d: {  	_ =	shalt  }
0x7e: {  	_ =	shalt  }
0x7f: {  	_ =	shalt  }
0x80: {  	_ =	shalt  }
0x81: {  	_ =	shalt  }
0x82: {  	_ =	shalt  }
0x83: {  	_ =	shalt  }
0x84: {  	_ =	shalt  }
0x85: {  	_ =	shalt  }
0x86: {  	_ =	shalt  }
0x87: {  	_ =	shalt  }
.Lfunc_end0:
.L_simem_size_0:
called_computation_lowered:
.L_overlay_start_0:
0x88: {  	s2 =	sld [smem:$0x3FD9]  }
0x89: {  	s3 =	sld [smem:$0x3FFE];
	_ =	sdelay $0x1  }
0x8a: {  	s1 =	srdreg.scid  }
0x8b: {  	s0 =	sand.u32 $0x1, s1  }
0x8c: {  	s17 =	sshll.u32 s0, $0xA;
	s2 =	sadd.s32 s3, s2  }
0x8d: {  	s2 =	sadd.s32 s2, s17  }
0x8e: {  	[smem:$0x3FC6] =	sst s2  }
0x8f: {  	_ = 	snop  }
0x90: {  	s2 =	sld [smem:$0x3FC9]  }
0x91: {  	s18 =	sld [smem:$0x3FC8];
	(tm) =	ssettm $0x1  }
0x92: {  	s4 =	sld [smem:$0x3FFB];
	_ =	sdelay $0x3  }
0x93: {  	_ =	strace s4  }
0x94: {  	s4 =	sld [smem:$0x3FFC];
	_ =	sdelay $0x3  }
0x95: {  	_ =	strace s4  }
0x96: {  	s4 =	sld [smem:$0x3FFD];
	_ =	sdelay $0x3  }
0x97: {  	_ =	strace s4  }
0x98: {  	_ =	strace $0x8FFFFFFF  }
0x99: {  	s19 =	sld [smem:$0x3FDB];
	_ =	sdelay $0x1  }
0x9a: {  	s5 =	simm.s32 $_scs_section_size  }
0x9b: {  	s6 =	simm.s32 $_size__tile_overlayer_lowered;
	s7 =	simm.s32 $_tile_overlayer_lowered  }
0x9c: {  	s22 =	simm.s32 $0x1BFF;
	s21 =	sshll.u32 s7, $0x1;
	s4 =	sadd.s32 s5, s19  }
0x9d: {  	s8 =	simm.s32 $0x0;
	s20 =	sshll.u32 s6, $0x1;
	s6 =	sadd.s32 s21, s4  }
0x9e: {  	[timem:s8], [sflag:s22] =	dma.local [hbm:s6], s20  }
0x9f: {  	_ =	swait.ge [sflag:s22], s20  }
0xa0: {  	s5 =	ssub.s32 $0x0, s20;
	[sflag:s22] =	ssyncset.done $0x0  }
0xa1: {  	[sflag:s22] =	ssyncadd.s32 s5;
	_ =	sdelay $0x1  }
0xa2: {  	s23 =	simm.s32 $0x1B8B  }
0xa3: {  	_ =	swait.ge [sflag:s23], $0x1  }
0xa4: {  	[sflag:s23] =	ssyncset.done $0x0  }
0xa5: {  	s25 =	simm.s32 $0x1B8E;
	s24 =	sld [smem:$0x3FFE];
	[sflag:s23] =	ssyncadd.s32 $0xFFFFFFFF  }
0xa6: {  	s26 =	simm.s32 $execute0_lowered;
	[smem:$0x3FD2] =	sst s25  }
0xa7: {  	s6 =	sshll.u32 s26, $0x1;
	_ =	strace $0x80000046;
	[dreg:$0x1] =	wrdreg $0xFFFFFFFF  }
0xa8: {  	s28 =	simm.s32 $_size_execute0_lowered;
	s4 =	sadd.s32 s4, s6;
	[dreg:$0x0] =	wrdreg $0x0  }
0xa9: {  	s6 =	sshll.u32 s28, $0x1;
	[dreg:$0x2] =	wrdreg s4  }
0xaa: {  	[dreg:$0x3] =	wrdreg s6  }
0xab: {  	[dreg:$0x4] =	wrdreg $0xC0  }
0xac: {  	_ =	task [dreg:s8], $0x5FFFF  }
0xad: {  	[dreg:$0x1] =	wrdreg $0xFFFFFFFF  }
0xae: {  	[dreg:$0x0] =	wrdreg $0x60  }
0xaf: {  	[dreg:$0x2] =	wrdreg s2  }
0xb0: {  	[dreg:$0x3] =	wrdreg s18  }
0xb1: {  	[dreg:$0x4] =	wrdreg s24  }
0xb2: {  	[dreg:$0x5] =	wrdreg $0x9  }
0xb3: {  	_ =	task.clear_ibuf [dreg:s8], $0x6FFFF;
	_ =	strace $0x90000046  }
0xb4: {  	s29 =	simm.s32 $0x9;
	_ =	strace $0x80000048  }
0xb5: {  	_ =	swait.ge [sflag:s29], $0x1  }
0xb6: {  	[sflag:s29] =	ssyncadd.s32 $0xFFFFFFFF  }
0xb7: {  	_ =	strace $0x90000048  }
0xb8: {  	_ =	sfence  }
0xb9: {  	s30 =	sld [smem:$0x0];
	_ =	sdelay $0x2  }
0xba: {  	s31 =	sshll.u32 s1, $0xD;
	s1 =	sshrl.u32 s1, $0x2  }
0xbb: {  	s3 =	sand.u32 $0x4000, s31;
	s1 =	sadd.s32 s1, s30  }
0xbc: {  	s0 =	sor.u32 s3, s0;
	s1 =	sshll.u32 s1, $0x11  }
0xbd: {  	s0 =	sor.u32 s1, s0  }
0xbe: {  	s0 =	sadd.s32 $0x8F2B, s0  }
0xbf: {  	[sflag:s0] =	ssyncadd.remote.s32 $0x1  }
0xc0: {  	_ =	sfence.sel $0xFFFF  }
0xc1: {  	[dreg:$0x0] =	wrdreg $0xFFFFFFFF;
	(pc) =	sbr.abs _section_cstart, $3  }
0xc2: {  	[dreg:$0x1] =	wrdreg $0xFFFFFFFF  }
0xc3: {  	_ =	task.clear_ibuf [dreg:s8], $0x2FFFF;
	_ =	strace $0x9FFFFFFF  }
0xc4: {  	(tm) =	ssettm $0x7FFFFFFF  }
0xc5: {  	_ =	shalt  }
tec
execute0_lowered:
.L_overlay_start_1:
0x0: {  	(tag) =	ssettag $0x1  }
0x1: {  	s6 =	rddreg [dreg:$0x0]  }
0x2: {  	s2 =	rddreg [dreg:$0x1]  }
0x3: {  	s4 =	rddreg [dreg:$0x2]  }
0x4: {  	s3 =	srdreg.scid;
	s1 =	stileid.u32  }
0x5: {  	s0 =	rddreg [dreg:$0x3];
	s10 =	simm.s32 $0x2;
	s11 =	simm.s32 $0x1  }
0x6: {  	s13 =	simm.s32 $0x10000;
	s14 =	simm.s32 $0x11180;
	s15 =	simm.s32 $0x0  }
0x7: {  	s5 =	sand.u32 $0x1, s3;
	s7 =	sshll.u32 s1, $0x1;
	s3 =	simm.s32 $0x0  }
0x8: {  	s31 =	sshll.u32 s1, $0x5;
	s7 =	sor.u32 s5, s7;
	s5 =	ssub.s32 $0x2, s5  }
0x9: {  	[smem:$0x7FF] =	sst s3;
	s12 =	sand.u32 $0x1C0, s31;
	s8 =	sshll.u32 s7, $0x4  }
0xa: {  	v0 =	vlaneseq.u32;
	s9 =	sshrl.u32 s5, $0x1;
	_ =	strace $0x80000047;
	s30 =	sshll.u32 s7, $0xE  }
0xb: {  	v2 =	vmul.u32 $0xFFFFFFFF, v0;
	s12 =	sshrl.u32 s12, $0x2;
	s8 =	sadd.s32 s8, s4;
	s9 =	ssub.s32 s5, s9  }
0xc: {  	v1 =	vimm.s32 $0x0;
	v4 =	vimm.s32 $0x1;
	v6 =	vimm.s32 $0xF;
	s4 =	sshll.u32 s7, $0x2;
	s5 =	sadd.s32 s6, s30;
	s6 =	sadd.s32 $0x1000, s6  }
0xd: {  	v3 =	vor.u32 $0x800, v0;
	v5 =	vmul.u32 $0x10, v0;
	v2 =	vadd.s32 $0xF, v2;
	s7 =	sadd.s32 $0x400, s8;
	s8 =	smax.u32 s9, $0x1;
	s9 =	simm.s32 $0x11100  }
.LBB2_1:
0xe: {  	[tilespmem:s9], [sflag:$0x2] =	stream.linear.gather [hbm4b:s2+s3], $0x80, $0x38;
	[tilespmem:$0x11200] =	vst v63  }
0xf: {  	_ =	swait.ge [sflag:s10], $0x80  }
0x10: {  	[sflag:s10] =	ssyncset.done $0x0  }
0x11: {  	s16 =	simm.s32 $0x0;
	[sflag:s10] =	ssyncadd.s32 $0xFFFFFF80  }
0x12: {  	v7 =	vimm.f32 $0.0e+00;
	[tilespmem:s3], [sflag:$0x1] =	stream.linear.gather [hbm4b:s5+s3], $0x8000, $0x38;
	[tilespmem:$0x11200] =	vst v63  }
.LBB2_2:
0x13: {  	_ =	swait.ge [sflag:s11], $0x8000  }
0x14: {  	[sflag:s11] =	ssyncset.done $0x0  }
0x15: {  	s18 =	simm.s32 $0x10040;
	[sflag:s11] =	ssyncadd.s32 $0xFFFF8000  }
0x16: {  	v8 =	vld [tilespmem:s12+$0x11100];
	[tilespmem:s18+$0xFFFFFFC0] =	vst v1  }
0x17: {  	[tilespmem:s18+$0x30] =	vst v1  }
0x18: {  	[tilespmem:s18+$0x20] =	vst v1  }
0x19: {  	[tilespmem:s18+$0x10] =	vst v1  }
0x1a: {  	s17 =	sadd.s32 s4, s16;
	[tilespmem:s18+$0x0] =	vst v1  }
0x1b: {  	v9 =	vmov s17;
	[tilespmem:s18+$0xFFFFFFF0] =	vst v1  }
0x1c: {  	s19 =	simm.s32 $0x0;
	[tilespmem:s18+$0xFFFFFFE0] =	vst v1;
	v8 =	vperm.xlane v8, v9  }
.LBB2_3:
0x1d: {  	s19 =	sadd.s32 $0x8, s19;
	[tilespmem:s18+$0xFFFFFFD0] =	vst v1;
	s18 =	sadd.s32 $0x80, s18  }
0x1e: {  	[tilespmem:s18+$0xFFFFFFC0] =	vst v1;
	p0 =	slt.u32 s19, $0xF8  }
0x1f: {  	[tilespmem:s18+$0x30] =	vst v1  }
.Ltmp0:
0x20: {  	[tilespmem:s18+$0x20] =	vst v1;
	(pc) =	sbr.rel @p0 .LBB2_3-.Ltmp0, $4  }
0x21: {  	[tilespmem:s18+$0x10] =	vst v1  }
0x22: {  	[tilespmem:s18+$0x0] =	vst v1  }
0x23: {  	[tilespmem:s18+$0xFFFFFFF0] =	vst v1  }
0x24: {  	[tilespmem:s18+$0xFFFFFFE0] =	vst v1  }
0x25: {  	[tilespmem:s18+$0xFFFFFFD0] =	vst v1;
	v9 =	vadd.s32 v2, v8;
	s19 =	simm.s32 $0x40  }
0x26: {  	s26 =	simm.s32 $0x0;
	s20 =	simm.s32 $0x3;
	s21 =	simm.s32 $0x4;
	v9 =	vshra.s32 v9, $0x4;
	v10 =	vld [tilespmem:s19+$0x20]  }
0x27: {  	s29 =	simm.s32 $0x1;
	s30 =	simm.s32 $0x6;
	s22 =	simm.s32 $0x2;
	v11 =	vmov s20;
	v12 =	vmov s21;
	v13 =	vmov s26;
	v14 =	vld [tilespmem:s19+$0xFFFFFFD0]  }
0x28: {  	s28 =	simm.s32 $0x7;
	v15 =	vmov s29;
	v16 =	vld [tilespmem:s19+$0xFFFFFFE0];
	v17 =	vmov s22;
	v19 =	vmov s30  }
0x29: {  	s31 =	simm.s32 $0x5;
	v18 =	vld [tilespmem:s19+$0xFFFFFFC0];
	vm0 =	vlt.s32 v11, v9;
	v11 =	vmov s28;
	vm1 =	vlt.s32 v12, v9  }
0x2a: {  	vm4 =	vlt.s32 v19, v9;
	v12 =	vmov s31;
	v19 =	vld [tilespmem:s19+$0x10];
	vm5 =	vlt.s32 v17, v9  }
0x2b: {  	vm6 =	vlt.s32 v15, v9;
	vm7 =	vlt.s32 v13, v9;
	v15 =	vld [tilespmem:s19+$0x0];
	vm2 =	vlt.s32 v11, v9  }
0x2c: {  	v11 =	vld [tilespmem:s19+$0x30];
	vm3 =	vlt.s32 v12, v9;
	v12 =	vxor.u32 $0x7FFFFFFF, v10;
	vm8 =	vlt.s32 v10, $0x0  }
0x2d: {  	v13 =	vxor.u32 $0x7FFFFFFF, v14;
	vm9 =	vlt.s32 v14, $0x0;
	vm15 =	vlt.s32 v16, $0x0  }
0x2e: {  	v17 =	vxor.u32 $0x7FFFFFFF, v16;
	vm13 =	vlt.s32 v18, $0x0;
	v10 =	vsel vm8, v12, v10  }
0x2f: {  	v12 =	vxor.u32 $0x7FFFFFFF, v18;
	v13 =	vsel vm9, v13, v14;
	v20 =	vxor.u32 $0x7FFFFFFF, v19  }
0x30: {  	v16 =	vsel vm15, v17, v16;
	vm14 =	vlt.s32 v19, $0x0;
	v14 =	vnsel vm4, $0x80000000, v10  }
0x31: {  	s18 =	simm.s32 $0x8040;
	vm15 =	vlt.s32 v15, $0x0;
	vm12 =	vlt.s32 v11, $0x0;
	v10 =	vshrl.u32 v14, $0x14  }
0x32: {  	v16 =	vnsel vm5, $0x80000000, v16;
	[tilespmem:s18+$0x20] =	vst v14;
	v14 =	vxor.u32 $0x7FFFFFFF, v15;
	v10 =	vand.u32 $0xFF0, v10  }
0x33: {  	[tilespmem:s18+$0xFFFFFFE0] =	vst v16;
	v16 =	vshrl.u32 v16, $0x14;
	v17 =	vxor.u32 v3, v10;
	v10 =	vxor.u32 $0x7FFFFFFF, v11  }
0x34: {  	v21 =	vsel vm12, v10, v11;
	v11 =	vsel vm13, v12, v18;
	v12 =	vnsel vm6, $0x80000000, v13  }
0x35: {  	v16 =	vand.u32 $0xFF0, v16;
	v10 =	vld [tilespmem:s19+$0xFFFFFFF0];
	v11 =	vnsel vm7, $0x80000000, v11;
	v13 =	vshrl.u32 v12, $0x14  }
0x36: {  	v14 =	vsel vm15, v14, v15;
	[tilespmem:s18+$0xFFFFFFD0] =	vst v12;
	v18 =	vshrl.u32 v11, $0x14;
	v13 =	vand.u32 $0xFF0, v13  }
0x37: {  	v15 =	vsel vm14, v20, v19;
	[tilespmem:s18+$0xFFFFFFC0] =	vst v11;
	v12 =	vand.u32 $0xFF0, v18;
	v11 =	vxor.u32 v3, v13  }
0x38: {  	v13 =	vxor.u32 v3, v16;
	v16 =	vnsel vm2, $0x80000000, v21;
	v12 =	vxor.u32 v3, v12;
	[tilespmem:v17+s13+$0x0] =	vst.idx.add.s32.msk $0xffff, v4  }
0x39: {  	s20 =	simm.s32 $0x80C0;
	v17 =	vnsel vm3, $0x80000000, v15;
	[tilespmem:s18+$0x30] =	vst v16;
	v18 =	vshrl.u32 v16, $0x14;
	v16 =	vnsel vm1, $0x80000000, v14  }
0x3a: {  	s22 =	simm.s32 $0x8;
	s19 =	simm.s32 $0xC0;
	v15 =	vxor.u32 $0x7FFFFFFF, v10;
	[tilespmem:s18+$0x10] =	vst v17;
	v17 =	vshrl.u32 v17, $0x14;
	v14 =	vand.u32 $0xFF0, v18  }
.LBB2_5:
0x3b: {  	s21 =	sadd.s32 $0x3, s22;
	vm1 =	vlt.s32 v10, $0x0  }
0x3c: {  	s23 =	sadd.s32 $0x4, s22;
	v18 =	vld [tilespmem:s19+$0x20];
	s24 =	sadd.s32 $0x6, s22;
	[tilespmem:s18+$0x0] =	vst v16;
	v16 =	vshrl.u32 v16, $0x14;
	v17 =	vand.u32 $0xFF0, v17;
	vm2 =	vmmov vm0;
	s25 =	smov.u32 s22  }
0x3d: {  	v19 =	vmov s21;
	v20 =	vmov s23;
	s23 =	sadd.s32 $0x5, s25;
	s26 =	sadd.s32 $0x7, s25;
	s21 =	sadd.s32 $0x8, s22;
	[tilespmem:v13+s13+$0x0] =	vst.idx.add.s32.msk $0xffff, v4;
	v13 =	vand.u32 $0xFF0, v16  }
0x3e: {  	p0 =	slt.u32 s22, $0x7F8;
	v16 =	vmov s25;
	s28 =	sadd.s32 $0x1, s25;
	s25 =	sadd.s32 $0x2, s25;
	v21 =	vld [tilespmem:s19+$0xFFFFFFD0];
	vm0 =	vlt.s32 v19, v9;
	v19 =	vmov s26  }
0x3f: {  	v10 =	vsel vm1, v15, v10;
	v22 =	vmov s28;
	v24 =	vmov s25;
	v23 =	vld [tilespmem:s19+$0xFFFFFFE0]  }
0x40: {  	v14 =	vxor.u32 v3, v14;
	v17 =	vxor.u32 v3, v17;
	v10 =	vnsel vm2, $0x80000000, v10;
	v15 =	vld [tilespmem:s19+$0xFFFFFFC0]  }
0x41: {  	v25 =	vmov s24;
	vm1 =	vlt.s32 v19, v9;
	v19 =	vshrl.u32 v10, $0x14;
	v26 =	vld [tilespmem:s19+$0x30];
	[tilespmem:s18+$0xFFFFFFF0] =	vst v10;
	s18 =	smov.u32 s20  }
0x42: {  	vm2 =	vlt.s32 v20, v9;
	vm7 =	vlt.s32 v25, v9;
	v13 =	vxor.u32 v3, v13;
	v20 =	vld [tilespmem:s19+$0x10]  }
0x43: {  	vm5 =	vlt.s32 v24, v9;
	v24 =	vmov s23;
	v19 =	vand.u32 $0xFF0, v19;
	v10 =	vld [tilespmem:s19+$0xFFFFFFF0]  }
0x44: {  	vm4 =	vlt.s32 v22, v9;
	vm3 =	vlt.s32 v24, v9;
	v19 =	vxor.u32 v3, v19;
	v22 =	vld [tilespmem:s19+$0x0]  }
0x45: {  	vm6 =	vlt.s32 v16, v9;
	v16 =	vxor.u32 $0x7FFFFFFF, v18;
	vm8 =	vlt.s32 v18, $0x0;
	[tilespmem:v12+s13+$0x0] =	vst.idx.add.s32.msk $0xffff, v4  }
0x46: {  	v16 =	vsel vm8, v16, v18;
	vm9 =	vlt.s32 v21, $0x0;
	v12 =	vxor.u32 $0x7FFFFFFF, v21;
	[tilespmem:v17+s13+$0x0] =	vst.idx.add.s32.msk $0xffff, v4  }
0x47: {  	v16 =	vnsel vm7, $0x80000000, v16;
	v17 =	vxor.u32 $0x7FFFFFFF, v15;
	v12 =	vsel vm9, v12, v21;
	[tilespmem:v13+s13+$0x0] =	vst.idx.add.s32.msk $0xffff, v4  }
0x48: {  	vm7 =	vlt.s32 v23, $0x0;
	vm8 =	vlt.s32 v26, $0x0;
	v13 =	vshrl.u32 v16, $0x14;
	[tilespmem:v11+s13+$0x0] =	vst.idx.add.s32.msk $0xffff, v4  }
0x49: {  	v18 =	vxor.u32 $0x7FFFFFFF, v20;
	v11 =	vxor.u32 $0x7FFFFFFF, v23;
	v13 =	vand.u32 $0xFF0, v13;
	[tilespmem:v19+s13+$0x0] =	vst.idx.add.s32.msk $0xffff, v4  }
0x4a: {  	v11 =	vsel vm7, v11, v23;
	v13 =	vxor.u32 v3, v13;
	v19 =	vxor.u32 $0x7FFFFFFF, v26;
	[tilespmem:v14+s13+$0x0] =	vst.idx.add.s32.msk $0xffff, v4  }
0x4b: {  	vm7 =	vlt.s32 v15, $0x0;
	v11 =	vnsel vm5, $0x80000000, v11;
	v14 =	vsel vm8, v19, v26;
	[tilespmem:s20+$0x20] =	vst v16  }
0x4c: {  	v12 =	vnsel vm4, $0x80000000, v12;
	vm4 =	vlt.s32 v20, $0x0;
	v15 =	vsel vm7, v17, v15;
	[tilespmem:s20+$0xFFFFFFE0] =	vst v11  }
0x4d: {  	v15 =	vnsel vm6, $0x80000000, v15;
	v16 =	vxor.u32 $0x7FFFFFFF, v22;
	[tilespmem:s20+$0xFFFFFFD0] =	vst v12;
	v12 =	vshrl.u32 v12, $0x14  }
0x4e: {  	vm5 =	vlt.s32 v22, $0x0;
	v11 =	vshrl.u32 v11, $0x14;
	[tilespmem:s20+$0xFFFFFFC0] =	vst v15;
	v15 =	vshrl.u32 v15, $0x14  }
.Ltmp1:
0x4f: {  	v19 =	vand.u32 $0xFF0, v11;
	v17 =	vand.u32 $0xFF0, v12;
	v15 =	vand.u32 $0xFF0, v15;
	[tilespmem:v13+s13+$0x0] =	vst.idx.add.s32.msk $0xffff, v4;
	(pc) =	sbr.rel @p0 .LBB2_5-.Ltmp1, $4  }
0x50: {  	v11 =	vxor.u32 v3, v17;
	v13 =	vxor.u32 v3, v19;
	v12 =	vxor.u32 v3, v15  }
0x51: {  	v14 =	vnsel vm1, $0x80000000, v14;
	v17 =	vsel vm4, v18, v20;
	v15 =	vsel vm5, v16, v22  }
0x52: {  	v17 =	vnsel vm3, $0x80000000, v17;
	v16 =	vnsel vm2, $0x80000000, v15;
	[tilespmem:s20+$0x30] =	vst v14;
	v14 =	vshrl.u32 v14, $0x14  }
0x53: {  	s22 =	smov.u32 s21;
	s19 =	sadd.s32 $0x80, s19;
	v15 =	vxor.u32 $0x7FFFFFFF, v10;
	s20 =	sadd.s32 $0x80, s20;
	[tilespmem:s18+$0x10] =	vst v17;
	v17 =	vshrl.u32 v17, $0x14;
	v14 =	vand.u32 $0xFF0, v14  }
0x54: {  	vm1 =	vlt.s32 v10, $0x0  }
0x55: {  	v9 =	vshrl.u32 v16, $0x14;
	vm0 =	vmmov vm0;
	v10 =	vsel vm1, v15, v10  }
0x56: {  	v9 =	vand.u32 $0xFF0, v9;
	v10 =	vnsel vm0, $0x80000000, v10  }
0x57: {  	v17 =	vand.u32 $0xFF0, v17;
	[tilespmem:s18+$0x0] =	vst v16;
	v9 =	vxor.u32 v3, v9;
	v16 =	vshrl.u32 v10, $0x14  }
0x58: {  	[tilespmem:v13+s13+$0x0] =	vst.idx.add.s32.msk $0xffff, v4;
	v15 =	vxor.u32 v3, v17;
	v13 =	vand.u32 $0xFF0, v16  }
0x59: {  	s31 =	simm.s32 $0x10;
	[tilespmem:s18+$0xFFFFFFF0] =	vst v10;
	v10 =	vxor.u32 v3, v13  }
0x5a: {  	[tilespmem:v12+s13+$0x0] =	vst.idx.add.s32.msk $0xffff, v4;
	s19 =	simm.s32 $0x0;
	v12 =	vmov s31;
	v13 =	vxor.u32 v3, v14  }
0x5b: {  	[tilespmem:v11+s13+$0x0] =	vst.idx.add.s32.msk $0xffff, v4;
	v12 =	vshll.u32 v12, $0x4;
	v14 =	vmov s19  }
0x5c: {  	v16 =	vor.u32 v5, v12;
	[tilespmem:v9+s13+$0x0] =	vst.idx.add.s32.msk $0xffff, v4;
	v9 =	vshll.u32 v14, $0x4  }
0x5d: {  	p0 =	seq.s32 s16, $0x3;
	[tilespmem:v15+s13+$0x0] =	vst.idx.add.s32.msk $0xffff, v4;
	v9 =	vor.u32 v5, v9  }
0x5e: {  	s17 =	sshll.u32 @!p0 s17, $0xC;
	v11 =	vor.u32 $0x2, v9;
	[tilespmem:v10+s13+$0x0] =	vst.idx.add.s32.msk $0xffff, v4  }
0x5f: {  	s17 =	sadd.s32 @!p0 s17, s6;
	s18 =	simm.s32 @!p0 $0x0;
	v12 =	vor.u32 $0x3, v9;
	[tilespmem:v13+s13+$0x0] =	vst.idx.add.s32.msk $0xffff, v4  }
0x60: {  	v10 =	vor.u32 $0x1, v9;
	[tilespmem:s18], [sflag:$0x1] =	stream.linear.gather @!p0 [hbm4b:s17+s18], $0x8000, $0x38;
	[tilespmem:$0x11200] =	vst v63  }
0x61: {  	v15 =	vor.u32 $0x5, v9;
	v18 =	vld.idx.msk [tilespmem:v16+s13+$0x0], $0xffff  }
0x62: {  	v17 =	vor.u32 $0x6, v9;
	v14 =	vld.idx.msk [tilespmem:v9+s13+$0x0], $0xffff  }
0x63: {  	v13 =	vor.u32 $0x4, v9;
	v11 =	vld.idx.msk [tilespmem:v11+s13+$0x0], $0xffff  }
0x64: {  	v19 =	vor.u32 $0x7, v9;
	v12 =	vld.idx.msk [tilespmem:v12+s13+$0x0], $0xffff  }
0x65: {  	v20 =	vor.u32 $0x8, v9;
	v10 =	vld.idx.msk [tilespmem:v10+s13+$0x0], $0xffff  }
0x66: {  	v21 =	vor.u32 $0x9, v9;
	v15 =	vld.idx.msk [tilespmem:v15+s13+$0x0], $0xffff  }
0x67: {  	v22 =	vor.u32 $0xA, v9;
	v17 =	vld.idx.msk [tilespmem:v17+s13+$0x0], $0xffff  }
0x68: {  	v23 =	vor.u32 $0xB, v9;
	v13 =	vld.idx.msk [tilespmem:v13+s13+$0x0], $0xffff  }
0x69: {  	v24 =	vor.u32 $0xC, v9;
	v19 =	vld.idx.msk [tilespmem:v19+s13+$0x0], $0xffff  }
0x6a: {  	v10 =	vadd.s32 v14, v10;
	v14 =	vld.idx.msk [tilespmem:v20+s13+$0x0], $0xffff;
	v20 =	vor.u32 $0xD, v9  }
0x6b: {  	v25 =	vshra.s32 v8, $0x1F;
	v10 =	vadd.s32 v11, v10;
	v11 =	vld.idx.msk [tilespmem:v21+s13+$0x0], $0xffff;
	v21 =	vor.u32 $0xE, v9  }
0x6c: {  	v25 =	vshrl.u32 v25, $0x1C;
	v9 =	vor.u32 $0xF, v9;
	v10 =	vadd.s32 v12, v10;
	v12 =	vld.idx.msk [tilespmem:v22+s13+$0x0], $0xffff  }
0x6d: {  	v22 =	vadd.s32 v25, v8;
	v25 =	vor.u32 $0x1, v16;
	v10 =	vadd.s32 v13, v10;
	v13 =	vld.idx.msk [tilespmem:v23+s13+$0x0], $0xffff  }
0x6e: {  	vm14 =	vlt.s32 v8, $0x1;
	v23 =	vor.u32 $0x2, v16;
	v10 =	vadd.s32 v15, v10;
	v15 =	vld.idx.msk [tilespmem:v24+s13+$0x0], $0xffff  }
0x6f: {  	v26 =	vor.u32 $0x4, v16;
	v27 =	vor.u32 $0x6, v16;
	v10 =	vadd.s32 v17, v10;
	v20 =	vld.idx.msk [tilespmem:v20+s13+$0x0], $0xffff  }
0x70: {  	v8 =	vand.u32 $0xF, v8;
	v24 =	vor.u32 $0x3, v16;
	v10 =	vadd.s32 v19, v10;
	v19 =	vld.idx.msk [tilespmem:v21+s13+$0x0], $0xffff  }
0x71: {  	vm15 =	vne.s32 v8, $0x0;
	v21 =	vor.u32 $0x5, v16;
	v8 =	vadd.s32 v14, v10;
	v10 =	vld.idx.msk [tilespmem:v9+s13+$0x0], $0xffff  }
0x72: {  	v28 =	vor.u32 $0x7, v16;
	vm0 =	vmand vm14, vm15;
	v25 =	vld.idx.msk [tilespmem:v25+s13+$0x0], $0xffff;
	v8 =	vadd.s32 v11, v8  }
0x73: {  	v22 =	vshra.s32 v22, $0x4;
	v9 =	vsel vm0, $0xFFFFFFFF, v1;
	v29 =	vld.idx.msk [tilespmem:v23+s13+$0x0], $0xffff;
	v8 =	vadd.s32 v12, v8  }
0x74: {  	v30 =	vor.u32 $0x8, v16;
	v9 =	vadd.s32 v9, v22;
	v22 =	vld.idx.msk [tilespmem:v26+s13+$0x0], $0xffff;
	v11 =	vadd.s32 v13, v8  }
0x75: {  	v17 =	vor.u32 $0x9, v16;
	v14 =	vor.u32 $0xA, v16;
	v24 =	vld.idx.msk [tilespmem:v24+s13+$0x0], $0xffff;
	v12 =	vadd.s32 v15, v11  }
0x76: {  	v8 =	vadd.s32 $0x1, v9;
	v13 =	vor.u32 $0xC, v16;
	v23 =	vld.idx.msk [tilespmem:v21+s13+$0x0], $0xffff;
	v15 =	vadd.s32 v20, v12  }
0x77: {  	v11 =	vor.u32 $0xB, v16;
	v12 =	vor.u32 $0xD, v16;
	v20 =	vadd.s32 v19, v15;
	v19 =	vld.idx.msk [tilespmem:v27+s13+$0x0], $0xffff  }
0x78: {  	s20 =	simm.s32 $0x0;
	s18 =	simm.s32 $0x11010;
	v18 =	vadd.s32 v18, v25;
	v15 =	vor.u32 $0xE, v16;
	v21 =	vadd.s32 v10, v20;
	v20 =	vld.idx.msk [tilespmem:v28+s13+$0x0], $0xffff  }
0x79: {  	s21 =	simm.s32 $0x30;
	s19 =	simm.s32 $0x110F0;
	s17 =	simm.s32 $0xF0;
	v16 =	vor.u32 $0xF, v16;
	v26 =	vadd.s32 v29, v18;
	v10 =	vimm.s32 $0xFFFFFFFF;
	[tilespmem:s18+$0xFFFFFFF0] =	vst v21;
	v21 =	vld.idx.msk [tilespmem:v30+s13+$0x0], $0xffff  }
.LBB2_7:
0x7a: {  	s22 =	sadd.s32 $0xFFFFFFF0, s21;
	v18 =	vmov s21;
	s20 =	sadd.s32 $0x2, s20;
	v24 =	vadd.s32 v24, v26;
	v25 =	vld.idx.msk [tilespmem:v17+s13+$0x0], $0xffff  }
0x7b: {  	v17 =	vmov s22;
	v18 =	vshll.u32 v18, $0x4;
	p0 =	slt.u32 s20, $0xE;
	v22 =	vadd.s32 v22, v24;
	v24 =	vld.idx.msk [tilespmem:v14+s13+$0x0], $0xffff  }
0x7c: {  	v14 =	vshll.u32 v17, $0x4;
	v18 =	vor.u32 v5, v18;
	v22 =	vadd.s32 v23, v22;
	v23 =	vld.idx.msk [tilespmem:v11+s13+$0x0], $0xffff  }
0x7d: {  	v26 =	vor.u32 v5, v14;
	v27 =	vor.u32 $0x1, v18;
	v28 =	vor.u32 $0x2, v18;
	v29 =	vld.idx.msk [tilespmem:v13+s13+$0x0], $0xffff  }
0x7e: {  	v30 =	vor.u32 $0x3, v18;
	v31 =	vor.u32 $0x4, v18;
	v13 =	vor.u32 $0x1, v26;
	v32 =	vld.idx.msk [tilespmem:v12+s13+$0x0], $0xffff  }
0x7f: {  	v33 =	vor.u32 $0x5, v18;
	v34 =	vor.u32 $0x6, v18;
	v12 =	vor.u32 $0x2, v26;
	v35 =	vld.idx.msk [tilespmem:v15+s13+$0x0], $0xffff  }
0x80: {  	v36 =	vor.u32 $0x7, v18;
	v37 =	vor.u32 $0x8, v18;
	v15 =	vor.u32 $0x3, v26;
	v38 =	vld.idx.msk [tilespmem:v16+s13+$0x0], $0xffff  }
0x81: {  	v17 =	vor.u32 $0x9, v18;
	v14 =	vor.u32 $0xA, v18;
	v16 =	vor.u32 $0x4, v26;
	v39 =	vld.idx.msk [tilespmem:v18+s13+$0x0], $0xffff  }
0x82: {  	v11 =	vor.u32 $0xB, v18;
	v19 =	vadd.s32 v19, v22;
	v41 =	vor.u32 $0x5, v26;
	v40 =	vld.idx.msk [tilespmem:v26+s13+$0x0], $0xffff  }
0x83: {  	v42 =	vor.u32 $0x6, v26;
	v19 =	vadd.s32 v20, v19;
	v22 =	vld.idx.msk [tilespmem:v13+s13+$0x0], $0xffff;
	v13 =	vor.u32 $0xC, v18  }
0x84: {  	v43 =	vor.u32 $0x7, v26;
	v19 =	vadd.s32 v21, v19;
	v20 =	vld.idx.msk [tilespmem:v12+s13+$0x0], $0xffff;
	v12 =	vor.u32 $0xD, v18  }
0x85: {  	v44 =	vor.u32 $0x8, v26;
	v19 =	vadd.s32 v25, v19;
	v21 =	vld.idx.msk [tilespmem:v15+s13+$0x0], $0xffff;
	v15 =	vor.u32 $0xE, v18  }
0x86: {  	v45 =	vor.u32 $0x9, v26;
	v25 =	vld.idx.msk [tilespmem:v16+s13+$0x0], $0xffff;
	v16 =	vor.u32 $0xF, v18;
	v18 =	vadd.s32 v24, v19  }
0x87: {  	v24 =	vor.u32 $0xA, v26;
	v19 =	vld.idx.msk [tilespmem:v41+s13+$0x0], $0xffff;
	v18 =	vadd.s32 v23, v18  }
0x88: {  	v41 =	vor.u32 $0xB, v26;
	v23 =	vld.idx.msk [tilespmem:v42+s13+$0x0], $0xffff;
	v18 =	vadd.s32 v29, v18  }
0x89: {  	v22 =	vadd.s32 v40, v22;
	v40 =	vor.u32 $0xC, v26;
	v29 =	vld.idx.msk [tilespmem:v43+s13+$0x0], $0xffff;
	v18 =	vadd.s32 v32, v18  }
0x8a: {  	v20 =	vadd.s32 v20, v22;
	v32 =	vor.u32 $0xD, v26;
	v22 =	vld.idx.msk [tilespmem:v44+s13+$0x0], $0xffff;
	v18 =	vadd.s32 v35, v18  }
0x8b: {  	v20 =	vadd.s32 v21, v20;
	v35 =	vor.u32 $0xE, v26;
	v21 =	vld.idx.msk [tilespmem:v45+s13+$0x0], $0xffff;
	v18 =	vadd.s32 v38, v18  }
0x8c: {  	v20 =	vadd.s32 v25, v20;
	v25 =	vor.u32 $0xF, v26;
	v24 =	vld.idx.msk [tilespmem:v24+s13+$0x0], $0xffff;
	[tilespmem:s18+$0x0] =	vst v18  }
0x8d: {  	v18 =	vadd.s32 v19, v20;
	v19 =	vld.idx.msk [tilespmem:v41+s13+$0x0], $0xffff  }
0x8e: {  	v18 =	vadd.s32 v23, v18;
	v20 =	vld.idx.msk [tilespmem:v40+s13+$0x0], $0xffff  }
0x8f: {  	v18 =	vadd.s32 v29, v18;
	v23 =	vld.idx.msk [tilespmem:v32+s13+$0x0], $0xffff  }
0x90: {  	v18 =	vadd.s32 v22, v18;
	v26 =	vld.idx.msk [tilespmem:v35+s13+$0x0], $0xffff  }
0x91: {  	v18 =	vadd.s32 v21, v18;
	v21 =	vld.idx.msk [tilespmem:v25+s13+$0x0], $0xffff  }
0x92: {  	v18 =	vadd.s32 v24, v18;
	v25 =	vld.idx.msk [tilespmem:v27+s13+$0x0], $0xffff  }
0x93: {  	v18 =	vadd.s32 v19, v18;
	v27 =	vld.idx.msk [tilespmem:v28+s13+$0x0], $0xffff  }
0x94: {  	v18 =	vadd.s32 v20, v18;
	v24 =	vld.idx.msk [tilespmem:v30+s13+$0x0], $0xffff  }
.Ltmp2:
0x95: {  	v18 =	vadd.s32 v23, v18;
	v22 =	vld.idx.msk [tilespmem:v31+s13+$0x0], $0xffff;
	(pc) =	sbr.rel @p0 .LBB2_7-.Ltmp2, $4  }
0x96: {  	v18 =	vadd.s32 v26, v18;
	v23 =	vld.idx.msk [tilespmem:v33+s13+$0x0], $0xffff  }
0x97: {  	s18 =	sadd.s32 $0x20, s18;
	v20 =	vadd.s32 v21, v18;
	v19 =	vld.idx.msk [tilespmem:v34+s13+$0x0], $0xffff  }
0x98: {  	v18 =	vimm.s32 $0x1;
	v21 =	vadd.s32 v39, v25;
	v25 =	vimm.s32 $0x0;
	[tilespmem:s18+$0xFFFFFFF0] =	vst v20;
	v20 =	vld.idx.msk [tilespmem:v36+s13+$0x0], $0xffff  }
0x99: {  	s21 =	sadd.s32 $0x20, s21;
	v26 =	vadd.s32 v27, v21;
	v21 =	vld.idx.msk [tilespmem:v37+s13+$0x0], $0xffff  }
0x9a: {  	_ =	sdelay $0x2  }
0x9b: {  	v24 =	vadd.s32 v24, v26  }
0x9c: {  	v17 =	vld.idx.msk [tilespmem:v17+s13+$0x0], $0xffff;
	v22 =	vadd.s32 v22, v24  }
0x9d: {  	v14 =	vld.idx.msk [tilespmem:v14+s13+$0x0], $0xffff;
	v22 =	vadd.s32 v23, v22  }
0x9e: {  	v11 =	vld.idx.msk [tilespmem:v11+s13+$0x0], $0xffff;
	v19 =	vadd.s32 v19, v22  }
0x9f: {  	v13 =	vld.idx.msk [tilespmem:v13+s13+$0x0], $0xffff;
	v19 =	vadd.s32 v20, v19  }
0xa0: {  	v12 =	vld.idx.msk [tilespmem:v12+s13+$0x0], $0xffff;
	v19 =	vadd.s32 v21, v19  }
0xa1: {  	v15 =	vld.idx.msk [tilespmem:v15+s13+$0x0], $0xffff;
	v17 =	vadd.s32 v17, v19  }
0xa2: {  	v16 =	vld.idx.msk [tilespmem:v16+s13+$0x0], $0xffff;
	v14 =	vadd.s32 v14, v17  }
0xa3: {  	v11 =	vadd.s32 v11, v14  }
0xa4: {  	v11 =	vadd.s32 v13, v11  }
0xa5: {  	v11 =	vadd.s32 v12, v11  }
0xa6: {  	v11 =	vadd.s32 v15, v11  }
0xa7: {  	v11 =	vadd.s32 v16, v11  }
0xa8: {  	[tilespmem:s18+$0x0] =	vst v11  }
0xa9: {  	v11 =	vld [tilespmem:s19+$0x0];
	_ =	sdelay $0x3  }
0xaa: {  	s28 =	simm.s32 $0x110E0  }
0xab: {  	v13 =	vld [tilespmem:s28+$0x0];
	(xrf0) =	vadd.scan.msk.s32 $0xffff, v11;
	_ =	sdelay $0x4  }
0xac: {  	(xrf0) =	vadd.scan.msk.s32 $0xffff, v13  }
0xad: {  	s29 =	simm.s32 $0x110D0;
	v14, _, _ =	vpop (xrf0)  }
0xae: {  	s30 =	simm.s32 $0x110C0;
	v15 =	vld [tilespmem:s29+$0x0];
	v16 =	vperm.xlane v14, v6  }
0xaf: {  	v12 =	vld [tilespmem:s30+$0x0]  }
0xb0: {  	v11 =	vsub.s32 v11, v14;
	v19 =	vadd.s32 v25, v16  }
0xb1: {  	v11 =	vadd.s32 v19, v11  }
0xb2: {  	vm0 =	vgt.s32 v11, v9;
	v16, _, _ =	vpop (xrf0)  }
0xb3: {  	(xrf0) =	vadd.scan.msk.s32 $0xffff, v15;
	v20 =	vmpcnt.ones.xlane vm0;
	v17 =	vperm.xlane v16, v6  }
0xb4: {  	s31 =	simm.s32 $0x110B0;
	(xrf0) =	vadd.scan.msk.s32 $0xffff, v12  }
0xb5: {  	v11 =	vld [tilespmem:s31+$0x0];
	v13 =	vsub.s32 v13, v16;
	v21 =	vadd.s32 $0xFFFFFFFF, v20;
	v17 =	vadd.s32 v19, v17  }
0xb6: {  	vm0 =	vgt.s32 v21, $0x0;
	v13 =	vadd.s32 v17, v13  }
0xb7: {  	vm1 =	vlt.s32 v10, $0x0;
	v23 =	vsub.s32 v8, v19;
	v22 =	vnsel vm0, $0x0, v21  }
0xb8: {  	vm0 =	vgt.s32 v13, v9;
	v21 =	vadd.s32 s17, v21;
	v63 =	vperm.xlane v14, v22  }
0xb9: {  	s20 =	simm.s32 $0xE0;
	s21 =	simm.s32 $0xA0;
	s22 =	simm.s32 $0x110A0;
	v19 =	vmpcnt.ones.xlane vm0;
	vm0 =	vgt.s32 v20, $0x0;
	v20 =	vmov v17;
	v13, _, _ =	vpop (xrf0)  }
0xba: {  	s18 =	simm.s32 $0xC0;
	s19 =	simm.s32 $0xD0;
	s17 =	simm.s32 $0xB0;
	(xrf0) =	vadd.scan.msk.s32 $0xffff, v11;
	vm0 =	vmand vm1, vm0;
	v14, _, _ =	vpop (xrf0);
	v22 =	vperm.xlane v13, v6;
	v23 =	vadd.s32 v63, v23  }
.LBB2_9:
0xbb: {  	p0 =	sne.s32 s21, $0x0;
	v24 =	vadd.s32 $0xFFFFFFFF, v19;
	v10 =	vsel vm0, v21, v10;
	v18 =	vsel vm0, v23, v18;
	v21 =	vmovc v11;
	v11 =	vld [tilespmem:s22+$0x0];
	s23 =	smov.u32 s21;
	s21 =	sadd.s32 $0xFFFFFFF0, s21  }
.Ltmp3:
0xbc: {  	v17 =	vadd.s32 v17, v22;
	v22 =	vsub.s32 v15, v13;
	vm0 =	vgt.s32 v24, $0x0;
	v15 =	vmovc v12;
	v12 =	vmovc v21;
	(pc) =	sbr.rel @p0 .LBB2_9-.Ltmp3, $4  }
0xbd: {  	v23 =	vsub.s32 v8, v20;
	v21 =	vadd.s32 v17, v22;
	v22 =	vnsel vm0, $0x0, v24;
	v20 =	vmovc v17  }
0xbe: {  	vm1 =	vlt.s32 v10, $0x0;
	vm0 =	vgt.s32 v21, v9;
	v25 =	vperm.xlane v16, v22;
	v16 =	vmovc v13;
	v13 =	vmovc v14  }
0xbf: {  	vm2 =	vgt.s32 v19, $0x0;
	v21 =	vadd.s32 s20, v24;
	s20 =	smov.u32 s19;
	s19 =	smov.u32 s18;
	s18 =	smov.u32 s17;
	v19 =	vmpcnt.ones.xlane vm0  }
0xc0: {  	s22 =	sadd.s32 $0xFFFFFFF0, s22;
	s17 =	smov.u32 s23;
	v22 =	vperm.xlane v13, v6;
	vm0 =	vmand vm1, vm2;
	(xrf0) =	vadd.scan.msk.s32 $0xffff, v11;
	v14, _, _ =	vpop (xrf0);
	v23 =	vadd.s32 v25, v23  }
0xc1: {  	v24 =	vadd.s32 $0xFFFFFFFF, v19;
	v10 =	vsel vm0, v21, v10  }
0xc2: {  	v15 =	vsub.s32 v15, v13;
	v18 =	vsel vm0, v23, v18;
	v20 =	vsub.s32 v8, v20  }
0xc3: {  	vm4 =	vgt.s32 v19, $0x0;
	v48 =	vperm.xlane v14, v6;
	v12 =	vsub.s32 v12, v14  }
0xc4: {  	v17 =	vadd.s32 v17, v22;
	vm1 =	vgt.s32 v24, $0x0;
	vm15 =	vlt.s32 v10, $0x0  }
0xc5: {  	v47 =	vadd.s32 s20, v24;
	v15 =	vadd.s32 v17, v15;
	v44 =	vnsel vm1, $0x0, v24  }
0xc6: {  	vm0 =	vmand vm15, vm4;
	v50 =	vadd.s32 v17, v48;
	v17 =	vsub.s32 v8, v17  }
0xc7: {  	vm14 =	vgt.s32 v15, v9;
	v45 =	vperm.xlane v16, v44;
	v10 =	vsel vm0, v47, v10  }
0xc8: {  	v12 =	vadd.s32 v50, v12;
	v60 =	vsub.s32 v8, v50;
	v46 =	vmpcnt.ones.xlane vm14  }
0xc9: {  	vm6 =	vgt.s32 v12, v9;
	vm7 =	vlt.s32 v10, $0x0;
	v15 =	vadd.s32 v45, v20;
	v51, _, _ =	vpop (xrf0)  }
0xca: {  	v55 =	vmpcnt.ones.xlane vm6;
	v49 =	vadd.s32 $0xFFFFFFFF, v46;
	v53 =	vperm.xlane v51, v6  }
0xcb: {  	v15 =	vsel vm0, v15, v18;
	vm8 =	vgt.s32 v46, $0x0;
	v11 =	vsub.s32 v11, v51  }
0xcc: {  	vm5 =	vgt.s32 v49, $0x0;
	v56 =	vadd.s32 s19, v49;
	v12 =	vadd.s32 v50, v53  }
0xcd: {  	vm0 =	vmand vm7, vm8;
	v57 =	vadd.s32 $0xFFFFFFFF, v55;
	v11 =	vadd.s32 v12, v11  }
0xce: {  	v52 =	vnsel vm5, $0x0, v49;
	vm10 =	vgt.s32 v57, $0x0;
	vm9 =	vgt.s32 v11, v9  }
0xcf: {  	v54 =	vperm.xlane v13, v52;
	v9 =	vsel vm0, v56, v10;
	v10 =	vmpcnt.ones.xlane vm9  }
0xd0: {  	s19 =	simm.s32 $0x10040;
	vm12 =	vgt.s32 v55, $0x0;
	v61 =	vadd.s32 s18, v57;
	v58 =	vnsel vm10, $0x0, v57  }
0xd1: {  	[tilespmem:s19+$0xFFFFFFC0] =	vst v1;
	v12 =	vsub.s32 v8, v12;
	v13 =	vadd.s32 v54, v17;
	v59 =	vadd.s32 $0xFFFFFFFF, v10  }
0xd2: {  	[tilespmem:s19+$0x30] =	vst v1;
	vm11 =	vlt.s32 v9, $0x0;
	v11 =	vsel vm0, v13, v15;
	vm13 =	vgt.s32 v59, $0x0  }
0xd3: {  	[tilespmem:s19+$0x20] =	vst v1;
	v13 =	vperm.xlane v14, v58;
	vm0 =	vmand vm11, vm12;
	v62 =	vnsel vm13, $0x0, v59  }
0xd4: {  	[tilespmem:s19+$0x10] =	vst v1;
	v9 =	vsel vm0, v61, v9;
	vm15 =	vgt.s32 v10, $0x0;
	v63 =	vperm.xlane v51, v62  }
0xd5: {  	[tilespmem:s19+$0x0] =	vst v1;
	v13 =	vadd.s32 v13, v60;
	vm14 =	vlt.s32 v9, $0x0;
	v10 =	vadd.s32 s17, v59  }
0xd6: {  	[tilespmem:s19+$0xFFFFFFF0] =	vst v1;
	v11 =	vsel vm0, v13, v11;
	vm0 =	vmand vm14, vm15;
	v12 =	vadd.s32 v63, v12  }
0xd7: {  	[tilespmem:s19+$0xFFFFFFE0] =	vst v1;
	s17 =	simm.s32 $0x0;
	v9 =	vsel vm0, v10, v9;
	v10 =	vsel vm0, v12, v11  }
.LBB2_11:
0xd8: {  	s17 =	sadd.s32 $0x8, s17;
	[tilespmem:s19+$0xFFFFFFD0] =	vst v1;
	s19 =	sadd.s32 $0x80, s19  }
0xd9: {  	[tilespmem:s19+$0xFFFFFFC0] =	vst v1;
	p0 =	slt.u32 s17, $0xF8  }
0xda: {  	[tilespmem:s19+$0x30] =	vst v1  }
.Ltmp4:
0xdb: {  	[tilespmem:s19+$0x20] =	vst v1;
	(pc) =	sbr.rel @p0 .LBB2_11-.Ltmp4, $4  }
0xdc: {  	[tilespmem:s19+$0x10] =	vst v1  }
0xdd: {  	[tilespmem:s19+$0x0] =	vst v1  }
0xde: {  	[tilespmem:s19+$0xFFFFFFF0] =	vst v1  }
0xdf: {  	[tilespmem:s19+$0xFFFFFFE0] =	vst v1  }
0xe0: {  	[tilespmem:s19+$0xFFFFFFD0] =	vst v1;
	s18 =	simm.s32 $0x8040  }
0xe1: {  	v13 =	vld [tilespmem:s18+$0xFFFFFFD0]  }
0xe2: {  	v14 =	vld [tilespmem:s18+$0xFFFFFFE0]  }
0xe3: {  	v12 =	vld [tilespmem:s18+$0x30]  }
0xe4: {  	v18 =	vld [tilespmem:s18+$0xFFFFFFC0];
	_ =	sdelay $0x2  }
0xe5: {  	v11 =	vand.u32 $0xFF, v9;
	v19 =	vld [tilespmem:s18+$0x0]  }
0xe6: {  	v21 =	vshrl.u32 v14, $0x18;
	v15 =	vshrl.u32 v13, $0x18;
	v13 =	vshrl.u32 v13, $0xC  }
0xe7: {  	v17 =	vshrl.u32 v12, $0x18;
	v20 =	vshrl.u32 v18, $0x18;
	v16 =	vxor.u32 v11, v15  }
0xe8: {  	v18 =	vshrl.u32 v18, $0xC;
	v13 =	vand.u32 $0xFF0, v13;
	v15 =	vld [tilespmem:s18+$0x10];
	vm2 =	veq.s32 v16, $0x80  }
0xe9: {  	v16 =	vor.u32 v0, v13;
	v13 =	vxor.u32 v11, v20;
	v20 =	vand.u32 $0xFF0, v18;
	v18 =	vld [tilespmem:s18+$0xFFFFFFF0]  }
0xea: {  	v23 =	vshrl.u32 v19, $0x18;
	v17 =	vxor.u32 v11, v17;
	v22 =	vxor.u32 v11, v21  }
0xeb: {  	vm0 =	veq.s32 v13, $0x80;
	v13 =	vshrl.u32 v14, $0xC;
	v14 =	vshrl.u32 v19, $0xC  }
0xec: {  	v23 =	vxor.u32 v11, v23;
	v19 =	vand.u32 $0xFF0, v13;
	v14 =	vand.u32 $0xFF0, v14  }
0xed: {  	s17 =	simm.s32 $0x0;
	v13 =	vld [tilespmem:s18+$0x20];
	s18 =	simm.s32 $0x80C0;
	v19 =	vor.u32 v0, v19;
	v14 =	vor.u32 v0, v14;
	v21 =	vshrl.u32 v15, $0xC  }
.LBB2_13:
0xee: {  	s17 =	sadd.s32 $0x8, s17;
	[tilespmem:v16+s13+$0x0] =	vst.idx.add.s32.msk vm2, v4;
	vm1 =	veq.s32 v22, $0x80;
	v16 =	vshrl.u32 v18, $0x18;
	vm4 =	veq.s32 v23, $0x80;
	v24 =	vmovc v19  }
0xef: {  	v18 =	vshrl.u32 v18, $0xC;
	v15 =	vshrl.u32 v15, $0x18;
	v19 =	vld [tilespmem:s18+$0xFFFFFFD0];
	p0 =	slt.u32 s17, $0x7F8;
	v16 =	vxor.u32 v11, v16  }
0xf0: {  	v12 =	vshrl.u32 v12, $0xC;
	v15 =	vxor.u32 v11, v15;
	v22 =	vld [tilespmem:s18+$0xFFFFFFE0];
	vm3 =	veq.s32 v16, $0x80  }
0xf1: {  	vm5 =	veq.s32 v17, $0x80;
	v17 =	vand.u32 $0xFF0, v12;
	v16 =	vor.u32 v0, v20;
	v23 =	vld [tilespmem:s18+$0x0]  }
0xf2: {  	vm6 =	veq.s32 v15, $0x80;
	v15 =	vand.u32 $0xFF0, v21;
	v20 =	vor.u32 v0, v17;
	v12 =	vld [tilespmem:s18+$0x30]  }
0xf3: {  	v17 =	vand.u32 $0xFF0, v18;
	v25 =	vor.u32 v0, v15;
	v15 =	vshrl.u32 v13, $0x18;
	v21 =	vld [tilespmem:s18+$0xFFFFFFC0]  }
0xf4: {  	v26 =	vor.u32 v0, v17;
	v17 =	vshrl.u32 v13, $0xC;
	v15 =	vxor.u32 v11, v15;
	v13 =	vld [tilespmem:s18+$0x20]  }
0xf5: {  	vm7 =	veq.s32 v15, $0x80;
	v15 =	vand.u32 $0xFF0, v17;
	v27 =	vshrl.u32 v22, $0x18;
	v18 =	vld [tilespmem:s18+$0xFFFFFFF0]  }
0xf6: {  	v17 =	vshrl.u32 v19, $0x18;
	v19 =	vshrl.u32 v19, $0xC;
	v28 =	vor.u32 v0, v15;
	[tilespmem:v16+s13+$0x0] =	vst.idx.add.s32.msk vm0, v4  }
0xf7: {  	v16 =	vxor.u32 v11, v17;
	v17 =	vand.u32 $0xFF0, v19;
	v15 =	vld [tilespmem:s18+$0x10];
	v19 =	vshrl.u32 v12, $0x18  }
0xf8: {  	vm2 =	veq.s32 v16, $0x80;
	v16 =	vor.u32 v0, v17;
	v29 =	vshrl.u32 v21, $0x18;
	[tilespmem:v14+s13+$0x0] =	vst.idx.add.s32.msk vm4, v4  }
.Ltmp5:
0xf9: {  	v17 =	vxor.u32 v11, v19;
	v14 =	vxor.u32 v11, v29;
	v29 =	vshrl.u32 v23, $0x18;
	[tilespmem:v25+s13+$0x0] =	vst.idx.add.s32.msk vm6, v4;
	(pc) =	sbr.rel @p0 .LBB2_13-.Ltmp5, $4  }
0xfa: {  	v19 =	vshrl.u32 v23, $0xC;
	vm0 =	veq.s32 v14, $0x80;
	v14 =	vshrl.u32 v22, $0xC;
	[tilespmem:v20+s13+$0x0] =	vst.idx.add.s32.msk vm5, v4  }
0xfb: {  	v20 =	vshrl.u32 v21, $0xC;
	v21 =	vand.u32 $0xFF0, v19;
	v14 =	vand.u32 $0xFF0, v14;
	[tilespmem:v28+s13+$0x0] =	vst.idx.add.s32.msk vm7, v4  }
0xfc: {  	v20 =	vand.u32 $0xFF0, v20;
	v19 =	vor.u32 v0, v14;
	v14 =	vor.u32 v0, v21;
	[tilespmem:v26+s13+$0x0] =	vst.idx.add.s32.msk vm3, v4  }
0xfd: {  	s19 =	simm.s32 $0x10;
	s18 =	sadd.s32 $0x80, s18;
	v22 =	vxor.u32 v11, v27;
	v23 =	vxor.u32 v11, v29;
	v21 =	vshrl.u32 v15, $0xC;
	[tilespmem:v24+s13+$0x0] =	vst.idx.add.s32.msk vm1, v4  }
0xfe: {  	v24 =	vshrl.u32 v18, $0x18  }
0xff: {  	vm1 =	veq.s32 v23, $0x80;
	v15 =	vshrl.u32 v15, $0x18;
	v18 =	vshrl.u32 v18, $0xC  }
0x100: {  	v12 =	vshrl.u32 v12, $0xC;
	v20 =	vor.u32 v0, v20;
	vm3 =	veq.s32 v17, $0x80  }
0x101: {  	v17 =	vshrl.u32 v13, $0x18;
	v13 =	vshrl.u32 v13, $0xC;
	v15 =	vxor.u32 v11, v15  }
0x102: {  	v23 =	vxor.u32 v11, v24;
	vm4 =	veq.s32 v15, $0x80;
	v15 =	vand.u32 $0xFF0, v21  }
0x103: {  	v12 =	vand.u32 $0xFF0, v12;
	v11 =	vxor.u32 v11, v17;
	v15 =	vor.u32 v0, v15  }
0x104: {  	v12 =	vor.u32 v0, v12;
	vm5 =	veq.s32 v11, $0x80;
	v11 =	vand.u32 $0xFF0, v13  }
0x105: {  	[tilespmem:v16+s13+$0x0] =	vst.idx.add.s32.msk vm2, v4;
	vm15 =	veq.s32 v23, $0x80;
	v13 =	vand.u32 $0xFF0, v18;
	v11 =	vor.u32 v0, v11  }
0x106: {  	vm6 =	veq.s32 v22, $0x80;
	s17 =	simm.s32 $0x0;
	v16 =	vmov s19;
	v13 =	vor.u32 v0, v13;
	[tilespmem:v20+s13+$0x0] =	vst.idx.add.s32.msk vm0, v4  }
0x107: {  	v16 =	vshll.u32 v16, $0x4;
	[tilespmem:v14+s13+$0x0] =	vst.idx.add.s32.msk vm1, v4;
	v14 =	vmov s17  }
0x108: {  	v14 =	vshll.u32 v14, $0x4;
	[tilespmem:v15+s13+$0x0] =	vst.idx.add.s32.msk vm4, v4;
	v15 =	vor.u32 v5, v16  }
0x109: {  	[tilespmem:v12+s13+$0x0] =	vst.idx.add.s32.msk vm3, v4;
	v12 =	vor.u32 v5, v14  }
0x10a: {  	[tilespmem:v11+s13+$0x0] =	vst.idx.add.s32.msk vm5, v4;
	v11 =	vor.u32 $0x1, v12  }
0x10b: {  	[tilespmem:v13+s13+$0x0] =	vst.idx.add.s32.msk vm15, v4;
	v13 =	vor.u32 $0x2, v12  }
0x10c: {  	[tilespmem:v19+s13+$0x0] =	vst.idx.add.s32.msk vm6, v4;
	v14 =	vor.u32 $0x3, v12  }
0x10d: {  	v16 =	vor.u32 $0x4, v12;
	v17 =	vld.idx.msk [tilespmem:v15+s13+$0x0], $0xffff  }
0x10e: {  	v19 =	vor.u32 $0x5, v12;
	v18 =	vld.idx.msk [tilespmem:v12+s13+$0x0], $0xffff  }
0x10f: {  	v20 =	vor.u32 $0x6, v12;
	v11 =	vld.idx.msk [tilespmem:v11+s13+$0x0], $0xffff  }
0x110: {  	v21 =	vor.u32 $0x7, v12;
	v13 =	vld.idx.msk [tilespmem:v13+s13+$0x0], $0xffff  }
0x111: {  	v22 =	vor.u32 $0x8, v12;
	v14 =	vld.idx.msk [tilespmem:v14+s13+$0x0], $0xffff  }
0x112: {  	v23 =	vor.u32 $0x9, v12;
	v16 =	vld.idx.msk [tilespmem:v16+s13+$0x0], $0xffff  }
0x113: {  	v24 =	vor.u32 $0xA, v12;
	v19 =	vld.idx.msk [tilespmem:v19+s13+$0x0], $0xffff  }
0x114: {  	v25 =	vor.u32 $0xB, v12;
	v20 =	vld.idx.msk [tilespmem:v20+s13+$0x0], $0xffff  }
0x115: {  	v26 =	vor.u32 $0xC, v12;
	v21 =	vld.idx.msk [tilespmem:v21+s13+$0x0], $0xffff  }
0x116: {  	v11 =	vadd.s32 v18, v11;
	v18 =	vld.idx.msk [tilespmem:v22+s13+$0x0], $0xffff;
	v22 =	vor.u32 $0xD, v12  }
0x117: {  	v11 =	vadd.s32 v13, v11;
	v13 =	vld.idx.msk [tilespmem:v23+s13+$0x0], $0xffff;
	v23 =	vor.u32 $0xE, v12  }
0x118: {  	v12 =	vor.u32 $0xF, v12;
	v11 =	vadd.s32 v14, v11;
	v14 =	vld.idx.msk [tilespmem:v24+s13+$0x0], $0xffff  }
0x119: {  	v24 =	vor.u32 $0x1, v15;
	v11 =	vadd.s32 v16, v11;
	v16 =	vld.idx.msk [tilespmem:v25+s13+$0x0], $0xffff  }
0x11a: {  	v27 =	vor.u32 $0x5, v15;
	v11 =	vadd.s32 v19, v11;
	v19 =	vld.idx.msk [tilespmem:v26+s13+$0x0], $0xffff  }
0x11b: {  	v25 =	vor.u32 $0x2, v15;
	v11 =	vadd.s32 v20, v11;
	v20 =	vld.idx.msk [tilespmem:v22+s13+$0x0], $0xffff  }
0x11c: {  	v26 =	vor.u32 $0x3, v15;
	v11 =	vadd.s32 v21, v11;
	v21 =	vld.idx.msk [tilespmem:v23+s13+$0x0], $0xffff  }
0x11d: {  	v22 =	vor.u32 $0x4, v15;
	v28 =	vld.idx.msk [tilespmem:v12+s13+$0x0], $0xffff;
	v11 =	vadd.s32 v18, v11  }
0x11e: {  	v33 =	vor.u32 $0x8, v15;
	v30 =	vld.idx.msk [tilespmem:v24+s13+$0x0], $0xffff;
	v11 =	vadd.s32 v13, v11  }
0x11f: {  	v29 =	vor.u32 $0x6, v15;
	v24 =	vld.idx.msk [tilespmem:v27+s13+$0x0], $0xffff;
	v11 =	vadd.s32 v14, v11  }
0x120: {  	v31 =	vor.u32 $0x7, v15;
	v32 =	vld.idx.msk [tilespmem:v25+s13+$0x0], $0xffff;
	v11 =	vadd.s32 v16, v11  }
0x121: {  	v18 =	vor.u32 $0x9, v15;
	v25 =	vld.idx.msk [tilespmem:v26+s13+$0x0], $0xffff;
	v11 =	vadd.s32 v19, v11  }
0x122: {  	v12 =	vor.u32 $0xA, v15;
	v23 =	vld.idx.msk [tilespmem:v22+s13+$0x0], $0xffff;
	v14 =	vadd.s32 v20, v11  }
0x123: {  	v13 =	vor.u32 $0xB, v15;
	v22 =	vld.idx.msk [tilespmem:v33+s13+$0x0], $0xffff;
	v11 =	vor.u32 $0xC, v15;
	v16 =	vadd.s32 v21, v14  }
0x124: {  	s17 =	simm.s32 $0x11010;
	v20 =	vld.idx.msk [tilespmem:v29+s13+$0x0], $0xffff;
	v17 =	vadd.s32 v17, v30;
	v14 =	vor.u32 $0xD, v15;
	v19 =	vadd.s32 v28, v16  }
0x125: {  	s18 =	simm.s32 $0x0;
	s19 =	simm.s32 $0x30;
	v21 =	vld.idx.msk [tilespmem:v31+s13+$0x0], $0xffff;
	v27 =	vadd.s32 v32, v17;
	v16 =	vor.u32 $0xE, v15;
	v15 =	vor.u32 $0xF, v15;
	[tilespmem:s17+$0xFFFFFFF0] =	vst v19  }
.LBB2_15:
0x126: {  	s20 =	sadd.s32 $0xFFFFFFF0, s19;
	v17 =	vmov s19;
	s18 =	sadd.s32 $0x2, s18;
	v19 =	vadd.s32 v25, v27;
	v25 =	vld.idx.msk [tilespmem:v18+s13+$0x0], $0xffff  }
0x127: {  	v18 =	vmov s20;
	v17 =	vshll.u32 v17, $0x4;
	p0 =	slt.u32 s18, $0xE;
	v19 =	vadd.s32 v23, v19;
	v23 =	vld.idx.msk [tilespmem:v12+s13+$0x0], $0xffff  }
0x128: {  	v12 =	vshll.u32 v18, $0x4;
	v17 =	vor.u32 v5, v17;
	v19 =	vadd.s32 v24, v19;
	v24 =	vld.idx.msk [tilespmem:v13+s13+$0x0], $0xffff  }
0x129: {  	v26 =	vor.u32 v5, v12;
	v27 =	vor.u32 $0x1, v17;
	v28 =	vor.u32 $0x2, v17;
	v29 =	vld.idx.msk [tilespmem:v11+s13+$0x0], $0xffff  }
0x12a: {  	v30 =	vor.u32 $0x3, v17;
	v31 =	vor.u32 $0x4, v17;
	v11 =	vor.u32 $0x1, v26;
	v32 =	vld.idx.msk [tilespmem:v14+s13+$0x0], $0xffff  }
0x12b: {  	v33 =	vor.u32 $0x5, v17;
	v34 =	vor.u32 $0x6, v17;
	v14 =	vor.u32 $0x2, v26;
	v35 =	vld.idx.msk [tilespmem:v16+s13+$0x0], $0xffff  }
0x12c: {  	v36 =	vor.u32 $0x7, v17;
	v37 =	vor.u32 $0x8, v17;
	v16 =	vor.u32 $0x3, v26;
	v38 =	vld.idx.msk [tilespmem:v15+s13+$0x0], $0xffff  }
0x12d: {  	v18 =	vor.u32 $0x9, v17;
	v12 =	vor.u32 $0xA, v17;
	v15 =	vor.u32 $0x4, v26;
	v39 =	vld.idx.msk [tilespmem:v17+s13+$0x0], $0xffff  }
0x12e: {  	v13 =	vor.u32 $0xB, v17;
	v19 =	vadd.s32 v20, v19;
	v41 =	vor.u32 $0x5, v26;
	v40 =	vld.idx.msk [tilespmem:v26+s13+$0x0], $0xffff  }
0x12f: {  	v42 =	vor.u32 $0x6, v26;
	v19 =	vadd.s32 v21, v19;
	v20 =	vld.idx.msk [tilespmem:v11+s13+$0x0], $0xffff;
	v11 =	vor.u32 $0xC, v17  }
0x130: {  	v43 =	vor.u32 $0x7, v26;
	v19 =	vadd.s32 v22, v19;
	v21 =	vld.idx.msk [tilespmem:v14+s13+$0x0], $0xffff;
	v14 =	vor.u32 $0xD, v17  }
0x131: {  	v44 =	vor.u32 $0x8, v26;
	v19 =	vadd.s32 v25, v19;
	v22 =	vld.idx.msk [tilespmem:v16+s13+$0x0], $0xffff;
	v16 =	vor.u32 $0xE, v17  }
0x132: {  	v45 =	vor.u32 $0x9, v26;
	v25 =	vld.idx.msk [tilespmem:v15+s13+$0x0], $0xffff;
	v15 =	vor.u32 $0xF, v17;
	v17 =	vadd.s32 v23, v19  }
0x133: {  	v23 =	vor.u32 $0xA, v26;
	v19 =	vld.idx.msk [tilespmem:v41+s13+$0x0], $0xffff;
	v17 =	vadd.s32 v24, v17  }
0x134: {  	v41 =	vor.u32 $0xB, v26;
	v24 =	vld.idx.msk [tilespmem:v42+s13+$0x0], $0xffff;
	v17 =	vadd.s32 v29, v17  }
0x135: {  	v20 =	vadd.s32 v40, v20;
	v40 =	vor.u32 $0xC, v26;
	v29 =	vld.idx.msk [tilespmem:v43+s13+$0x0], $0xffff;
	v17 =	vadd.s32 v32, v17  }
0x136: {  	v20 =	vadd.s32 v21, v20;
	v32 =	vor.u32 $0xD, v26;
	v21 =	vld.idx.msk [tilespmem:v44+s13+$0x0], $0xffff;
	v17 =	vadd.s32 v35, v17  }
0x137: {  	v20 =	vadd.s32 v22, v20;
	v35 =	vor.u32 $0xE, v26;
	v22 =	vld.idx.msk [tilespmem:v45+s13+$0x0], $0xffff;
	v17 =	vadd.s32 v38, v17  }
0x138: {  	v20 =	vadd.s32 v25, v20;
	v25 =	vor.u32 $0xF, v26;
	v23 =	vld.idx.msk [tilespmem:v23+s13+$0x0], $0xffff;
	[tilespmem:s17+$0x0] =	vst v17  }
0x139: {  	v17 =	vadd.s32 v19, v20;
	v19 =	vld.idx.msk [tilespmem:v41+s13+$0x0], $0xffff  }
0x13a: {  	v17 =	vadd.s32 v24, v17;
	v20 =	vld.idx.msk [tilespmem:v40+s13+$0x0], $0xffff  }
0x13b: {  	v17 =	vadd.s32 v29, v17;
	v24 =	vld.idx.msk [tilespmem:v32+s13+$0x0], $0xffff  }
0x13c: {  	v17 =	vadd.s32 v21, v17;
	v21 =	vld.idx.msk [tilespmem:v35+s13+$0x0], $0xffff  }
0x13d: {  	v17 =	vadd.s32 v22, v17;
	v22 =	vld.idx.msk [tilespmem:v25+s13+$0x0], $0xffff  }
0x13e: {  	v17 =	vadd.s32 v23, v17;
	v26 =	vld.idx.msk [tilespmem:v27+s13+$0x0], $0xffff  }
0x13f: {  	v17 =	vadd.s32 v19, v17;
	v27 =	vld.idx.msk [tilespmem:v28+s13+$0x0], $0xffff  }
0x140: {  	v17 =	vadd.s32 v20, v17;
	v25 =	vld.idx.msk [tilespmem:v30+s13+$0x0], $0xffff  }
.Ltmp6:
0x141: {  	v17 =	vadd.s32 v24, v17;
	v23 =	vld.idx.msk [tilespmem:v31+s13+$0x0], $0xffff;
	(pc) =	sbr.rel @p0 .LBB2_15-.Ltmp6, $4  }
0x142: {  	v17 =	vadd.s32 v21, v17;
	v24 =	vld.idx.msk [tilespmem:v33+s13+$0x0], $0xffff  }
0x143: {  	s17 =	sadd.s32 $0x20, s17;
	v19 =	vimm.s32 $0xFFFFFFFF;
	v21 =	vadd.s32 v22, v17;
	v20 =	vld.idx.msk [tilespmem:v34+s13+$0x0], $0xffff  }
0x144: {  	s21 =	simm.s32 $0xF0;
	s20 =	simm.s32 $0x110F0;
	v17 =	vimm.s32 $0x1;
	v22 =	vadd.s32 v39, v26;
	v26 =	vimm.s32 $0x0;
	[tilespmem:s17+$0xFFFFFFF0] =	vst v21;
	v21 =	vld.idx.msk [tilespmem:v36+s13+$0x0], $0xffff  }
0x145: {  	s19 =	sadd.s32 $0x20, s19;
	v27 =	vadd.s32 v27, v22;
	v22 =	vld.idx.msk [tilespmem:v37+s13+$0x0], $0xffff  }
0x146: {  	_ =	sdelay $0x2  }
0x147: {  	v25 =	vadd.s32 v25, v27  }
0x148: {  	v18 =	vld.idx.msk [tilespmem:v18+s13+$0x0], $0xffff;
	v23 =	vadd.s32 v23, v25  }
0x149: {  	v12 =	vld.idx.msk [tilespmem:v12+s13+$0x0], $0xffff;
	v23 =	vadd.s32 v24, v23  }
0x14a: {  	v13 =	vld.idx.msk [tilespmem:v13+s13+$0x0], $0xffff;
	v20 =	vadd.s32 v20, v23  }
0x14b: {  	v11 =	vld.idx.msk [tilespmem:v11+s13+$0x0], $0xffff;
	v20 =	vadd.s32 v21, v20  }
0x14c: {  	v14 =	vld.idx.msk [tilespmem:v14+s13+$0x0], $0xffff;
	v20 =	vadd.s32 v22, v20  }
0x14d: {  	v16 =	vld.idx.msk [tilespmem:v16+s13+$0x0], $0xffff;
	v18 =	vadd.s32 v18, v20  }
0x14e: {  	v15 =	vld.idx.msk [tilespmem:v15+s13+$0x0], $0xffff;
	v12 =	vadd.s32 v12, v18  }
0x14f: {  	v12 =	vadd.s32 v13, v12  }
0x150: {  	v11 =	vadd.s32 v11, v12  }
0x151: {  	v11 =	vadd.s32 v14, v11  }
0x152: {  	v11 =	vadd.s32 v16, v11  }
0x153: {  	v11 =	vadd.s32 v15, v11  }
0x154: {  	[tilespmem:s17+$0x0] =	vst v11  }
0x155: {  	v11 =	vld [tilespmem:s20+$0x0];
	_ =	sdelay $0x3  }
0x156: {  	s28 =	simm.s32 $0x110E0  }
0x157: {  	v13 =	vld [tilespmem:s28+$0x0];
	(xrf0) =	vadd.scan.msk.s32 $0xffff, v11;
	_ =	sdelay $0x4  }
0x158: {  	(xrf0) =	vadd.scan.msk.s32 $0xffff, v13  }
0x159: {  	s29 =	simm.s32 $0x110D0;
	v14, _, _ =	vpop (xrf0)  }
0x15a: {  	s30 =	simm.s32 $0x110C0;
	v15 =	vld [tilespmem:s29+$0x0];
	v16 =	vperm.xlane v14, v6  }
0x15b: {  	v12 =	vld [tilespmem:s30+$0x0]  }
0x15c: {  	v11 =	vsub.s32 v11, v14;
	v20 =	vadd.s32 v26, v16  }
0x15d: {  	v11 =	vadd.s32 v20, v11  }
0x15e: {  	vm0 =	vge.s32 v11, v10;
	v16, _, _ =	vpop (xrf0)  }
0x15f: {  	(xrf0) =	vadd.scan.msk.s32 $0xffff, v15;
	v21 =	vmpcnt.ones.xlane vm0;
	v18 =	vperm.xlane v16, v6  }
0x160: {  	s31 =	simm.s32 $0x110B0;
	(xrf0) =	vadd.scan.msk.s32 $0xffff, v12  }
0x161: {  	v11 =	vld [tilespmem:s31+$0x0];
	v13 =	vsub.s32 v13, v16;
	v22 =	vadd.s32 $0xFFFFFFFF, v21;
	v18 =	vadd.s32 v20, v18  }
0x162: {  	vm0 =	vgt.s32 v22, $0x0;
	v13 =	vadd.s32 v18, v13  }
0x163: {  	vm1 =	vlt.s32 v19, $0x0;
	v24 =	vsub.s32 v10, v20;
	v23 =	vnsel vm0, $0x0, v22  }
0x164: {  	vm0 =	vge.s32 v13, v10;
	v22 =	vadd.s32 s21, v22;
	v25 =	vperm.xlane v14, v23  }
0x165: {  	s19 =	simm.s32 $0xD0;
	s18 =	simm.s32 $0xB0;
	s22 =	simm.s32 $0x110A0;
	v20 =	vmpcnt.ones.xlane vm0;
	vm0 =	vgt.s32 v21, $0x0;
	v21 =	vmov v18;
	v13, _, _ =	vpop (xrf0)  }
0x166: {  	s17 =	simm.s32 $0xC0;
	s20 =	simm.s32 $0xE0;
	s21 =	simm.s32 $0xA0;
	(xrf0) =	vadd.scan.msk.s32 $0xffff, v11;
	vm0 =	vmand vm1, vm0;
	v14, _, _ =	vpop (xrf0);
	v23 =	vperm.xlane v13, v6;
	v24 =	vadd.s32 v25, v24  }
.LBB2_17:
0x167: {  	p0 =	sne.s32 s21, $0x0;
	v25 =	vadd.s32 $0xFFFFFFFF, v20;
	v19 =	vsel vm0, v22, v19;
	v17 =	vsel vm0, v24, v17;
	v22 =	vmovc v11;
	v11 =	vld [tilespmem:s22+$0x0];
	s23 =	smov.u32 s21;
	s21 =	sadd.s32 $0xFFFFFFF0, s21  }
.Ltmp7:
0x168: {  	v18 =	vadd.s32 v18, v23;
	v23 =	vsub.s32 v15, v13;
	vm0 =	vgt.s32 v25, $0x0;
	v15 =	vmovc v12;
	v12 =	vmovc v22;
	(pc) =	sbr.rel @p0 .LBB2_17-.Ltmp7, $4  }
0x169: {  	v24 =	vsub.s32 v10, v21;
	v22 =	vadd.s32 v18, v23;
	v23 =	vnsel vm0, $0x0, v25;
	v21 =	vmovc v18  }
0x16a: {  	vm1 =	vlt.s32 v19, $0x0;
	vm0 =	vge.s32 v22, v10;
	v26 =	vperm.xlane v16, v23;
	v16 =	vmovc v13;
	v13 =	vmovc v14  }
0x16b: {  	vm2 =	vgt.s32 v20, $0x0;
	v22 =	vadd.s32 s20, v25;
	s20 =	smov.u32 s19;
	s19 =	smov.u32 s17;
	s17 =	smov.u32 s18;
	v20 =	vmpcnt.ones.xlane vm0  }
0x16c: {  	s22 =	sadd.s32 $0xFFFFFFF0, s22;
	s18 =	smov.u32 s23;
	v23 =	vperm.xlane v13, v6;
	vm0 =	vmand vm1, vm2;
	(xrf0) =	vadd.scan.msk.s32 $0xffff, v11;
	v14, _, _ =	vpop (xrf0);
	v24 =	vadd.s32 v26, v24  }
0x16d: {  	v25 =	vadd.s32 $0xFFFFFFFF, v20;
	v19 =	vsel vm0, v22, v19  }
0x16e: {  	v15 =	vsub.s32 v15, v13;
	v17 =	vsel vm0, v24, v17;
	v21 =	vsub.s32 v10, v21  }
0x16f: {  	vm4 =	vgt.s32 v20, $0x0;
	v46 =	vperm.xlane v14, v6;
	v12 =	vsub.s32 v12, v14  }
0x170: {  	v18 =	vadd.s32 v18, v23;
	vm1 =	vgt.s32 v25, $0x0;
	vm15 =	vlt.s32 v19, $0x0  }
0x171: {  	v45 =	vadd.s32 s20, v25;
	v15 =	vadd.s32 v18, v15;
	v42 =	vnsel vm1, $0x0, v25  }
0x172: {  	vm0 =	vmand vm15, vm4;
	v48 =	vadd.s32 v18, v46;
	v18 =	vsub.s32 v10, v18  }
0x173: {  	vm14 =	vge.s32 v15, v10;
	v43 =	vperm.xlane v16, v42;
	v19 =	vsel vm0, v45, v19  }
0x174: {  	v12 =	vadd.s32 v48, v12;
	v60 =	vsub.s32 v10, v48;
	v44 =	vmpcnt.ones.xlane vm14  }
0x175: {  	vm6 =	vge.s32 v12, v10;
	vm7 =	vlt.s32 v19, $0x0;
	v15 =	vadd.s32 v43, v21;
	v49, _, _ =	vpop (xrf0)  }
0x176: {  	v53 =	vmpcnt.ones.xlane vm6;
	v47 =	vadd.s32 $0xFFFFFFFF, v44;
	v51 =	vperm.xlane v49, v6  }
0x177: {  	v15 =	vsel vm0, v15, v17;
	vm8 =	vgt.s32 v44, $0x0;
	v11 =	vsub.s32 v11, v49  }
0x178: {  	vm5 =	vgt.s32 v47, $0x0;
	v54 =	vadd.s32 s19, v47;
	v12 =	vadd.s32 v48, v51  }
0x179: {  	vm0 =	vmand vm7, vm8;
	v55 =	vadd.s32 $0xFFFFFFFF, v53;
	v11 =	vadd.s32 v12, v11  }
0x17a: {  	v50 =	vnsel vm5, $0x0, v47;
	vm10 =	vgt.s32 v55, $0x0;
	vm9 =	vge.s32 v11, v10  }
0x17b: {  	v52 =	vperm.xlane v13, v50;
	v57 =	vnsel vm10, $0x0, v55;
	v56 =	vmpcnt.ones.xlane vm9  }
0x17c: {  	s19 =	simm.s32 $0x10040;
	vm12 =	vgt.s32 v53, $0x0;
	v11 =	vsel vm0, v54, v19;
	v58 =	vperm.xlane v14, v57  }
0x17d: {  	[tilespmem:s19+$0xFFFFFFC0] =	vst v1;
	v10 =	vsub.s32 v10, v12;
	v13 =	vadd.s32 v52, v18;
	v59 =	vadd.s32 $0xFFFFFFFF, v56  }
0x17e: {  	[tilespmem:s19+$0x30] =	vst v1;
	vm11 =	vlt.s32 v11, $0x0;
	v18 =	vadd.s32 s17, v55;
	vm13 =	vgt.s32 v59, $0x0  }
0x17f: {  	[tilespmem:s19+$0x20] =	vst v1;
	v13 =	vsel vm0, v13, v15;
	vm0 =	vmand vm11, vm12;
	v61 =	vnsel vm13, $0x0, v59  }
0x180: {  	[tilespmem:s19+$0x10] =	vst v1;
	v14 =	vadd.s32 v58, v60;
	v11 =	vsel vm0, v18, v11;
	v62 =	vperm.xlane v49, v61  }
0x181: {  	[tilespmem:s19+$0x0] =	vst v1;
	v13 =	vsel vm0, v14, v13;
	vm15 =	vgt.s32 v56, $0x0;
	vm14 =	vlt.s32 v11, $0x0  }
0x182: {  	[tilespmem:s19+$0xFFFFFFF0] =	vst v1;
	v63 =	vadd.s32 s18, v59;
	vm0 =	vmand vm14, vm15;
	v10 =	vadd.s32 v62, v10  }
0x183: {  	[tilespmem:s19+$0xFFFFFFE0] =	vst v1;
	s17 =	simm.s32 $0x0;
	v11 =	vsel vm0, v63, v11;
	v10 =	vsel vm0, v10, v13  }
.LBB2_19:
0x184: {  	s17 =	sadd.s32 $0x8, s17;
	[tilespmem:s19+$0xFFFFFFD0] =	vst v1;
	s19 =	sadd.s32 $0x80, s19  }
0x185: {  	[tilespmem:s19+$0xFFFFFFC0] =	vst v1;
	p0 =	slt.u32 s17, $0xF8  }
0x186: {  	[tilespmem:s19+$0x30] =	vst v1  }
.Ltmp8:
0x187: {  	[tilespmem:s19+$0x20] =	vst v1;
	(pc) =	sbr.rel @p0 .LBB2_19-.Ltmp8, $4  }
0x188: {  	[tilespmem:s19+$0x10] =	vst v1  }
0x189: {  	[tilespmem:s19+$0x0] =	vst v1  }
0x18a: {  	[tilespmem:s19+$0xFFFFFFF0] =	vst v1  }
0x18b: {  	[tilespmem:s19+$0xFFFFFFE0] =	vst v1  }
0x18c: {  	[tilespmem:s19+$0xFFFFFFD0] =	vst v1;
	s17 =	simm.s32 $0x8040  }
0x18d: {  	v12 =	vld [tilespmem:s17+$0x20]  }
0x18e: {  	v13 =	vld [tilespmem:s17+$0xFFFFFFD0]  }
0x18f: {  	v14 =	vld [tilespmem:s17+$0xFFFFFFE0]  }
0x190: {  	v15 =	vld [tilespmem:s17+$0xFFFFFFF0]  }
0x191: {  	v16 =	vld [tilespmem:s17+$0x0]  }
0x192: {  	v9 =	vshll.u32 v9, $0x18;
	v11 =	vshll.u32 v11, $0x10;
	v17 =	vld [tilespmem:s17+$0x10]  }
0x193: {  	v9 =	vor.u32 v9, v11;
	v18 =	vld [tilespmem:s17+$0xFFFFFFC0];
	v11 =	vand.u32 $0xFFFF0000, v12  }
0x194: {  	v19 =	vand.u32 $0xFFFF0000, v13;
	v12 =	vshrl.u32 v12, $0x4;
	v20 =	vand.u32 $0xFFFF0000, v14  }
0x195: {  	v21 =	vshrl.u32 v13, $0x4;
	v22 =	vand.u32 $0xFFFF0000, v15;
	v25 =	vshrl.u32 v14, $0x4  }
0x196: {  	v26 =	vshrl.u32 v15, $0x4;
	v15 =	vand.u32 $0xFFFF0000, v16;
	v11 =	vxor.u32 v9, v11  }
0x197: {  	v27 =	vshrl.u32 v16, $0x4;
	v12 =	vand.u32 $0xFF0, v12;
	vm0 =	veq.s32 v11, $0x80000000  }
0x198: {  	v28 =	vand.u32 $0xFFFF0000, v17;
	v13 =	vand.u32 $0xFFFF0000, v18;
	v11 =	vld [tilespmem:s17+$0x30];
	v24 =	vor.u32 v0, v12  }
0x199: {  	v29 =	vshrl.u32 v17, $0x4;
	v16 =	vshrl.u32 v18, $0x4;
	v23 =	vxor.u32 v9, v13  }
0x19a: {  	v14 =	vxor.u32 v9, v20;
	v16 =	vand.u32 $0xFF0, v16;
	v17 =	vxor.u32 v9, v22  }
0x19b: {  	v15 =	vxor.u32 v9, v15;
	v22 =	vand.u32 $0xFF0, v21;
	v18 =	vand.u32 $0xFF0, v25  }
0x19c: {  	v21 =	vxor.u32 v9, v28;
	v20 =	vand.u32 $0xFF0, v29;
	v12 =	vxor.u32 v9, v19  }
0x19d: {  	s18 =	simm.s32 $0x0;
	s19 =	simm.s32 $0x80C0;
	v19 =	vand.u32 $0xFF0, v27;
	v13 =	vshrl.u32 v11, $0x4;
	[tilespmem:v24+s13+$0x0] =	vst.idx.add.s32.msk vm0, v4;
	v24 =	vand.u32 $0xFF0, v26  }
.LBB2_21:
0x19e: {  	v25 =	vld [tilespmem:s19+$0x20];
	s18 =	sadd.s32 $0x8, s18;
	vm5 =	veq.s32 v23, $0x80000000;
	v11 =	vxor.u32 v9, v11;
	v13 =	vand.u32 $0xFF0, v13  }
0x19f: {  	vm6 =	veq.s32 v12, $0x80000000;
	vm4 =	veq.s32 v14, $0x80000000;
	vm3 =	veq.s32 v17, $0x80000000;
	v23 =	vld [tilespmem:s19+$0xFFFFFFD0];
	p0 =	slt.u32 s18, $0x7F8  }
0x1a0: {  	v14 =	vor.u32 v0, v16;
	vm2 =	veq.s32 v15, $0x80000000;
	vm0 =	veq.s32 v21, $0x80000000;
	v12 =	vld [tilespmem:s19+$0xFFFFFFE0]  }
0x1a1: {  	v16 =	vor.u32 v0, v22;
	v17 =	vor.u32 v0, v18;
	v18 =	vor.u32 v0, v24;
	v15 =	vld [tilespmem:s19+$0xFFFFFFF0]  }
0x1a2: {  	v19 =	vor.u32 v0, v19;
	v20 =	vor.u32 v0, v20;
	vm1 =	vlt.s32 v11, $0x80010000;
	v21 =	vld [tilespmem:s19+$0x0]  }
0x1a3: {  	v26 =	vor.u32 v0, v13;
	v22 =	vld [tilespmem:s19+$0x10];
	v11 =	vand.u32 $0xFFFF0000, v25  }
0x1a4: {  	v25 =	vshrl.u32 v25, $0x4;
	v13 =	vld [tilespmem:s19+$0xFFFFFFC0];
	v24 =	vand.u32 $0xFFFF0000, v23;
	v11 =	vxor.u32 v9, v11  }
0x1a5: {  	v25 =	vand.u32 $0xFF0, v25;
	v27 =	vand.u32 $0xFFFF0000, v12;
	vm7 =	veq.s32 v11, $0x80000000;
	v11 =	vld [tilespmem:s19+$0x30]  }
0x1a6: {  	v28 =	vshrl.u32 v23, $0x4;
	v25 =	vor.u32 v0, v25;
	v29 =	vand.u32 $0xFFFF0000, v15;
	[tilespmem:v14+s13+$0x0] =	vst.idx.add.s32.msk vm5, v4  }
0x1a7: {  	v30 =	vshrl.u32 v12, $0x4;
	v31 =	vshrl.u32 v15, $0x4;
	v15 =	vand.u32 $0xFFFF0000, v21;
	[tilespmem:v16+s13+$0x0] =	vst.idx.add.s32.msk vm6, v4  }
0x1a8: {  	v32 =	vshrl.u32 v21, $0x4;
	v21 =	vand.u32 $0xFFFF0000, v22;
	v33 =	vshrl.u32 v22, $0x4;
	[tilespmem:v17+s13+$0x0] =	vst.idx.add.s32.msk vm4, v4  }
.Ltmp9:
0x1a9: {  	v12 =	vxor.u32 v9, v24;
	v14 =	vand.u32 $0xFFFF0000, v13;
	v16 =	vshrl.u32 v13, $0x4;
	[tilespmem:v18+s13+$0x0] =	vst.idx.add.s32.msk vm3, v4;
	(pc) =	sbr.rel @p0 .LBB2_21-.Ltmp9, $4  }
0x1aa: {  	v23 =	vxor.u32 v9, v14;
	v14 =	vxor.u32 v9, v27;
	v13 =	vshrl.u32 v11, $0x4;
	[tilespmem:v19+s13+$0x0] =	vst.idx.add.s32.msk vm2, v4  }
0x1ab: {  	s17 =	simm.s32 $0x11010;
	s20 =	simm.s32 $0x10;
	v17 =	vxor.u32 v9, v29;
	v15 =	vxor.u32 v9, v15;
	v16 =	vand.u32 $0xFF0, v16;
	[tilespmem:v25+s13+$0x0] =	vst.idx.add.s32.msk vm7, v4  }
0x1ac: {  	v22 =	vand.u32 $0xFF0, v28;
	v18 =	vand.u32 $0xFF0, v30;
	v21 =	vxor.u32 v9, v21;
	[tilespmem:v20+s13+$0x0] =	vst.idx.add.s32.msk vm0, v4  }
0x1ad: {  	s19 =	sadd.s32 $0x80, s19;
	v24 =	vand.u32 $0xFF0, v31;
	v19 =	vand.u32 $0xFF0, v32;
	v20 =	vand.u32 $0xFF0, v33;
	[tilespmem:v26+s13+$0x0] =	vst.idx.add.s32.msk vm1, v4  }
0x1ae: {  	vm0 =	veq.s32 v23, $0x80000000  }
0x1af: {  	vm1 =	veq.s32 v12, $0x80000000;
	v12 =	vor.u32 v0, v16  }
0x1b0: {  	vm2 =	veq.s32 v14, $0x80000000;
	v14 =	vor.u32 v0, v22  }
0x1b1: {  	vm3 =	veq.s32 v17, $0x80000000;
	v16 =	vor.u32 v0, v18  }
0x1b2: {  	v11 =	vxor.u32 v9, v11;
	vm4 =	veq.s32 v15, $0x80000000;
	v15 =	vor.u32 v0, v24  }
0x1b3: {  	v13 =	vand.u32 $0xFF0, v13;
	vm5 =	veq.s32 v21, $0x80000000;
	v17 =	vor.u32 v0, v19  }
0x1b4: {  	v18 =	vor.u32 v0, v20;
	s18 =	simm.s32 $0x0;
	vm6 =	vlt.s32 v11, $0x80010000;
	v11 =	vmov s20;
	[tilespmem:v12+s13+$0x0] =	vst.idx.add.s32.msk vm0, v4  }
0x1b5: {  	v11 =	vshll.u32 v11, $0x4;
	v12 =	vor.u32 v0, v13;
	[tilespmem:v14+s13+$0x0] =	vst.idx.add.s32.msk vm1, v4;
	v13 =	vmov s18  }
0x1b6: {  	v22 =	vor.u32 v5, v11;
	[tilespmem:v16+s13+$0x0] =	vst.idx.add.s32.msk vm2, v4;
	v13 =	vshll.u32 v13, $0x4  }
0x1b7: {  	[tilespmem:v15+s13+$0x0] =	vst.idx.add.s32.msk vm3, v4;
	v11 =	vor.u32 v5, v13  }
0x1b8: {  	[tilespmem:v17+s13+$0x0] =	vst.idx.add.s32.msk vm4, v4;
	v13 =	vor.u32 $0x1, v11  }
0x1b9: {  	[tilespmem:v18+s13+$0x0] =	vst.idx.add.s32.msk vm5, v4;
	v14 =	vor.u32 $0x2, v11  }
0x1ba: {  	v15 =	vor.u32 $0x4, v11;
	[tilespmem:v12+s13+$0x0] =	vst.idx.add.s32.msk vm6, v4  }
0x1bb: {  	v18 =	vor.u32 $0x5, v11;
	v16 =	vld.idx.msk [tilespmem:v22+s13+$0x0], $0xffff  }
0x1bc: {  	v12 =	vor.u32 $0x3, v11;
	v17 =	vld.idx.msk [tilespmem:v11+s13+$0x0], $0xffff  }
0x1bd: {  	v19 =	vor.u32 $0x6, v11;
	v13 =	vld.idx.msk [tilespmem:v13+s13+$0x0], $0xffff  }
0x1be: {  	v20 =	vor.u32 $0x7, v11;
	v14 =	vld.idx.msk [tilespmem:v14+s13+$0x0], $0xffff  }
0x1bf: {  	v21 =	vor.u32 $0x8, v11;
	v15 =	vld.idx.msk [tilespmem:v15+s13+$0x0], $0xffff  }
0x1c0: {  	v23 =	vor.u32 $0x9, v11;
	v18 =	vld.idx.msk [tilespmem:v18+s13+$0x0], $0xffff  }
0x1c1: {  	v24 =	vor.u32 $0xA, v11;
	v12 =	vld.idx.msk [tilespmem:v12+s13+$0x0], $0xffff  }
0x1c2: {  	v25 =	vor.u32 $0xB, v11;
	v19 =	vld.idx.msk [tilespmem:v19+s13+$0x0], $0xffff  }
0x1c3: {  	v26 =	vor.u32 $0xC, v11;
	v20 =	vld.idx.msk [tilespmem:v20+s13+$0x0], $0xffff  }
0x1c4: {  	v13 =	vadd.s32 v17, v13;
	v17 =	vld.idx.msk [tilespmem:v21+s13+$0x0], $0xffff;
	v21 =	vor.u32 $0xD, v11  }
0x1c5: {  	v13 =	vadd.s32 v14, v13;
	v14 =	vld.idx.msk [tilespmem:v23+s13+$0x0], $0xffff;
	v23 =	vor.u32 $0xE, v11  }
0x1c6: {  	v11 =	vor.u32 $0xF, v11;
	v12 =	vadd.s32 v12, v13;
	v13 =	vld.idx.msk [tilespmem:v24+s13+$0x0], $0xffff  }
0x1c7: {  	v24 =	vor.u32 $0x1, v22;
	v12 =	vadd.s32 v15, v12;
	v15 =	vld.idx.msk [tilespmem:v25+s13+$0x0], $0xffff  }
0x1c8: {  	v25 =	vor.u32 $0x2, v22;
	v12 =	vadd.s32 v18, v12;
	v18 =	vld.idx.msk [tilespmem:v26+s13+$0x0], $0xffff  }
0x1c9: {  	v26 =	vor.u32 $0x3, v22;
	v12 =	vadd.s32 v19, v12;
	v21 =	vld.idx.msk [tilespmem:v21+s13+$0x0], $0xffff  }
0x1ca: {  	v19 =	vor.u32 $0x4, v22;
	v12 =	vadd.s32 v20, v12;
	v20 =	vld.idx.msk [tilespmem:v23+s13+$0x0], $0xffff  }
0x1cb: {  	v27 =	vor.u32 $0x5, v22;
	v12 =	vadd.s32 v17, v12;
	v17 =	vld.idx.msk [tilespmem:v11+s13+$0x0], $0xffff  }
0x1cc: {  	v30 =	vor.u32 $0x7, v22;
	v29 =	vld.idx.msk [tilespmem:v24+s13+$0x0], $0xffff;
	v11 =	vadd.s32 v14, v12  }
0x1cd: {  	v28 =	vor.u32 $0x6, v22;
	v31 =	vld.idx.msk [tilespmem:v25+s13+$0x0], $0xffff;
	v11 =	vadd.s32 v13, v11  }
0x1ce: {  	v32 =	vor.u32 $0x8, v22;
	v25 =	vld.idx.msk [tilespmem:v26+s13+$0x0], $0xffff;
	v11 =	vadd.s32 v15, v11  }
0x1cf: {  	v23 =	vld.idx.msk [tilespmem:v19+s13+$0x0], $0xffff;
	v19 =	vor.u32 $0x9, v22;
	v11 =	vadd.s32 v18, v11  }
0x1d0: {  	v24 =	vld.idx.msk [tilespmem:v27+s13+$0x0], $0xffff;
	v12 =	vor.u32 $0xA, v22;
	v14 =	vadd.s32 v21, v11  }
0x1d1: {  	v13 =	vor.u32 $0xB, v22;
	v11 =	vor.u32 $0xC, v22;
	v21 =	vld.idx.msk [tilespmem:v30+s13+$0x0], $0xffff;
	v15 =	vadd.s32 v20, v14  }
0x1d2: {  	v18 =	vadd.s32 v16, v29;
	v16 =	vor.u32 $0xE, v22;
	v20 =	vld.idx.msk [tilespmem:v28+s13+$0x0], $0xffff;
	v17 =	vadd.s32 v17, v15  }
0x1d3: {  	s19 =	simm.s32 $0x30;
	s18 =	simm.s32 $0x0;
	v14 =	vor.u32 $0xD, v22;
	v27 =	vadd.s32 v31, v18;
	v15 =	vor.u32 $0xF, v22;
	v22 =	vld.idx.msk [tilespmem:v32+s13+$0x0], $0xffff;
	[tilespmem:s17+$0xFFFFFFF0] =	vst v17  }
.LBB2_23:
0x1d4: {  	s20 =	sadd.s32 $0xFFFFFFF0, s19;
	v17 =	vmov s19;
	s18 =	sadd.s32 $0x2, s18;
	v18 =	vadd.s32 v25, v27;
	v25 =	vld.idx.msk [tilespmem:v19+s13+$0x0], $0xffff  }
0x1d5: {  	v19 =	vmov s20;
	v17 =	vshll.u32 v17, $0x4;
	p0 =	slt.u32 s18, $0xE;
	v18 =	vadd.s32 v23, v18;
	v23 =	vld.idx.msk [tilespmem:v12+s13+$0x0], $0xffff  }
0x1d6: {  	v12 =	vshll.u32 v19, $0x4;
	v17 =	vor.u32 v5, v17;
	v18 =	vadd.s32 v24, v18;
	v24 =	vld.idx.msk [tilespmem:v13+s13+$0x0], $0xffff  }
0x1d7: {  	v26 =	vor.u32 v5, v12;
	v27 =	vor.u32 $0x1, v17;
	v28 =	vor.u32 $0x2, v17;
	v29 =	vld.idx.msk [tilespmem:v11+s13+$0x0], $0xffff  }
0x1d8: {  	v30 =	vor.u32 $0x3, v17;
	v31 =	vor.u32 $0x4, v17;
	v11 =	vor.u32 $0x1, v26;
	v32 =	vld.idx.msk [tilespmem:v14+s13+$0x0], $0xffff  }
0x1d9: {  	v33 =	vor.u32 $0x5, v17;
	v34 =	vor.u32 $0x6, v17;
	v14 =	vor.u32 $0x2, v26;
	v35 =	vld.idx.msk [tilespmem:v16+s13+$0x0], $0xffff  }
0x1da: {  	v36 =	vor.u32 $0x7, v17;
	v37 =	vor.u32 $0x8, v17;
	v16 =	vor.u32 $0x3, v26;
	v38 =	vld.idx.msk [tilespmem:v15+s13+$0x0], $0xffff  }
0x1db: {  	v19 =	vor.u32 $0x9, v17;
	v12 =	vor.u32 $0xA, v17;
	v15 =	vor.u32 $0x4, v26;
	v39 =	vld.idx.msk [tilespmem:v17+s13+$0x0], $0xffff  }
0x1dc: {  	v13 =	vor.u32 $0xB, v17;
	v18 =	vadd.s32 v20, v18;
	v41 =	vor.u32 $0x5, v26;
	v40 =	vld.idx.msk [tilespmem:v26+s13+$0x0], $0xffff  }
0x1dd: {  	v42 =	vor.u32 $0x6, v26;
	v18 =	vadd.s32 v21, v18;
	v20 =	vld.idx.msk [tilespmem:v11+s13+$0x0], $0xffff;
	v11 =	vor.u32 $0xC, v17  }
0x1de: {  	v43 =	vor.u32 $0x7, v26;
	v18 =	vadd.s32 v22, v18;
	v21 =	vld.idx.msk [tilespmem:v14+s13+$0x0], $0xffff;
	v14 =	vor.u32 $0xD, v17  }
0x1df: {  	v44 =	vor.u32 $0x8, v26;
	v18 =	vadd.s32 v25, v18;
	v22 =	vld.idx.msk [tilespmem:v16+s13+$0x0], $0xffff;
	v16 =	vor.u32 $0xE, v17  }
0x1e0: {  	v45 =	vor.u32 $0x9, v26;
	v25 =	vld.idx.msk [tilespmem:v15+s13+$0x0], $0xffff;
	v15 =	vor.u32 $0xF, v17;
	v17 =	vadd.s32 v23, v18  }
0x1e1: {  	v23 =	vor.u32 $0xA, v26;
	v18 =	vld.idx.msk [tilespmem:v41+s13+$0x0], $0xffff;
	v17 =	vadd.s32 v24, v17  }
0x1e2: {  	v41 =	vor.u32 $0xB, v26;
	v24 =	vld.idx.msk [tilespmem:v42+s13+$0x0], $0xffff;
	v17 =	vadd.s32 v29, v17  }
0x1e3: {  	v20 =	vadd.s32 v40, v20;
	v40 =	vor.u32 $0xC, v26;
	v29 =	vld.idx.msk [tilespmem:v43+s13+$0x0], $0xffff;
	v17 =	vadd.s32 v32, v17  }
0x1e4: {  	v20 =	vadd.s32 v21, v20;
	v32 =	vor.u32 $0xD, v26;
	v21 =	vld.idx.msk [tilespmem:v44+s13+$0x0], $0xffff;
	v17 =	vadd.s32 v35, v17  }
0x1e5: {  	v20 =	vadd.s32 v22, v20;
	v35 =	vor.u32 $0xE, v26;
	v22 =	vld.idx.msk [tilespmem:v45+s13+$0x0], $0xffff;
	v17 =	vadd.s32 v38, v17  }
0x1e6: {  	v20 =	vadd.s32 v25, v20;
	v25 =	vor.u32 $0xF, v26;
	v23 =	vld.idx.msk [tilespmem:v23+s13+$0x0], $0xffff;
	[tilespmem:s17+$0x0] =	vst v17  }
0x1e7: {  	v17 =	vadd.s32 v18, v20;
	v18 =	vld.idx.msk [tilespmem:v41+s13+$0x0], $0xffff  }
0x1e8: {  	v17 =	vadd.s32 v24, v17;
	v20 =	vld.idx.msk [tilespmem:v40+s13+$0x0], $0xffff  }
0x1e9: {  	v17 =	vadd.s32 v29, v17;
	v24 =	vld.idx.msk [tilespmem:v32+s13+$0x0], $0xffff  }
0x1ea: {  	v17 =	vadd.s32 v21, v17;
	v21 =	vld.idx.msk [tilespmem:v35+s13+$0x0], $0xffff  }
0x1eb: {  	v17 =	vadd.s32 v22, v17;
	v22 =	vld.idx.msk [tilespmem:v25+s13+$0x0], $0xffff  }
0x1ec: {  	v17 =	vadd.s32 v23, v17;
	v26 =	vld.idx.msk [tilespmem:v27+s13+$0x0], $0xffff  }
0x1ed: {  	v17 =	vadd.s32 v18, v17;
	v27 =	vld.idx.msk [tilespmem:v28+s13+$0x0], $0xffff  }
0x1ee: {  	v17 =	vadd.s32 v20, v17;
	v25 =	vld.idx.msk [tilespmem:v30+s13+$0x0], $0xffff  }
.Ltmp10:
0x1ef: {  	v17 =	vadd.s32 v24, v17;
	v23 =	vld.idx.msk [tilespmem:v31+s13+$0x0], $0xffff;
	(pc) =	sbr.rel @p0 .LBB2_23-.Ltmp10, $4  }
0x1f0: {  	v17 =	vadd.s32 v21, v17;
	v24 =	vld.idx.msk [tilespmem:v33+s13+$0x0], $0xffff  }
0x1f1: {  	s17 =	sadd.s32 $0x20, s17;
	v18 =	vimm.s32 $0xFFFFFFFF;
	v21 =	vadd.s32 v22, v17;
	v20 =	vld.idx.msk [tilespmem:v34+s13+$0x0], $0xffff  }
0x1f2: {  	s21 =	simm.s32 $0xF0;
	s20 =	simm.s32 $0x110F0;
	v17 =	vimm.s32 $0x1;
	v22 =	vadd.s32 v39, v26;
	v26 =	vimm.s32 $0x0;
	[tilespmem:s17+$0xFFFFFFF0] =	vst v21;
	v21 =	vld.idx.msk [tilespmem:v36+s13+$0x0], $0xffff  }
0x1f3: {  	s19 =	sadd.s32 $0x20, s19;
	v27 =	vadd.s32 v27, v22;
	v22 =	vld.idx.msk [tilespmem:v37+s13+$0x0], $0xffff  }
0x1f4: {  	_ =	sdelay $0x2  }
0x1f5: {  	v25 =	vadd.s32 v25, v27  }
0x1f6: {  	v19 =	vld.idx.msk [tilespmem:v19+s13+$0x0], $0xffff;
	v23 =	vadd.s32 v23, v25  }
0x1f7: {  	v12 =	vld.idx.msk [tilespmem:v12+s13+$0x0], $0xffff;
	v23 =	vadd.s32 v24, v23  }
0x1f8: {  	v13 =	vld.idx.msk [tilespmem:v13+s13+$0x0], $0xffff;
	v20 =	vadd.s32 v20, v23  }
0x1f9: {  	v11 =	vld.idx.msk [tilespmem:v11+s13+$0x0], $0xffff;
	v20 =	vadd.s32 v21, v20  }
0x1fa: {  	v14 =	vld.idx.msk [tilespmem:v14+s13+$0x0], $0xffff;
	v20 =	vadd.s32 v22, v20  }
0x1fb: {  	v16 =	vld.idx.msk [tilespmem:v16+s13+$0x0], $0xffff;
	v19 =	vadd.s32 v19, v20  }
0x1fc: {  	v15 =	vld.idx.msk [tilespmem:v15+s13+$0x0], $0xffff;
	v12 =	vadd.s32 v12, v19  }
0x1fd: {  	v12 =	vadd.s32 v13, v12  }
0x1fe: {  	v11 =	vadd.s32 v11, v12  }
0x1ff: {  	v11 =	vadd.s32 v14, v11  }
0x200: {  	v11 =	vadd.s32 v16, v11  }
0x201: {  	v11 =	vadd.s32 v15, v11  }
0x202: {  	[tilespmem:s17+$0x0] =	vst v11  }
0x203: {  	v11 =	vld [tilespmem:s20+$0x0];
	_ =	sdelay $0x3  }
0x204: {  	s28 =	simm.s32 $0x110E0  }
0x205: {  	v13 =	vld [tilespmem:s28+$0x0];
	(xrf0) =	vadd.scan.msk.s32 $0xffff, v11;
	_ =	sdelay $0x4  }
0x206: {  	(xrf0) =	vadd.scan.msk.s32 $0xffff, v13  }
0x207: {  	s29 =	simm.s32 $0x110D0;
	v14, _, _ =	vpop (xrf0)  }
0x208: {  	s30 =	simm.s32 $0x110C0;
	v15 =	vld [tilespmem:s29+$0x0];
	v16 =	vperm.xlane v14, v6  }
0x209: {  	v12 =	vld [tilespmem:s30+$0x0]  }
0x20a: {  	v11 =	vsub.s32 v11, v14;
	v20 =	vadd.s32 v26, v16  }
0x20b: {  	v11 =	vadd.s32 v20, v11  }
0x20c: {  	vm0 =	vge.s32 v11, v10;
	v16, _, _ =	vpop (xrf0)  }
0x20d: {  	(xrf0) =	vadd.scan.msk.s32 $0xffff, v15;
	v21 =	vmpcnt.ones.xlane vm0;
	v19 =	vperm.xlane v16, v6  }
0x20e: {  	s31 =	simm.s32 $0x110B0;
	(xrf0) =	vadd.scan.msk.s32 $0xffff, v12  }
0x20f: {  	v11 =	vld [tilespmem:s31+$0x0];
	v13 =	vsub.s32 v13, v16;
	v22 =	vadd.s32 $0xFFFFFFFF, v21;
	v19 =	vadd.s32 v20, v19  }
0x210: {  	vm0 =	vgt.s32 v22, $0x0;
	v13 =	vadd.s32 v19, v13  }
0x211: {  	vm1 =	vlt.s32 v18, $0x0;
	v24 =	vsub.s32 v10, v20;
	v23 =	vnsel vm0, $0x0, v22  }
0x212: {  	vm0 =	vge.s32 v13, v10;
	v22 =	vadd.s32 s21, v22;
	v25 =	vperm.xlane v14, v23  }
0x213: {  	s19 =	simm.s32 $0xD0;
	s18 =	simm.s32 $0xB0;
	s22 =	simm.s32 $0x110A0;
	v20 =	vmpcnt.ones.xlane vm0;
	vm0 =	vgt.s32 v21, $0x0;
	v21 =	vmov v19;
	v13, _, _ =	vpop (xrf0)  }
0x214: {  	s17 =	simm.s32 $0xC0;
	s20 =	simm.s32 $0xE0;
	s21 =	simm.s32 $0xA0;
	(xrf0) =	vadd.scan.msk.s32 $0xffff, v11;
	vm0 =	vmand vm1, vm0;
	v14, _, _ =	vpop (xrf0);
	v23 =	vperm.xlane v13, v6;
	v24 =	vadd.s32 v25, v24  }
.LBB2_25:
0x215: {  	p0 =	sne.s32 s21, $0x0;
	v25 =	vadd.s32 $0xFFFFFFFF, v20;
	v18 =	vsel vm0, v22, v18;
	v17 =	vsel vm0, v24, v17;
	v22 =	vmovc v11;
	v11 =	vld [tilespmem:s22+$0x0];
	s23 =	smov.u32 s21;
	s21 =	sadd.s32 $0xFFFFFFF0, s21  }
.Ltmp11:
0x216: {  	v19 =	vadd.s32 v19, v23;
	v23 =	vsub.s32 v15, v13;
	vm0 =	vgt.s32 v25, $0x0;
	v15 =	vmovc v12;
	v12 =	vmovc v22;
	(pc) =	sbr.rel @p0 .LBB2_25-.Ltmp11, $4  }
0x217: {  	v24 =	vsub.s32 v10, v21;
	v22 =	vadd.s32 v19, v23;
	v23 =	vnsel vm0, $0x0, v25;
	v21 =	vmovc v19  }
0x218: {  	vm1 =	vlt.s32 v18, $0x0;
	vm0 =	vge.s32 v22, v10;
	v26 =	vperm.xlane v16, v23;
	v16 =	vmovc v13;
	v13 =	vmovc v14  }
0x219: {  	vm2 =	vgt.s32 v20, $0x0;
	v22 =	vadd.s32 s20, v25;
	s20 =	smov.u32 s19;
	s19 =	smov.u32 s17;
	s17 =	smov.u32 s18;
	v20 =	vmpcnt.ones.xlane vm0  }
0x21a: {  	s22 =	sadd.s32 $0xFFFFFFF0, s22;
	s18 =	smov.u32 s23;
	v23 =	vperm.xlane v13, v6;
	vm0 =	vmand vm1, vm2;
	(xrf0) =	vadd.scan.msk.s32 $0xffff, v11;
	v14, _, _ =	vpop (xrf0);
	v24 =	vadd.s32 v26, v24  }
0x21b: {  	v25 =	vadd.s32 $0xFFFFFFFF, v20;
	v18 =	vsel vm0, v22, v18  }
0x21c: {  	v15 =	vsub.s32 v15, v13;
	v17 =	vsel vm0, v24, v17;
	v21 =	vsub.s32 v10, v21  }
0x21d: {  	vm4 =	vgt.s32 v20, $0x0;
	v45 =	vperm.xlane v14, v6;
	v12 =	vsub.s32 v12, v14  }
0x21e: {  	v19 =	vadd.s32 v19, v23;
	vm1 =	vgt.s32 v25, $0x0;
	vm15 =	vlt.s32 v18, $0x0  }
0x21f: {  	v44 =	vadd.s32 s20, v25;
	v15 =	vadd.s32 v19, v15;
	v41 =	vnsel vm1, $0x0, v25  }
0x220: {  	vm0 =	vmand vm15, vm4;
	v47 =	vadd.s32 v19, v45;
	v19 =	vsub.s32 v10, v19  }
0x221: {  	vm14 =	vge.s32 v15, v10;
	v42 =	vperm.xlane v16, v41;
	v18 =	vsel vm0, v44, v18  }
0x222: {  	v12 =	vadd.s32 v47, v12;
	v59 =	vsub.s32 v10, v47;
	v43 =	vmpcnt.ones.xlane vm14  }
0x223: {  	vm6 =	vge.s32 v12, v10;
	vm7 =	vlt.s32 v18, $0x0;
	v15 =	vadd.s32 v42, v21;
	v48, _, _ =	vpop (xrf0)  }
0x224: {  	v52 =	vmpcnt.ones.xlane vm6;
	v46 =	vadd.s32 $0xFFFFFFFF, v43;
	v50 =	vperm.xlane v48, v6  }
0x225: {  	v15 =	vsel vm0, v15, v17;
	vm8 =	vgt.s32 v43, $0x0;
	v11 =	vsub.s32 v11, v48  }
0x226: {  	vm5 =	vgt.s32 v46, $0x0;
	v53 =	vadd.s32 s19, v46;
	v12 =	vadd.s32 v47, v50  }
0x227: {  	vm0 =	vmand vm7, vm8;
	v54 =	vadd.s32 $0xFFFFFFFF, v52;
	v11 =	vadd.s32 v12, v11  }
0x228: {  	vm12 =	vgt.s32 v52, $0x0;
	v49 =	vnsel vm5, $0x0, v46;
	vm9 =	vge.s32 v11, v10  }
0x229: {  	vm10 =	vgt.s32 v54, $0x0;
	v60 =	vadd.s32 s17, v54;
	v55 =	vmpcnt.ones.xlane vm9  }
0x22a: {  	s19 =	simm.s32 $0x10040;
	v51 =	vperm.xlane v13, v49;
	v56 =	vnsel vm10, $0x0, v54;
	v11 =	vsel vm0, v53, v18  }
0x22b: {  	[tilespmem:s19+$0xFFFFFFC0] =	vst v1;
	v57 =	vperm.xlane v14, v56;
	v10 =	vsub.s32 v10, v12;
	v58 =	vadd.s32 $0xFFFFFFFF, v55  }
0x22c: {  	[tilespmem:s19+$0x30] =	vst v1;
	v13 =	vadd.s32 v51, v19;
	vm11 =	vlt.s32 v11, $0x0;
	vm13 =	vgt.s32 v58, $0x0  }
0x22d: {  	[tilespmem:s19+$0x20] =	vst v1;
	v13 =	vsel vm0, v13, v15;
	vm0 =	vmand vm11, vm12;
	v61 =	vnsel vm13, $0x0, v58  }
0x22e: {  	[tilespmem:s19+$0x10] =	vst v1;
	v14 =	vadd.s32 v57, v59;
	v11 =	vsel vm0, v60, v11;
	v62 =	vperm.xlane v48, v61  }
0x22f: {  	[tilespmem:s19+$0x0] =	vst v1;
	v13 =	vsel vm0, v14, v13;
	vm15 =	vgt.s32 v55, $0x0;
	vm14 =	vlt.s32 v11, $0x0  }
0x230: {  	[tilespmem:s19+$0xFFFFFFF0] =	vst v1;
	v63 =	vadd.s32 s18, v58;
	vm0 =	vmand vm14, vm15;
	v10 =	vadd.s32 v62, v10  }
0x231: {  	s17 =	simm.s32 $0x0;
	[tilespmem:s19+$0xFFFFFFE0] =	vst v1;
	v11 =	vsel vm0, v63, v11;
	v10 =	vsel vm0, v10, v13  }
.LBB2_27:
0x232: {  	s17 =	sadd.s32 $0x8, s17;
	[tilespmem:s19+$0xFFFFFFD0] =	vst v1;
	s19 =	sadd.s32 $0x80, s19  }
0x233: {  	[tilespmem:s19+$0xFFFFFFC0] =	vst v1;
	p0 =	slt.u32 s17, $0xF8  }
0x234: {  	[tilespmem:s19+$0x30] =	vst v1  }
.Ltmp12:
0x235: {  	[tilespmem:s19+$0x20] =	vst v1;
	(pc) =	sbr.rel @p0 .LBB2_27-.Ltmp12, $4  }
0x236: {  	[tilespmem:s19+$0x10] =	vst v1  }
0x237: {  	[tilespmem:s19+$0x0] =	vst v1  }
0x238: {  	[tilespmem:s19+$0xFFFFFFF0] =	vst v1  }
0x239: {  	[tilespmem:s19+$0xFFFFFFE0] =	vst v1  }
0x23a: {  	[tilespmem:s19+$0xFFFFFFD0] =	vst v1;
	s17 =	simm.s32 $0x8040  }
0x23b: {  	v12 =	vld [tilespmem:s17+$0xFFFFFFD0]  }
0x23c: {  	v17 =	vld [tilespmem:s17+$0xFFFFFFE0]  }
0x23d: {  	v13 =	vld [tilespmem:s17+$0xFFFFFFF0]  }
0x23e: {  	v14 =	vld [tilespmem:s17+$0x30]  }
0x23f: {  	v20 =	vld [tilespmem:s17+$0xFFFFFFC0]  }
0x240: {  	v23 =	vld [tilespmem:s17+$0x10]  }
0x241: {  	v15 =	vshll.u32 v11, $0x8  }
0x242: {  	v9 =	vor.u32 v9, v15  }
0x243: {  	v16 =	vshll.u32 v13, $0x4;
	v21 =	vxor.u32 v9, v14;
	v14 =	vshll.u32 v14, $0x4  }
0x244: {  	v11 =	vld [tilespmem:s17+$0x20];
	v15 =	vand.u32 $0xFFFFFF00, v20;
	v18 =	vand.u32 $0xFFFFFF00, v12;
	v12 =	vshll.u32 v12, $0x4  }
0x245: {  	v19 =	vld [tilespmem:s17+$0x0];
	v22 =	vand.u32 $0xFFFFFF00, v23;
	v24 =	vand.u32 $0xFFFFFF00, v17;
	v25 =	vshll.u32 v17, $0x4  }
0x246: {  	v20 =	vshll.u32 v20, $0x4;
	v23 =	vshll.u32 v23, $0x4;
	v18 =	vxor.u32 v9, v18  }
0x247: {  	v14 =	vor.u32 v0, v14;
	v12 =	vor.u32 v0, v12;
	vm1 =	vlt.s32 v21, $0x80000100  }
0x248: {  	v20 =	vor.u32 v0, v20;
	v21 =	vxor.u32 v9, v24;
	vm2 =	veq.s32 v18, $0x80000000  }
0x249: {  	v18 =	vand.u32 $0xFFFFFF00, v11;
	v17 =	vand.u32 $0xFFF, v12;
	v12 =	vor.u32 v0, v25  }
0x24a: {  	s18 =	simm.s32 $0x80C0;
	s17 =	simm.s32 $0x0;
	vm0 =	veq.s32 v21, $0x80000000;
	v21 =	vshll.u32 v19, $0x4;
	v12 =	vand.u32 $0xFFF, v12  }
.LBB2_29:
0x24b: {  	v24 =	vld [tilespmem:s18+$0xFFFFFFD0];
	s17 =	sadd.s32 $0x8, s17;
	v25 =	vand.u32 $0xFFFFFF00, v13;
	v13 =	vxor.u32 v9, v22;
	v22 =	vor.u32 v0, v23  }
0x24c: {  	v16 =	vor.u32 v0, v16;
	v19 =	vand.u32 $0xFFFFFF00, v19;
	v23 =	vld [tilespmem:s18+$0xFFFFFFE0];
	p0 =	slt.u32 s17, $0x7F8;
	vm7 =	veq.s32 v13, $0x80000000  }
0x24d: {  	v26 =	vand.u32 $0xFFF, v16;
	v16 =	vxor.u32 v9, v19;
	v19 =	vand.u32 $0xFFF, v22;
	v13 =	vld [tilespmem:s18+$0xFFFFFFF0]  }
0x24e: {  	v15 =	vxor.u32 v9, v15;
	v25 =	vxor.u32 v9, v25;
	vm3 =	veq.s32 v16, $0x80000000;
	v22 =	vld [tilespmem:s18+$0x30]  }
0x24f: {  	vm5 =	veq.s32 v15, $0x80000000;
	v15 =	vor.u32 v0, v21;
	vm4 =	veq.s32 v25, $0x80000000;
	v27 =	vld [tilespmem:s18+$0xFFFFFFC0]  }
0x250: {  	v28 =	vand.u32 $0xFFF, v15;
	v15 =	vxor.u32 v9, v18;
	v18 =	vand.u32 $0xFFF, v14;
	v25 =	vld [tilespmem:s18+$0x10]  }
0x251: {  	v20 =	vand.u32 $0xFFF, v20;
	v14 =	vshll.u32 v11, $0x4;
	vm6 =	veq.s32 v15, $0x80000000;
	v11 =	vld [tilespmem:s18+$0x20]  }
0x252: {  	v14 =	vor.u32 v0, v14;
	v16 =	vshll.u32 v13, $0x4;
	[tilespmem:v17+s13+$0x0] =	vst.idx.add.s32.msk vm2, v4  }
0x253: {  	v29 =	vand.u32 $0xFFF, v14;
	v17 =	vxor.u32 v9, v22;
	v21 =	vshll.u32 v22, $0x4;
	[tilespmem:v19+s13+$0x0] =	vst.idx.add.s32.msk vm7, v4  }
0x254: {  	v14 =	vand.u32 $0xFFFFFF00, v24;
	v24 =	vshll.u32 v24, $0x4;
	v15 =	vand.u32 $0xFFFFFF00, v27;
	v19 =	vld [tilespmem:s18+$0x0]  }
0x255: {  	v30 =	vxor.u32 v9, v14;
	v14 =	vor.u32 v0, v21;
	v22 =	vand.u32 $0xFFFFFF00, v25;
	[tilespmem:v18+s13+$0x0] =	vst.idx.add.s32.msk vm1, v4  }
.Ltmp13:
0x256: {  	vm2 =	veq.s32 v30, $0x80000000;
	v21 =	vand.u32 $0xFFFFFF00, v23;
	v18 =	vand.u32 $0xFFFFFF00, v11;
	[tilespmem:v20+s13+$0x0] =	vst.idx.add.s32.msk vm5, v4;
	(pc) =	sbr.rel @p0 .LBB2_29-.Ltmp13, $4  }
0x257: {  	v23 =	vshll.u32 v23, $0x4;
	vm1 =	vlt.s32 v17, $0x80000100;
	v20 =	vor.u32 v0, v24;
	[tilespmem:v26+s13+$0x0] =	vst.idx.add.s32.msk vm4, v4  }
0x258: {  	v23 =	vor.u32 v0, v23;
	v24 =	vshll.u32 v27, $0x4;
	v17 =	vand.u32 $0xFFF, v20;
	[tilespmem:v29+s13+$0x0] =	vst.idx.add.s32.msk vm6, v4  }
0x259: {  	v21 =	vxor.u32 v9, v21;
	v20 =	vor.u32 v0, v24;
	[tilespmem:v12+s13+$0x0] =	vst.idx.add.s32.msk vm0, v4;
	v12 =	vand.u32 $0xFFF, v23  }
0x25a: {  	s19 =	simm.s32 $0x10;
	s18 =	sadd.s32 $0x80, s18;
	vm0 =	veq.s32 v21, $0x80000000;
	v21 =	vshll.u32 v19, $0x4;
	v23 =	vshll.u32 v25, $0x4;
	[tilespmem:v28+s13+$0x0] =	vst.idx.add.s32.msk vm3, v4  }
0x25b: {  	v13 =	vand.u32 $0xFFFFFF00, v13;
	v22 =	vxor.u32 v9, v22  }
0x25c: {  	v23 =	vor.u32 v0, v23;
	v16 =	vor.u32 v0, v16;
	v19 =	vand.u32 $0xFFFFFF00, v19  }
0x25d: {  	v15 =	vxor.u32 v9, v15;
	v11 =	vshll.u32 v11, $0x4;
	v13 =	vxor.u32 v9, v13  }
0x25e: {  	vm4 =	veq.s32 v15, $0x80000000;
	vm5 =	veq.s32 v13, $0x80000000;
	v13 =	vand.u32 $0xFFF, v14  }
0x25f: {  	vm3 =	veq.s32 v22, $0x80000000;
	v15 =	vand.u32 $0xFFF, v20;
	v14 =	vxor.u32 v9, v18  }
0x260: {  	v22 =	vand.u32 $0xFFF, v23;
	v11 =	vor.u32 v0, v11;
	vm6 =	veq.s32 v14, $0x80000000  }
0x261: {  	[tilespmem:v17+s13+$0x0] =	vst.idx.add.s32.msk vm2, v4;
	v17 =	vmov s19;
	v11 =	vand.u32 $0xFFF, v11;
	v14 =	vxor.u32 v9, v19  }
0x262: {  	s17 =	simm.s32 $0x0;
	[tilespmem:v12+s13+$0x0] =	vst.idx.add.s32.msk vm0, v4;
	v16 =	vand.u32 $0xFFF, v16;
	vm15 =	veq.s32 v14, $0x80000000;
	v14 =	vor.u32 v0, v21  }
0x263: {  	v17 =	vshll.u32 v17, $0x4;
	v14 =	vand.u32 $0xFFF, v14;
	[tilespmem:v13+s13+$0x0] =	vst.idx.add.s32.msk vm1, v4;
	v13 =	vmov s17  }
0x264: {  	[tilespmem:v15+s13+$0x0] =	vst.idx.add.s32.msk vm4, v4;
	v15 =	vor.u32 v5, v17;
	v13 =	vshll.u32 v13, $0x4  }
0x265: {  	[tilespmem:v22+s13+$0x0] =	vst.idx.add.s32.msk vm3, v4;
	v13 =	vor.u32 v5, v13  }
0x266: {  	[tilespmem:v11+s13+$0x0] =	vst.idx.add.s32.msk vm6, v4;
	v11 =	vor.u32 $0x1, v13  }
0x267: {  	[tilespmem:v16+s13+$0x0] =	vst.idx.add.s32.msk vm5, v4;
	v12 =	vor.u32 $0x2, v13  }
0x268: {  	[tilespmem:v14+s13+$0x0] =	vst.idx.add.s32.msk vm15, v4;
	v14 =	vor.u32 $0x3, v13  }
0x269: {  	v16 =	vor.u32 $0x4, v13;
	v17 =	vld.idx.msk [tilespmem:v15+s13+$0x0], $0xffff  }
0x26a: {  	v19 =	vor.u32 $0x5, v13;
	v18 =	vld.idx.msk [tilespmem:v13+s13+$0x0], $0xffff  }
0x26b: {  	v20 =	vor.u32 $0x6, v13;
	v11 =	vld.idx.msk [tilespmem:v11+s13+$0x0], $0xffff  }
0x26c: {  	v21 =	vor.u32 $0x7, v13;
	v12 =	vld.idx.msk [tilespmem:v12+s13+$0x0], $0xffff  }
0x26d: {  	v22 =	vor.u32 $0x8, v13;
	v14 =	vld.idx.msk [tilespmem:v14+s13+$0x0], $0xffff  }
0x26e: {  	v23 =	vor.u32 $0x9, v13;
	v16 =	vld.idx.msk [tilespmem:v16+s13+$0x0], $0xffff  }
0x26f: {  	v24 =	vor.u32 $0xA, v13;
	v19 =	vld.idx.msk [tilespmem:v19+s13+$0x0], $0xffff  }
0x270: {  	v25 =	vor.u32 $0xB, v13;
	v20 =	vld.idx.msk [tilespmem:v20+s13+$0x0], $0xffff  }
0x271: {  	v26 =	vor.u32 $0xC, v13;
	v21 =	vld.idx.msk [tilespmem:v21+s13+$0x0], $0xffff  }
0x272: {  	v11 =	vadd.s32 v18, v11;
	v18 =	vld.idx.msk [tilespmem:v22+s13+$0x0], $0xffff;
	v22 =	vor.u32 $0xD, v13  }
0x273: {  	v11 =	vadd.s32 v12, v11;
	v12 =	vld.idx.msk [tilespmem:v23+s13+$0x0], $0xffff;
	v23 =	vor.u32 $0xE, v13  }
0x274: {  	v13 =	vor.u32 $0xF, v13;
	v11 =	vadd.s32 v14, v11;
	v14 =	vld.idx.msk [tilespmem:v24+s13+$0x0], $0xffff  }
0x275: {  	v24 =	vor.u32 $0x1, v15;
	v11 =	vadd.s32 v16, v11;
	v16 =	vld.idx.msk [tilespmem:v25+s13+$0x0], $0xffff  }
0x276: {  	v27 =	vor.u32 $0x5, v15;
	v11 =	vadd.s32 v19, v11;
	v19 =	vld.idx.msk [tilespmem:v26+s13+$0x0], $0xffff  }
0x277: {  	v25 =	vor.u32 $0x2, v15;
	v11 =	vadd.s32 v20, v11;
	v20 =	vld.idx.msk [tilespmem:v22+s13+$0x0], $0xffff  }
0x278: {  	v26 =	vor.u32 $0x3, v15;
	v11 =	vadd.s32 v21, v11;
	v21 =	vld.idx.msk [tilespmem:v23+s13+$0x0], $0xffff  }
0x279: {  	v22 =	vor.u32 $0x4, v15;
	v11 =	vadd.s32 v18, v11;
	v18 =	vld.idx.msk [tilespmem:v13+s13+$0x0], $0xffff  }
0x27a: {  	v32 =	vor.u32 $0x8, v15;
	v29 =	vld.idx.msk [tilespmem:v24+s13+$0x0], $0xffff;
	v11 =	vadd.s32 v12, v11  }
0x27b: {  	v28 =	vor.u32 $0x6, v15;
	v24 =	vld.idx.msk [tilespmem:v27+s13+$0x0], $0xffff;
	v11 =	vadd.s32 v14, v11  }
0x27c: {  	v30 =	vor.u32 $0x7, v15;
	v31 =	vld.idx.msk [tilespmem:v25+s13+$0x0], $0xffff;
	v11 =	vadd.s32 v16, v11  }
0x27d: {  	v25 =	vld.idx.msk [tilespmem:v26+s13+$0x0], $0xffff;
	v11 =	vadd.s32 v19, v11;
	v19 =	vor.u32 $0x9, v15  }
0x27e: {  	v12 =	vor.u32 $0xA, v15;
	v23 =	vld.idx.msk [tilespmem:v22+s13+$0x0], $0xffff;
	v14 =	vadd.s32 v20, v11  }
0x27f: {  	v13 =	vor.u32 $0xB, v15;
	v22 =	vld.idx.msk [tilespmem:v32+s13+$0x0], $0xffff;
	v11 =	vor.u32 $0xC, v15;
	v16 =	vadd.s32 v21, v14  }
0x280: {  	s17 =	simm.s32 $0x11010;
	v20 =	vld.idx.msk [tilespmem:v28+s13+$0x0], $0xffff;
	v17 =	vadd.s32 v17, v29;
	v14 =	vor.u32 $0xD, v15;
	v18 =	vadd.s32 v18, v16  }
0x281: {  	s18 =	simm.s32 $0x0;
	s19 =	simm.s32 $0x30;
	v21 =	vld.idx.msk [tilespmem:v30+s13+$0x0], $0xffff;
	v27 =	vadd.s32 v31, v17;
	v16 =	vor.u32 $0xE, v15;
	v15 =	vor.u32 $0xF, v15;
	[tilespmem:s17+$0xFFFFFFF0] =	vst v18  }
.LBB2_31:
0x282: {  	s20 =	sadd.s32 $0xFFFFFFF0, s19;
	v17 =	vmov s19;
	s18 =	sadd.s32 $0x2, s18;
	v18 =	vadd.s32 v25, v27;
	v25 =	vld.idx.msk [tilespmem:v19+s13+$0x0], $0xffff  }
0x283: {  	v19 =	vmov s20;
	v17 =	vshll.u32 v17, $0x4;
	p0 =	slt.u32 s18, $0xE;
	v18 =	vadd.s32 v23, v18;
	v23 =	vld.idx.msk [tilespmem:v12+s13+$0x0], $0xffff  }
0x284: {  	v12 =	vshll.u32 v19, $0x4;
	v17 =	vor.u32 v5, v17;
	v18 =	vadd.s32 v24, v18;
	v24 =	vld.idx.msk [tilespmem:v13+s13+$0x0], $0xffff  }
0x285: {  	v26 =	vor.u32 v5, v12;
	v27 =	vor.u32 $0x1, v17;
	v28 =	vor.u32 $0x2, v17;
	v29 =	vld.idx.msk [tilespmem:v11+s13+$0x0], $0xffff  }
0x286: {  	v30 =	vor.u32 $0x3, v17;
	v31 =	vor.u32 $0x4, v17;
	v11 =	vor.u32 $0x1, v26;
	v32 =	vld.idx.msk [tilespmem:v14+s13+$0x0], $0xffff  }
0x287: {  	v33 =	vor.u32 $0x5, v17;
	v34 =	vor.u32 $0x6, v17;
	v14 =	vor.u32 $0x2, v26;
	v35 =	vld.idx.msk [tilespmem:v16+s13+$0x0], $0xffff  }
0x288: {  	v36 =	vor.u32 $0x7, v17;
	v37 =	vor.u32 $0x8, v17;
	v16 =	vor.u32 $0x3, v26;
	v38 =	vld.idx.msk [tilespmem:v15+s13+$0x0], $0xffff  }
0x289: {  	v19 =	vor.u32 $0x9, v17;
	v12 =	vor.u32 $0xA, v17;
	v15 =	vor.u32 $0x4, v26;
	v39 =	vld.idx.msk [tilespmem:v17+s13+$0x0], $0xffff  }
0x28a: {  	v13 =	vor.u32 $0xB, v17;
	v18 =	vadd.s32 v20, v18;
	v41 =	vor.u32 $0x5, v26;
	v40 =	vld.idx.msk [tilespmem:v26+s13+$0x0], $0xffff  }
0x28b: {  	v42 =	vor.u32 $0x6, v26;
	v18 =	vadd.s32 v21, v18;
	v20 =	vld.idx.msk [tilespmem:v11+s13+$0x0], $0xffff;
	v11 =	vor.u32 $0xC, v17  }
0x28c: {  	v43 =	vor.u32 $0x7, v26;
	v18 =	vadd.s32 v22, v18;
	v21 =	vld.idx.msk [tilespmem:v14+s13+$0x0], $0xffff;
	v14 =	vor.u32 $0xD, v17  }
0x28d: {  	v44 =	vor.u32 $0x8, v26;
	v18 =	vadd.s32 v25, v18;
	v22 =	vld.idx.msk [tilespmem:v16+s13+$0x0], $0xffff;
	v16 =	vor.u32 $0xE, v17  }
0x28e: {  	v45 =	vor.u32 $0x9, v26;
	v25 =	vld.idx.msk [tilespmem:v15+s13+$0x0], $0xffff;
	v15 =	vor.u32 $0xF, v17;
	v17 =	vadd.s32 v23, v18  }
0x28f: {  	v23 =	vor.u32 $0xA, v26;
	v18 =	vld.idx.msk [tilespmem:v41+s13+$0x0], $0xffff;
	v17 =	vadd.s32 v24, v17  }
0x290: {  	v41 =	vor.u32 $0xB, v26;
	v24 =	vld.idx.msk [tilespmem:v42+s13+$0x0], $0xffff;
	v17 =	vadd.s32 v29, v17  }
0x291: {  	v20 =	vadd.s32 v40, v20;
	v40 =	vor.u32 $0xC, v26;
	v29 =	vld.idx.msk [tilespmem:v43+s13+$0x0], $0xffff;
	v17 =	vadd.s32 v32, v17  }
0x292: {  	v20 =	vadd.s32 v21, v20;
	v32 =	vor.u32 $0xD, v26;
	v21 =	vld.idx.msk [tilespmem:v44+s13+$0x0], $0xffff;
	v17 =	vadd.s32 v35, v17  }
0x293: {  	v20 =	vadd.s32 v22, v20;
	v35 =	vor.u32 $0xE, v26;
	v22 =	vld.idx.msk [tilespmem:v45+s13+$0x0], $0xffff;
	v17 =	vadd.s32 v38, v17  }
0x294: {  	v20 =	vadd.s32 v25, v20;
	v25 =	vor.u32 $0xF, v26;
	v23 =	vld.idx.msk [tilespmem:v23+s13+$0x0], $0xffff;
	[tilespmem:s17+$0x0] =	vst v17  }
0x295: {  	v17 =	vadd.s32 v18, v20;
	v18 =	vld.idx.msk [tilespmem:v41+s13+$0x0], $0xffff  }
0x296: {  	v17 =	vadd.s32 v24, v17;
	v20 =	vld.idx.msk [tilespmem:v40+s13+$0x0], $0xffff  }
0x297: {  	v17 =	vadd.s32 v29, v17;
	v24 =	vld.idx.msk [tilespmem:v32+s13+$0x0], $0xffff  }
0x298: {  	v17 =	vadd.s32 v21, v17;
	v21 =	vld.idx.msk [tilespmem:v35+s13+$0x0], $0xffff  }
0x299: {  	v17 =	vadd.s32 v22, v17;
	v22 =	vld.idx.msk [tilespmem:v25+s13+$0x0], $0xffff  }
0x29a: {  	v17 =	vadd.s32 v23, v17;
	v26 =	vld.idx.msk [tilespmem:v27+s13+$0x0], $0xffff  }
0x29b: {  	v17 =	vadd.s32 v18, v17;
	v27 =	vld.idx.msk [tilespmem:v28+s13+$0x0], $0xffff  }
0x29c: {  	v17 =	vadd.s32 v20, v17;
	v25 =	vld.idx.msk [tilespmem:v30+s13+$0x0], $0xffff  }
.Ltmp14:
0x29d: {  	v17 =	vadd.s32 v24, v17;
	v23 =	vld.idx.msk [tilespmem:v31+s13+$0x0], $0xffff;
	(pc) =	sbr.rel @p0 .LBB2_31-.Ltmp14, $4  }
0x29e: {  	v17 =	vadd.s32 v21, v17;
	v24 =	vld.idx.msk [tilespmem:v33+s13+$0x0], $0xffff  }
0x29f: {  	s17 =	sadd.s32 $0x20, s17;
	v21 =	vadd.s32 v22, v17;
	v17 =	vimm.s32 $0xFFFFFFFF;
	v20 =	vld.idx.msk [tilespmem:v34+s13+$0x0], $0xffff  }
0x2a0: {  	s21 =	simm.s32 $0xF0;
	s20 =	simm.s32 $0x110F0;
	v18 =	vimm.s32 $0x1;
	v22 =	vadd.s32 v39, v26;
	v26 =	vimm.s32 $0x0;
	[tilespmem:s17+$0xFFFFFFF0] =	vst v21;
	v21 =	vld.idx.msk [tilespmem:v36+s13+$0x0], $0xffff  }
0x2a1: {  	s19 =	sadd.s32 $0x20, s19;
	v27 =	vadd.s32 v27, v22;
	v22 =	vld.idx.msk [tilespmem:v37+s13+$0x0], $0xffff  }
0x2a2: {  	_ =	sdelay $0x2  }
0x2a3: {  	v25 =	vadd.s32 v25, v27  }
0x2a4: {  	v19 =	vld.idx.msk [tilespmem:v19+s13+$0x0], $0xffff;
	v23 =	vadd.s32 v23, v25  }
0x2a5: {  	v12 =	vld.idx.msk [tilespmem:v12+s13+$0x0], $0xffff;
	v23 =	vadd.s32 v24, v23  }
0x2a6: {  	v13 =	vld.idx.msk [tilespmem:v13+s13+$0x0], $0xffff;
	v20 =	vadd.s32 v20, v23  }
0x2a7: {  	v11 =	vld.idx.msk [tilespmem:v11+s13+$0x0], $0xffff;
	v20 =	vadd.s32 v21, v20  }
0x2a8: {  	v14 =	vld.idx.msk [tilespmem:v14+s13+$0x0], $0xffff;
	v20 =	vadd.s32 v22, v20  }
0x2a9: {  	v16 =	vld.idx.msk [tilespmem:v16+s13+$0x0], $0xffff;
	v19 =	vadd.s32 v19, v20  }
0x2aa: {  	v15 =	vld.idx.msk [tilespmem:v15+s13+$0x0], $0xffff;
	v12 =	vadd.s32 v12, v19  }
0x2ab: {  	v12 =	vadd.s32 v13, v12  }
0x2ac: {  	v11 =	vadd.s32 v11, v12  }
0x2ad: {  	v11 =	vadd.s32 v14, v11  }
0x2ae: {  	v11 =	vadd.s32 v16, v11  }
0x2af: {  	v11 =	vadd.s32 v15, v11  }
0x2b0: {  	[tilespmem:s17+$0x0] =	vst v11  }
0x2b1: {  	v11 =	vld [tilespmem:s20+$0x0];
	_ =	sdelay $0x4  }
0x2b2: {  	s28 =	simm.s32 $0x110E0;
	(xrf0) =	vadd.scan.msk.s32 $0xffff, v11  }
0x2b3: {  	v13 =	vld [tilespmem:s28+$0x0];
	_ =	sdelay $0x4  }
0x2b4: {  	s29 =	simm.s32 $0x110D0;
	(xrf0) =	vadd.scan.msk.s32 $0xffff, v13;
	v15, _, _ =	vpop (xrf0)  }
0x2b5: {  	s30 =	simm.s32 $0x110C0;
	v14 =	vld [tilespmem:s29+$0x0];
	v16 =	vperm.xlane v15, v6  }
0x2b6: {  	v12 =	vld [tilespmem:s30+$0x0]  }
0x2b7: {  	v11 =	vsub.s32 v11, v15;
	v20 =	vadd.s32 v26, v16  }
0x2b8: {  	v11 =	vadd.s32 v20, v11  }
0x2b9: {  	vm0 =	vge.s32 v11, v10  }
0x2ba: {  	(xrf0) =	vadd.scan.msk.s32 $0xffff, v14;
	v16, _, _ =	vpop (xrf0);
	v21 =	vmpcnt.ones.xlane vm0  }
0x2bb: {  	s31 =	simm.s32 $0x110B0;
	(xrf0) =	vadd.scan.msk.s32 $0xffff, v12;
	v19 =	vperm.xlane v16, v6  }
0x2bc: {  	vm1 =	vlt.s32 v17, $0x0;
	v11 =	vld [tilespmem:s31+$0x0];
	v22 =	vadd.s32 $0xFFFFFFFF, v21  }
0x2bd: {  	v13 =	vsub.s32 v13, v16;
	v19 =	vadd.s32 v20, v19;
	vm0 =	vgt.s32 v22, $0x0  }
0x2be: {  	v24 =	vsub.s32 v10, v20;
	v13 =	vadd.s32 v19, v13;
	v23 =	vnsel vm0, $0x0, v22  }
0x2bf: {  	vm0 =	vge.s32 v13, v10;
	v22 =	vadd.s32 s21, v22;
	v25 =	vperm.xlane v15, v23  }
0x2c0: {  	s19 =	simm.s32 $0xD0;
	s18 =	simm.s32 $0xC0;
	s22 =	simm.s32 $0x110A0;
	v15, _, _ =	vpop (xrf0);
	v20 =	vmpcnt.ones.xlane vm0;
	vm0 =	vgt.s32 v21, $0x0;
	v21 =	vmov v19  }
0x2c1: {  	s17 =	simm.s32 $0xB0;
	s20 =	simm.s32 $0xE0;
	s21 =	simm.s32 $0xA0;
	(xrf0) =	vadd.scan.msk.s32 $0xffff, v11;
	v13, _, _ =	vpop (xrf0);
	v23 =	vperm.xlane v15, v6;
	vm0 =	vmand vm1, vm0;
	v24 =	vadd.s32 v25, v24  }
.LBB2_33:
0x2c2: {  	p0 =	sne.s32 s21, $0x0;
	v25 =	vadd.s32 $0xFFFFFFFF, v20;
	v17 =	vsel vm0, v22, v17;
	v18 =	vsel vm0, v24, v18;
	v22 =	vmovc v11;
	v11 =	vld [tilespmem:s22+$0x0];
	s23 =	smov.u32 s21;
	s21 =	sadd.s32 $0xFFFFFFF0, s21  }
.Ltmp15:
0x2c3: {  	v19 =	vadd.s32 v19, v23;
	v23 =	vsub.s32 v14, v15;
	vm0 =	vgt.s32 v25, $0x0;
	v14 =	vmovc v12;
	v12 =	vmovc v22;
	(pc) =	sbr.rel @p0 .LBB2_33-.Ltmp15, $4  }
0x2c4: {  	v24 =	vsub.s32 v10, v21;
	v22 =	vadd.s32 v19, v23;
	v23 =	vnsel vm0, $0x0, v25;
	v21 =	vmovc v19  }
0x2c5: {  	vm1 =	vlt.s32 v17, $0x0;
	vm0 =	vge.s32 v22, v10;
	v26 =	vperm.xlane v16, v23;
	v16 =	vmovc v15;
	v15 =	vmovc v13  }
0x2c6: {  	vm2 =	vgt.s32 v20, $0x0;
	v22 =	vadd.s32 s20, v25;
	s20 =	smov.u32 s19;
	s19 =	smov.u32 s18;
	s18 =	smov.u32 s17;
	v20 =	vmpcnt.ones.xlane vm0  }
0x2c7: {  	s22 =	sadd.s32 $0xFFFFFFF0, s22;
	s17 =	smov.u32 s23;
	v23 =	vperm.xlane v15, v6;
	vm0 =	vmand vm1, vm2;
	(xrf0) =	vadd.scan.msk.s32 $0xffff, v11;
	v13, _, _ =	vpop (xrf0);
	v24 =	vadd.s32 v26, v24  }
0x2c8: {  	v25 =	vadd.s32 $0xFFFFFFFF, v20;
	v17 =	vsel vm0, v22, v17  }
0x2c9: {  	v14 =	vsub.s32 v14, v15;
	v18 =	vsel vm0, v24, v18;
	v19 =	vadd.s32 v19, v23  }
0x2ca: {  	v21 =	vsub.s32 v10, v21;
	vm0 =	vgt.s32 v25, $0x0;
	v14 =	vadd.s32 v19, v14  }
0x2cb: {  	v12 =	vsub.s32 v12, v13;
	v22 =	vnsel vm0, $0x0, v25;
	vm0 =	vge.s32 v14, v10  }
0x2cc: {  	vm1 =	vlt.s32 v17, $0x0;
	v14 =	vperm.xlane v16, v22;
	v16 =	vmpcnt.ones.xlane vm0  }
0x2cd: {  	v22 =	vperm.xlane v13, v6;
	vm0 =	vgt.s32 v20, $0x0;
	v20 =	vadd.s32 s20, v25  }
0x2ce: {  	vm0 =	vmand vm1, vm0;
	v14 =	vadd.s32 v14, v21;
	v21 =	vadd.s32 $0xFFFFFFFF, v16  }
0x2cf: {  	v17 =	vsel vm0, v20, v17;
	v20 =	vadd.s32 v19, v22;
	v14 =	vsel vm0, v14, v18  }
0x2d0: {  	v18, _, _ =	vpop (xrf0);
	v19 =	vsub.s32 v10, v19;
	vm0 =	vgt.s32 v21, $0x0;
	v12 =	vadd.s32 v20, v12  }
0x2d1: {  	vm1 =	vlt.s32 v17, $0x0;
	v11 =	vsub.s32 v11, v18;
	v22 =	vnsel vm0, $0x0, v21  }
0x2d2: {  	vm0 =	vge.s32 v12, v10;
	v12 =	vperm.xlane v15, v22;
	v15 =	vperm.xlane v18, v6  }
0x2d3: {  	v22 =	vmpcnt.ones.xlane vm0;
	vm0 =	vgt.s32 v16, $0x0;
	v16 =	vadd.s32 s19, v21  }
0x2d4: {  	vm0 =	vmand vm1, vm0;
	v15 =	vadd.s32 v20, v15;
	v12 =	vadd.s32 v12, v19  }
0x2d5: {  	v19 =	vadd.s32 $0xFFFFFFFF, v22;
	v16 =	vsel vm0, v16, v17;
	v11 =	vadd.s32 v15, v11  }
0x2d6: {  	s31 =	simm.s32 $0x8040;
	v17 =	vsub.s32 v10, v20;
	vm1 =	vgt.s32 v19, $0x0;
	vm2 =	vge.s32 v11, v10  }
0x2d7: {  	v21 =	vld [tilespmem:s31+$0x30];
	v11 =	vsel vm0, v12, v14;
	v12 =	vnsel vm1, $0x0, v19;
	vm0 =	vlt.s32 v16, $0x0  }
0x2d8: {  	vm1 =	vgt.s32 v22, $0x0;
	v10 =	vsub.s32 v10, v15;
	v15 =	vld [tilespmem:s31+$0x0];
	v14 =	vmpcnt.ones.xlane vm2  }
0x2d9: {  	v19 =	vadd.s32 s18, v19;
	v22 =	vld [tilespmem:s31+$0x10];
	vm0 =	vmand vm0, vm1;
	v12 =	vperm.xlane v13, v12  }
0x2da: {  	v13 =	vsel vm0, v19, v16;
	v16 =	vld [tilespmem:s31+$0xFFFFFFD0];
	v20 =	vadd.s32 $0xFFFFFFFF, v14  }
0x2db: {  	vm2 =	vgt.s32 v14, $0x0;
	v12 =	vadd.s32 v12, v17;
	v17 =	vld [tilespmem:s31+$0xFFFFFFF0];
	vm1 =	vgt.s32 v20, $0x0  }
0x2dc: {  	v11 =	vsel vm0, v12, v11;
	v12 =	vimm.f32 $0.0e+00;
	v19 =	vnsel vm1, $0x0, v20  }
0x2dd: {  	vm1 =	vlt.s32 v13, $0x0;
	vm3 =	vlt.s32 v15, $0x0;
	v14 =	vperm.xlane v18, v19  }
0x2de: {  	v27 =	vxor.u32 $0x7FFFFFFF, v22;
	v18 =	vadd.s32 s17, v20;
	vm1 =	vmand vm1, vm2  }
0x2df: {  	v19 =	vld [tilespmem:s31+$0x20];
	v20 =	vxor.u32 $0x7FFFFFFF, v21;
	v13 =	vsel vm1, v18, v13;
	v10 =	vadd.s32 v14, v10  }
0x2e0: {  	v9 =	vor.u32 v9, v13;
	v13 =	vxor.u32 $0x7FFFFFFF, v16;
	v25 =	vxor.u32 $0x7FFFFFFF, v17  }
0x2e1: {  	v18 =	vld [tilespmem:s31+$0xFFFFFFE0];
	v11 =	vsel vm1, v10, v11;
	v10 =	vxor.u32 $0x80000000, v9;
	vm1 =	vlt.s32 v16, $0x0  }
0x2e2: {  	vm0 =	vgt.s32 v16, v10;
	v13 =	vsel vm1, v13, v16;
	vm1 =	vlt.s32 v21, $0x0  }
0x2e3: {  	v16 =	vxor.u32 $0x7FFFFFFF, v15;
	vm2 =	vgt.s32 v17, v10;
	vm4 =	vgt.s32 v15, v10  }
0x2e4: {  	vm6 =	vlt.s32 v19, $0x0;
	v13 =	vnsel vm0, $0x0, v13;
	vm0 =	vgt.s32 v19, v10  }
0x2e5: {  	v14 =	vld [tilespmem:s31+$0xFFFFFFC0];
	v20 =	vsel vm1, v20, v21;
	v16 =	vsel vm3, v16, v15;
	v23 =	vxor.u32 $0x7FFFFFFF, v19  }
0x2e6: {  	vm1 =	vgt.s32 v21, v10;
	v13 =	vadd.f32 v13, v12;
	vm3 =	vgt.s32 v18, v10  }
0x2e7: {  	v21 =	vxor.u32 $0x7FFFFFFF, v18;
	v15 =	vnsel vm4, $0x0, v16;
	vm4 =	vlt.s32 v22, $0x0  }
0x2e8: {  	vm7 =	vlt.s32 v18, $0x0;
	v24 =	vsel vm6, v23, v19;
	vm6 =	vlt.s32 v17, $0x0  }
0x2e9: {  	v16 =	vimm.f32 $0.0e+00;
	v23 =	vimm.f32 $0.0e+00;
	v19 =	vimm.f32 $0.0e+00  }
0x2ea: {  	vm5 =	vlt.s32 v14, $0x0;
	v15 =	vadd.f32 v15, v12;
	v26 =	vxor.u32 $0x7FFFFFFF, v14  }
0x2eb: {  	s18 =	simm.s32 $0x80C0;
	s17 =	simm.s32 $0x0;
	v28 =	vsel vm7, v21, v18;
	v21 =	vimm.f32 $0.0e+00;
	v18 =	vimm.f32 $0.0e+00  }
.LBB2_35:
0x2ec: {  	v29 =	vld [tilespmem:s18+$0xFFFFFFD0];
	s17 =	sadd.s32 $0x8, s17;
	v28 =	vnsel vm3, $0x0, v28;
	v17 =	vsel vm6, v25, v17;
	vm3 =	vgt.s32 v22, v10  }
0x2ed: {  	v22 =	vsel vm4, v27, v22;
	v25 =	vld [tilespmem:s18+$0x30];
	p0 =	slt.u32 s17, $0x7F8;
	v12 =	vadd.f32 v28, v12;
	v17 =	vnsel vm2, $0x0, v17  }
0x2ee: {  	v26 =	vsel vm5, v26, v14;
	v27 =	vld [tilespmem:s18+$0x20];
	v21 =	vadd.f32 v17, v21;
	v17 =	vnsel vm3, $0x0, v22  }
0x2ef: {  	vm2 =	vgt.s32 v14, v10;
	v28 =	vld [tilespmem:s18+$0x0];
	v18 =	vadd.f32 v17, v18;
	v17 =	vnsel vm1, $0x0, v20  }
0x2f0: {  	v22 =	vnsel vm0, $0x0, v24;
	v20 =	vnsel vm2, $0x0, v26;
	v14 =	vld [tilespmem:s18+$0xFFFFFFC0];
	v16 =	vadd.f32 v17, v16  }
0x2f1: {  	v23 =	vadd.f32 v20, v23;
	v24 =	vxor.u32 $0x7FFFFFFF, v29;
	vm0 =	vgt.s32 v29, v10;
	v17 =	vld [tilespmem:s18+$0xFFFFFFF0]  }
0x2f2: {  	v19 =	vadd.f32 v22, v19;
	vm1 =	vlt.s32 v29, $0x0;
	v30 =	vld [tilespmem:s18+$0xFFFFFFE0];
	v20 =	vxor.u32 $0x7FFFFFFF, v25  }
0x2f3: {  	v22 =	vsel vm1, v24, v29;
	vm1 =	vlt.s32 v25, $0x0;
	vm6 =	vlt.s32 v27, $0x0  }
0x2f4: {  	v24 =	vnsel vm0, $0x0, v22;
	vm0 =	vgt.s32 v27, v10;
	vm3 =	vlt.s32 v28, $0x0;
	v22 =	vld [tilespmem:s18+$0x10]  }
0x2f5: {  	v20 =	vsel vm1, v20, v25;
	v13 =	vadd.f32 v24, v13;
	v24 =	vxor.u32 $0x7FFFFFFF, v28  }
0x2f6: {  	v29 =	vxor.u32 $0x7FFFFFFF, v27;
	v24 =	vsel vm3, v24, v28;
	vm2 =	vgt.s32 v17, v10  }
.Ltmp16:
0x2f7: {  	vm1 =	vgt.s32 v25, v10;
	vm4 =	vgt.s32 v28, v10;
	vm3 =	vgt.s32 v30, v10;
	(pc) =	sbr.rel @p0 .LBB2_35-.Ltmp16, $4  }
0x2f8: {  	v25 =	vxor.u32 $0x7FFFFFFF, v17;
	v24 =	vnsel vm4, $0x0, v24;
	v28 =	vxor.u32 $0x7FFFFFFF, v30  }
0x2f9: {  	vm5 =	vlt.s32 v14, $0x0;
	v15 =	vadd.f32 v24, v15;
	vm4 =	vlt.s32 v22, $0x0  }
0x2fa: {  	v26 =	vxor.u32 $0x7FFFFFFF, v14;
	vm7 =	vlt.s32 v30, $0x0;
	v24 =	vsel vm6, v29, v27  }
0x2fb: {  	s18 =	sadd.s32 $0x80, s18;
	vm6 =	vlt.s32 v17, $0x0;
	v28 =	vsel vm7, v28, v30;
	v27 =	vxor.u32 $0x7FFFFFFF, v22  }
0x2fc: {  	v26 =	vsel vm5, v26, v14;
	vm12 =	vgt.s32 v14, v10  }
0x2fd: {  	v14 =	vnsel vm12, $0x0, v26  }
0x2fe: {  	v14 =	vadd.f32 v14, v23  }
0x2ff: {  	v55 =	vnsel vm3, $0x0, v28  }
0x300: {  	v17 =	vsel vm6, v25, v17;
	v12 =	vadd.f32 v55, v12;
	v13 =	vadd.f32 v13, v14  }
0x301: {  	v56 =	vnsel vm2, $0x0, v17  }
0x302: {  	v14 =	vadd.f32 v56, v21;
	v12 =	vadd.f32 v12, v13;
	_ =	sdelay $0x1  }
0x303: {  	vm13 =	vgt.s32 v22, v10;
	v57 =	vsel vm4, v27, v22;
	v12 =	vadd.f32 v14, v12  }
0x304: {  	v13 =	vnsel vm13, $0x0, v57  }
0x305: {  	v13 =	vadd.f32 v13, v18;
	v12 =	vadd.f32 v15, v12  }
0x306: {  	v58 =	vnsel vm0, $0x0, v24  }
0x307: {  	v14 =	vadd.f32 v58, v19;
	v12 =	vadd.f32 v13, v12  }
0x308: {  	v59 =	vnsel vm1, $0x0, v20  }
0x309: {  	v13 =	vadd.f32 v59, v16;
	v12 =	vadd.f32 v14, v12;
	_ =	sdelay $0x1  }
0x30a: {  	v12 =	vadd.f32 v13, v12;
	_ =	sdelay $0x1  }
0x30b: {  	(xrf2) =	vadd.scan.msk.f32 $0xffff, v12;
	_ =	sdelay $0x2  }
0x30c: {  	v8 =	vcvt.s32.f32 v8;
	_ =	sdelay $0x1  }
0x30d: {  	(erf) = vrcp.f32 v8;
	_ =	sdelay $0x3  }
0x30e: {  	vm14 =	vlt.s32 v9, $0x0;
	v60 =	vcvt.s32.f32 v11;
	v8 =	vxor.u32 $0xFFFFFFFF, v9  }
0x30f: {  	v8 =	vsel vm14, v10, v8;
	v61, _, _ =	vpop (xrf2)  }
0x310: {  	v63 =	vmov s16;
	s16 =	sadd.s32 $0x1, s16;
	v8 =	vmul.f32 v8, v60;
	v10 =	vbroadcast v61, $0xF  }
0x311: {  	p0 =	sne.s32 s16, $0x4  }
.Ltmp17:
0x312: {  	v8 =	vadd.f32 v10, v8;
	(pc) =	sbr.rel @p0 .LBB2_2-.Ltmp17, $4  }
0x313: {  	v62 =	vpop (erf)  }
0x314: {  	v8 =	vmul.f32 v8, v62  }
0x315: {  	vm15 =	veq.s32 v63, v0  }
0x316: {  	v7 =	vsel vm15, v8, v7  }
0x317: {  	s15 =	sadd.s32 $0x1, s15  }
0x318: {  	p0 =	sne.s32 s15, s8  }
.Ltmp18:
0x319: {  	[tilespmem:$0x11180] =	vst v7;
	(pc) =	sbr.rel @p0 .LBB2_1-.Ltmp18, $4  }
0x31a: {  	[hbm4b:s7+s3] =	stream.linear.scatter [tilespmem:s14], [sflag:$0x2], $0x80, $0x38;
	[tilespmem:$0x11200] =	vst v63  }
0x31b: {  	_ =	swait.ge [sflag:s10], $0x80  }
0x31c: {  	[sflag:s10] =	ssyncset.done $0x0  }
0x31d: {  	[sflag:s10] =	ssyncadd.s32 $0xFFFFFF80  }
0x31e: {  	_ =	sfence.sel $0x180000  }
0x31f: {  	[bflag:$0x0] =	sbarrier.arrive $0xFFFF  }
0x320: {  	p0 =	sne.s32 s1, $0x0;
	_ =	strace $0x90000047  }
0x321: {  	s0 =	sadd.s32 @!p0 $0x100000, s0;
	[bflag:$0x2] =	sbarrier.arrive $0xFFFF  }
0x322: {  	[sflag:s0] =	ssyncadd.tile.s32 @!p0 $0x1;
	_ =	shalt  }
.Lfunc_end2:
_tile_overlayer_lowered:
.L_overlay_start_2:
0x323: {  	(tag) =	ssettag $0x2  }
0x324: {  	s0 =	rddreg [dreg:$0x0];
	s2 =	stileid.u32  }
0x325: {  	s1 =	rddreg [dreg:$0x1];
	p0 =	sne.s32 s2, $0x0  }
0x326: {  	s3 =	rddreg [dreg:$0x2];
	[bflag:$0x3] =	sbarrier.arrive $0xFFFF;
	s2 =	simm.s32 @!p0 $0x1C02  }
0x327: {  	[timem:s3], [sflag:s2] =	dma.local @!p0 [hbm:s0], s1  }
0x328: {  	s0 =	simm.s32 @!p0 $0x2  }
0x329: {  	_ =	swait.ge @!p0 [sflag:s0], s1  }
0x32a: {  	s1 =	ssub.s32 @!p0 $0x0, s1;
	[sflag:s0] =	ssyncset.done @!p0 $0x0  }
0x32b: {  	[sflag:s0] =	ssyncadd.s32 @!p0 s1  }
0x32c: {  	[bflag:$0x3] =	sbarrier.arrive $0xFFFF  }
0x32d: {  	_ =	shalt  }

</sc_bundles>
